<compile_context>
chip_gen: v7x
topology: tpu7x:2x2x1
jax: 0.10.2.dev20260603
libtpu: 0.0.44.dev20260713+nightly
codegen_flags: <defaults>
</compile_context>

<pallas_src>
import functools

import jax
import jax.numpy as jnp
from jax import lax
from jax.experimental import pallas as pl
from jax.experimental.pallas import tpu as pltpu
from jax.experimental.pallas import tpu_sc as plsc

D_MODEL = 1024
NUM_TYPES = 8
B_TOTAL = 4 * 8192

NUM_CORES = 2
NUM_SUBCORES = 16
NUM_WORKERS = NUM_CORES * NUM_SUBCORES
B_PER_W = B_TOTAL // NUM_WORKERS
LANES = 16
CHUNK = 32
HALF = 16
N_CHUNKS = B_PER_W // CHUNK
N_PAIRS = N_CHUNKS // 2
COL_STEPS = D_MODEL // LANES


@functools.partial(
    pl.kernel,
    mesh=plsc.VectorSubcoreMesh(core_axis_name="c", subcore_axis_name="s"),
    out_type=jax.ShapeDtypeStruct((B_TOTAL, D_MODEL), jnp.float32),
    scratch_types=[
        pltpu.VMEM((B_PER_W,), jnp.int32),
        pltpu.VMEM((NUM_TYPES, D_MODEL), jnp.float32),
        pltpu.VMEM((CHUNK, D_MODEL), jnp.float32),
        pltpu.VMEM((CHUNK, D_MODEL), jnp.float32),
        pltpu.SemaphoreType.DMA,
        pltpu.SemaphoreType.DMA,
    ],
)
def _emb_lookup(idx_hbm, table_hbm, out_hbm, idx_v, table_v, buf0, buf1, s0, s1):
    wid = lax.axis_index("s") * NUM_CORES + lax.axis_index("c")
    base = wid * B_PER_W
    pltpu.sync_copy(idx_hbm.at[pl.ds(base, B_PER_W)], idx_v)
    pltpu.sync_copy(table_hbm, table_v)

    bufs = (buf0, buf1)
    ssems = (s0, s1)

    def fill_half(i, b, h):
        buf = bufs[b]
        vec = idx_v[pl.ds(i * CHUNK + h * HALF, HALF)]
        rows = [table_v.at[vec[j]] for j in range(HALF)]

        @plsc.parallel_loop(0, COL_STEPS, unroll=8)
        def col_body(u):
            c = u * LANES
            for j in range(HALF):
                buf[h * HALF + j, pl.ds(c, LANES)] = rows[j][pl.ds(c, LANES)]

    def fill_chunk(i, b):
        fill_half(i, b, 0)
        fill_half(i, b, 1)

    def start_store(i, b):
        pltpu.async_copy(
            bufs[b], out_hbm.at[pl.ds(base + i * CHUNK, CHUNK)], ssems[b]
        )

    def wait_store(b):
        pltpu.make_async_copy(
            bufs[b], out_hbm.at[pl.ds(base, CHUNK)], ssems[b]
        ).wait()

    def body(p, carry):
        for b in range(2):
            i = 2 * p + b

            @pl.when(p >= 1)
            def _():
                wait_store(b)

            fill_chunk(i, b)
            start_store(i, b)
        return carry

    lax.fori_loop(0, N_PAIRS, body, 0)

    for b in range(2):
        wait_store(b)


def kernel(token_types, type_embedding_weight):
    flat_idx = token_types.reshape(B_TOTAL).astype(jnp.int32)
    out = _emb_lookup(flat_idx, type_embedding_weight)
    return out.reshape(token_types.shape + (D_MODEL,))

# --- scband reference (transcript-rebuilt; emitter-appended) ---
"""Pipeline reference for scband-token-type-embedding-77601469104315 (READ-ONLY COPY).

The authoritative reference and input builder live on the scoring server;
editing this copy changes nothing except your own understanding.
"""

import jax, jax.numpy as jnp
import numpy as np

D_MODEL = 1024
NUM_TYPES = 8

def setup_inputs(seed: int = 0) -> dict:
    key = jax.random.key(seed)
    k1, k2 = jax.random.split(key)
    token_types = jax.random.randint(k1, (4, 8192), 0, NUM_TYPES, dtype=jnp.int64 if jax.config.jax_enable_x64 else jnp.int32)
    # nn.Embedding default init: N(0, 1)
    type_embedding_weight = jax.random.normal(k2, (NUM_TYPES, D_MODEL), dtype=jnp.float32)
    return {"token_types": token_types, "type_embedding_weight": type_embedding_weight}

def reference(token_types, type_embedding_weight):
    # Faithful translation of nn.Embedding lookup: weight[indices]
    return jnp.take(type_embedding_weight, token_types, axis=0)

if __name__ == "__main__":
    import jax
    _d = setup_inputs()
    print(jax.jit(kernel)(*tuple(_d.values())))

</pallas_src>

<mosaic_0001>
#map = affine_map<(d0, d1) -> (0)>
#map1 = affine_map<(d0, d1) -> (0, 0)>
module attributes {stable_mosaic.version = 14 : i64} {
  func.func @_emb_lookup(%arg0: i32, %arg1: i32, %arg2: memref<32768xi32, #tpu.memory_space<hbm>>, %arg3: memref<8x1024xf32, #tpu.memory_space<hbm>>, %arg4: memref<32768x1024xf32, #tpu.memory_space<hbm>>, %arg5: memref<1024xi32, #tpu.memory_space<vmem>>, %arg6: memref<8x1024xf32, #tpu.memory_space<vmem>>, %arg7: memref<32x1024xf32, #tpu.memory_space<vmem>>, %arg8: memref<32x1024xf32, #tpu.memory_space<vmem>>, %arg9: memref<!tpu.dma_semaphore, #tpu.memory_space<semaphore_mem>>, %arg10: memref<!tpu.dma_semaphore, #tpu.memory_space<semaphore_mem>>) attributes {dimension_semantics = [#tpu.dimension_semantics<core_parallel>, #tpu.dimension_semantics<subcore_parallel>], iteration_bounds = array<i64: 2, 16>, scalar_prefetch = 0 : i64, scratch_operands = 6 : i64, tpu.core_type = #tpu.core_type<sc_vector_subcore>, window_params = [{transform_indices = #map}, {transform_indices = #map1}, {transform_indices = #map1}]} {
    %mul3A = arith.constant 2 : i32
    %mul3A_0 = arith.muli %arg1, %mul3A : i32
    %add3A = arith.addi %mul3A_0, %arg0 : i32
    %mul3A_1 = arith.constant 1024 : i32
    %mul3A_2 = arith.muli %add3A, %mul3A_1 : i32
    "tpu.region"() ({
      %run_scoped3A = tpu.sem_alloc : memref<!tpu.dma_semaphore, #tpu.memory_space<semaphore_mem>>
      %dma_start3A = tpu.memref_slice %arg2[%mul3A_2] : memref<32768xi32, #tpu.memory_space<hbm>> -> memref<1024xi32, #tpu.memory_space<hbm>>
      %dma_start3A_15 = tpu.memref_slice %arg2[%mul3A_2] : memref<32768xi32, #tpu.memory_space<hbm>> -> memref<1024xi32, #tpu.memory_space<hbm>>
      tpu.enqueue_dma source(%dma_start3A_15 : memref<1024xi32, #tpu.memory_space<hbm>>) target(%arg5 : memref<1024xi32, #tpu.memory_space<vmem>>) target_semaphore(%run_scoped3A : memref<!tpu.dma_semaphore, #tpu.memory_space<semaphore_mem>>)
      %dma_wait3A_16 = tpu.memref_slice %arg2[%mul3A_2] : memref<32768xi32, #tpu.memory_space<hbm>> -> memref<1024xi32, #tpu.memory_space<hbm>>
      %dma_wait3A_17 = tpu.memref_slice %arg2[%mul3A_2] : memref<32768xi32, #tpu.memory_space<hbm>> -> memref<1024xi32, #tpu.memory_space<hbm>>
      tpu.wait_dma2 semaphore(%run_scoped3A : memref<!tpu.dma_semaphore, #tpu.memory_space<semaphore_mem>>) src(%dma_wait3A_17 : memref<1024xi32, #tpu.memory_space<hbm>>) dst(%arg5 : memref<1024xi32, #tpu.memory_space<vmem>>)
      tpu.yield
    }) : () -> ()
    "tpu.region"() ({
      %run_scoped3A = tpu.sem_alloc : memref<!tpu.dma_semaphore, #tpu.memory_space<semaphore_mem>>
      tpu.enqueue_dma source(%arg3 : memref<8x1024xf32, #tpu.memory_space<hbm>>) target(%arg6 : memref<8x1024xf32, #tpu.memory_space<vmem>>) target_semaphore(%run_scoped3A : memref<!tpu.dma_semaphore, #tpu.memory_space<semaphore_mem>>)
      tpu.wait_dma2 semaphore(%run_scoped3A : memref<!tpu.dma_semaphore, #tpu.memory_space<semaphore_mem>>) src(%arg3 : memref<8x1024xf32, #tpu.memory_space<hbm>>) dst(%arg6 : memref<8x1024xf32, #tpu.memory_space<vmem>>)
      tpu.yield
    }) : () -> ()
    %scan3A = arith.constant 0 : i32
    %scan3A_3 = arith.constant 0 : i32
    %scan3A_4 = arith.constant 16 : i32
    %scan3A_5 = arith.addi %scan3A_3, %scan3A_4 : i32
    %scan3A_6 = arith.constant 1 : i32
    scf.for %scan3A_15 = %scan3A_3 to %scan3A_5 step %scan3A_6  : i32 {
      %mul3A_16 = arith.constant 2 : i32
      %mul3A_17 = arith.muli %mul3A_16, %scan3A_15 : i32
      %add3A_18 = arith.constant 0 : i32
      %add3A_19 = arith.addi %mul3A_17, %add3A_18 : i32
      %ge3A = arith.constant 1 : i32
      %ge3A_20 = arith.cmpi sge, %scan3A_15, %ge3A : i32
      %convert_element_type3A = arith.extui %ge3A_20 : i1 to i32
      %cond3A = arith.constant 0 : i32
      %cond3A_21 = arith.cmpi ne, %convert_element_type3A, %cond3A : i32
      scf.if %cond3A_21 {
        %dma_wait3A_208 = arith.constant 0 : i32
        %dma_wait3A_209 = tpu.memref_slice %arg4[%mul3A_2, %dma_wait3A_208] : memref<32768x1024xf32, #tpu.memory_space<hbm>> -> memref<32x1024xf32, #tpu.memory_space<hbm>>
        %dma_wait3A_210 = arith.constant 0 : i32
        %dma_wait3A_211 = tpu.memref_slice %arg4[%mul3A_2, %dma_wait3A_210] : memref<32768x1024xf32, #tpu.memory_space<hbm>> -> memref<32x1024xf32, #tpu.memory_space<hbm>>
        tpu.wait_dma2 semaphore(%arg9 : memref<!tpu.dma_semaphore, #tpu.memory_space<semaphore_mem>>) src(%arg7 : memref<32x1024xf32, #tpu.memory_space<vmem>>) dst(%dma_wait3A_211 : memref<32x1024xf32, #tpu.memory_space<hbm>>)
      } else {
      }
      %mul3A_22 = arith.constant 32 : i32
      %mul3A_23 = arith.muli %add3A_19, %mul3A_22 : i32
      %add3A_24 = arith.constant 0 : i32
      %add3A_25 = arith.addi %mul3A_23, %add3A_24 : i32
      %get3A = arith.index_cast %add3A_25 : i32 to index
      %get3A_26 = tpu.vector_load %arg5[%get3A] {strides = array<i32>} : memref<1024xi32, #tpu.memory_space<vmem>>, vector<16xi32>,
      %get3A_27 = vector.shape_cast %get3A_26 : vector<16xi32> to vector<16xi32>
      %slice3A = vector.extract_strided_slice %get3A_27 {offsets = [0], sizes = [1], strides = [1]} : vector<16xi32> to vector<1xi32>
      %squeeze3A = vector.extract %slice3A[0] : i32 from vector<1xi32>
      %slice3A_28 = vector.extract_strided_slice %get3A_27 {offsets = [1], sizes = [1], strides = [1]} : vector<16xi32> to vector<1xi32>
      %squeeze3A_29 = vector.extract %slice3A_28[0] : i32 from vector<1xi32>
      %slice3A_30 = vector.extract_strided_slice %get3A_27 {offsets = [2], sizes = [1], strides = [1]} : vector<16xi32> to vector<1xi32>
      %squeeze3A_31 = vector.extract %slice3A_30[0] : i32 from vector<1xi32>
      %slice3A_32 = vector.extract_strided_slice %get3A_27 {offsets = [3], sizes = [1], strides = [1]} : vector<16xi32> to vector<1xi32>
      %squeeze3A_33 = vector.extract %slice3A_32[0] : i32 from vector<1xi32>
      %slice3A_34 = vector.extract_strided_slice %get3A_27 {offsets = [4], sizes = [1], strides = [1]} : vector<16xi32> to vector<1xi32>
      %squeeze3A_35 = vector.extract %slice3A_34[0] : i32 from vector<1xi32>
      %slice3A_36 = vector.extract_strided_slice %get3A_27 {offsets = [5], sizes = [1], strides = [1]} : vector<16xi32> to vector<1xi32>
      %squeeze3A_37 = vector.extract %slice3A_36[0] : i32 from vector<1xi32>
      %slice3A_38 = vector.extract_strided_slice %get3A_27 {offsets = [6], sizes = [1], strides = [1]} : vector<16xi32> to vector<1xi32>
      %squeeze3A_39 = vector.extract %slice3A_38[0] : i32 from vector<1xi32>
      %slice3A_40 = vector.extract_strided_slice %get3A_27 {offsets = [7], sizes = [1], strides = [1]} : vector<16xi32> to vector<1xi32>
      %squeeze3A_41 = vector.extract %slice3A_40[0] : i32 from vector<1xi32>
      %slice3A_42 = vector.extract_strided_slice %get3A_27 {offsets = [8], sizes = [1], strides = [1]} : vector<16xi32> to vector<1xi32>
      %squeeze3A_43 = vector.extract %slice3A_42[0] : i32 from vector<1xi32>
      %slice3A_44 = vector.extract_strided_slice %get3A_27 {offsets = [9], sizes = [1], strides = [1]} : vector<16xi32> to vector<1xi32>
      %squeeze3A_45 = vector.extract %slice3A_44[0] : i32 from vector<1xi32>
      %slice3A_46 = vector.extract_strided_slice %get3A_27 {offsets = [10], sizes = [1], strides = [1]} : vector<16xi32> to vector<1xi32>
      %squeeze3A_47 = vector.extract %slice3A_46[0] : i32 from vector<1xi32>
      %slice3A_48 = vector.extract_strided_slice %get3A_27 {offsets = [11], sizes = [1], strides = [1]} : vector<16xi32> to vector<1xi32>
      %squeeze3A_49 = vector.extract %slice3A_48[0] : i32 from vector<1xi32>
      %slice3A_50 = vector.extract_strided_slice %get3A_27 {offsets = [12], sizes = [1], strides = [1]} : vector<16xi32> to vector<1xi32>
      %squeeze3A_51 = vector.extract %slice3A_50[0] : i32 from vector<1xi32>
      %slice3A_52 = vector.extract_strided_slice %get3A_27 {offsets = [13], sizes = [1], strides = [1]} : vector<16xi32> to vector<1xi32>
      %squeeze3A_53 = vector.extract %slice3A_52[0] : i32 from vector<1xi32>
      %slice3A_54 = vector.extract_strided_slice %get3A_27 {offsets = [14], sizes = [1], strides = [1]} : vector<16xi32> to vector<1xi32>
      %squeeze3A_55 = vector.extract %slice3A_54[0] : i32 from vector<1xi32>
      %slice3A_56 = vector.extract_strided_slice %get3A_27 {offsets = [15], sizes = [1], strides = [1]} : vector<16xi32> to vector<1xi32>
      %squeeze3A_57 = vector.extract %slice3A_56[0] : i32 from vector<1xi32>
      %parallel_loop3A = arith.constant 0 : i32
      %parallel_loop3A_58 = arith.constant 64 : i32
      %parallel_loop3A_59 = arith.constant 1 : i32
      scf.for %parallel_loop3A_208 = %parallel_loop3A to %parallel_loop3A_58 step %parallel_loop3A_59  : i32 {
        %parallel_loop3A_209 = arith.constant 16 : i32
        %parallel_loop3A_210 = arith.muli %parallel_loop3A_208, %parallel_loop3A_209 : i32
        %parallel_loop3A_211 = arith.constant 0 : i32
        %parallel_loop3A_212 = tpu.memref_slice %arg6[%squeeze3A, %parallel_loop3A_211] : memref<8x1024xf32, #tpu.memory_space<vmem>> -> memref<1x1024xf32, #tpu.memory_space<vmem>>
        %parallel_loop3A_213 = tpu.memref_squeeze %parallel_loop3A_212 : memref<1x1024xf32, #tpu.memory_space<vmem>> -> memref<1024xf32, #tpu.memory_space<vmem>>
        %parallel_loop3A_214 = arith.index_cast %parallel_loop3A_210 : i32 to index
        %parallel_loop3A_215 = tpu.vector_load %parallel_loop3A_213[%parallel_loop3A_214] {strides = array<i32>} : memref<1024xf32, #tpu.memory_space<vmem>>, vector<16xf32>,
        %parallel_loop3A_216 = vector.shape_cast %parallel_loop3A_215 : vector<16xf32> to vector<16xf32>
        %parallel_loop3A_217 = arith.constant 0 : i32
        %parallel_loop3A_218 = arith.index_cast %parallel_loop3A_217 : i32 to index
        %parallel_loop3A_219 = arith.index_cast %parallel_loop3A_210 : i32 to index
        %parallel_loop3A_220 = tpu.vector_load %arg7[%parallel_loop3A_218, %parallel_loop3A_219] {strides = array<i32>} : memref<32x1024xf32, #tpu.memory_space<vmem>>, vector<1x16xf32>,
        %parallel_loop3A_221 = vector.shape_cast %parallel_loop3A_220 : vector<1x16xf32> to vector<16xf32>
        %parallel_loop3A_222 = vector.shape_cast %parallel_loop3A_216 : vector<16xf32> to vector<1x16xf32>
        tpu.vector_store %arg7[%parallel_loop3A_218, %parallel_loop3A_219], %parallel_loop3A_222 {strides = array<i32>} : memref<32x1024xf32, #tpu.memory_space<vmem>>, vector<1x16xf32>,
        %parallel_loop3A_223 = arith.constant 0 : i32
        %parallel_loop3A_224 = tpu.memref_slice %arg6[%squeeze3A_29, %parallel_loop3A_223] : memref<8x1024xf32, #tpu.memory_space<vmem>> -> memref<1x1024xf32, #tpu.memory_space<vmem>>
        %parallel_loop3A_225 = tpu.memref_squeeze %parallel_loop3A_224 : memref<1x1024xf32, #tpu.memory_space<vmem>> -> memref<1024xf32, #tpu.memory_space<vmem>>
        %parallel_loop3A_226 = arith.index_cast %parallel_loop3A_210 : i32 to index
        %parallel_loop3A_227 = tpu.vector_load %parallel_loop3A_225[%parallel_loop3A_226] {strides = array<i32>} : memref<1024xf32, #tpu.memory_space<vmem>>, vector<16xf32>,
        %parallel_loop3A_228 = vector.shape_cast %parallel_loop3A_227 : vector<16xf32> to vector<16xf32>
        %parallel_loop3A_229 = arith.constant 1 : i32
        %parallel_loop3A_230 = arith.index_cast %parallel_loop3A_229 : i32 to index
        %parallel_loop3A_231 = arith.index_cast %parallel_loop3A_210 : i32 to index
        %parallel_loop3A_232 = tpu.vector_load %arg7[%parallel_loop3A_230, %parallel_loop3A_231] {strides = array<i32>} : memref<32x1024xf32, #tpu.memory_space<vmem>>, vector<1x16xf32>,
        %parallel_loop3A_233 = vector.shape_cast %parallel_loop3A_232 : vector<1x16xf32> to vector<16xf32>
        %parallel_loop3A_234 = vector.shape_cast %parallel_loop3A_228 : vector<16xf32> to vector<1x16xf32>
        tpu.vector_store %arg7[%parallel_loop3A_230, %parallel_loop3A_231], %parallel_loop3A_234 {strides = array<i32>} : memref<32x1024xf32, #tpu.memory_space<vmem>>, vector<1x16xf32>,
        %parallel_loop3A_235 = arith.constant 0 : i32
        %parallel_loop3A_236 = tpu.memref_slice %arg6[%squeeze3A_31, %parallel_loop3A_235] : memref<8x1024xf32, #tpu.memory_space<vmem>> -> memref<1x1024xf32, #tpu.memory_space<vmem>>
        %parallel_loop3A_237 = tpu.memref_squeeze %parallel_loop3A_236 : memref<1x1024xf32, #tpu.memory_space<vmem>> -> memref<1024xf32, #tpu.memory_space<vmem>>
        %parallel_loop3A_238 = arith.index_cast %parallel_loop3A_210 : i32 to index
        %parallel_loop3A_239 = tpu.vector_load %parallel_loop3A_237[%parallel_loop3A_238] {strides = array<i32>} : memref<1024xf32, #tpu.memory_space<vmem>>, vector<16xf32>,
        %parallel_loop3A_240 = vector.shape_cast %parallel_loop3A_239 : vector<16xf32> to vector<16xf32>
        %parallel_loop3A_241 = arith.constant 2 : i32
        %parallel_loop3A_242 = arith.index_cast %parallel_loop3A_241 : i32 to index
        %parallel_loop3A_243 = arith.index_cast %parallel_loop3A_210 : i32 to index
        %parallel_loop3A_244 = tpu.vector_load %arg7[%parallel_loop3A_242, %parallel_loop3A_243] {strides = array<i32>} : memref<32x1024xf32, #tpu.memory_space<vmem>>, vector<1x16xf32>,
        %parallel_loop3A_245 = vector.shape_cast %parallel_loop3A_244 : vector<1x16xf32> to vector<16xf32>
        %parallel_loop3A_246 = vector.shape_cast %parallel_loop3A_240 : vector<16xf32> to vector<1x16xf32>
        tpu.vector_store %arg7[%parallel_loop3A_242, %parallel_loop3A_243], %parallel_loop3A_246 {strides = array<i32>} : memref<32x1024xf32, #tpu.memory_space<vmem>>, vector<1x16xf32>,
        %parallel_loop3A_247 = arith.constant 0 : i32
        %parallel_loop3A_248 = tpu.memref_slice %arg6[%squeeze3A_33, %parallel_loop3A_247] : memref<8x1024xf32, #tpu.memory_space<vmem>> -> memref<1x1024xf32, #tpu.memory_space<vmem>>
        %parallel_loop3A_249 = tpu.memref_squeeze %parallel_loop3A_248 : memref<1x1024xf32, #tpu.memory_space<vmem>> -> memref<1024xf32, #tpu.memory_space<vmem>>
        %parallel_loop3A_250 = arith.index_cast %parallel_loop3A_210 : i32 to index
        %parallel_loop3A_251 = tpu.vector_load %parallel_loop3A_249[%parallel_loop3A_250] {strides = array<i32>} : memref<1024xf32, #tpu.memory_space<vmem>>, vector<16xf32>,
        %parallel_loop3A_252 = vector.shape_cast %parallel_loop3A_251 : vector<16xf32> to vector<16xf32>
        %parallel_loop3A_253 = arith.constant 3 : i32
        %parallel_loop3A_254 = arith.index_cast %parallel_loop3A_253 : i32 to index
        %parallel_loop3A_255 = arith.index_cast %parallel_loop3A_210 : i32 to index
        %parallel_loop3A_256 = tpu.vector_load %arg7[%parallel_loop3A_254, %parallel_loop3A_255] {strides = array<i32>} : memref<32x1024xf32, #tpu.memory_space<vmem>>, vector<1x16xf32>,
        %parallel_loop3A_257 = vector.shape_cast %parallel_loop3A_256 : vector<1x16xf32> to vector<16xf32>
        %parallel_loop3A_258 = vector.shape_cast %parallel_loop3A_252 : vector<16xf32> to vector<1x16xf32>
        tpu.vector_store %arg7[%parallel_loop3A_254, %parallel_loop3A_255], %parallel_loop3A_258 {strides = array<i32>} : memref<32x1024xf32, #tpu.memory_space<vmem>>, vector<1x16xf32>,
        %parallel_loop3A_259 = arith.constant 0 : i32
        %parallel_loop3A_260 = tpu.memref_slice %arg6[%squeeze3A_35, %parallel_loop3A_259] : memref<8x1024xf32, #tpu.memory_space<vmem>> -> memref<1x1024xf32, #tpu.memory_space<vmem>>
        %parallel_loop3A_261 = tpu.memref_squeeze %parallel_loop3A_260 : memref<1x1024xf32, #tpu.memory_space<vmem>> -> memref<1024xf32, #tpu.memory_space<vmem>>
        %parallel_loop3A_262 = arith.index_cast %parallel_loop3A_210 : i32 to index
        %parallel_loop3A_263 = tpu.vector_load %parallel_loop3A_261[%parallel_loop3A_262] {strides = array<i32>} : memref<1024xf32, #tpu.memory_space<vmem>>, vector<16xf32>,
        %parallel_loop3A_264 = vector.shape_cast %parallel_loop3A_263 : vector<16xf32> to vector<16xf32>
        %parallel_loop3A_265 = arith.constant 4 : i32
        %parallel_loop3A_266 = arith.index_cast %parallel_loop3A_265 : i32 to index
        %parallel_loop3A_267 = arith.index_cast %parallel_loop3A_210 : i32 to index
        %parallel_loop3A_268 = tpu.vector_load %arg7[%parallel_loop3A_266, %parallel_loop3A_267] {strides = array<i32>} : memref<32x1024xf32, #tpu.memory_space<vmem>>, vector<1x16xf32>,
        %parallel_loop3A_269 = vector.shape_cast %parallel_loop3A_268 : vector<1x16xf32> to vector<16xf32>
        %parallel_loop3A_270 = vector.shape_cast %parallel_loop3A_264 : vector<16xf32> to vector<1x16xf32>
        tpu.vector_store %arg7[%parallel_loop3A_266, %parallel_loop3A_267], %parallel_loop3A_270 {strides = array<i32>} : memref<32x1024xf32, #tpu.memory_space<vmem>>, vector<1x16xf32>,
        %parallel_loop3A_271 = arith.constant 0 : i32
        %parallel_loop3A_272 = tpu.memref_slice %arg6[%squeeze3A_37, %parallel_loop3A_271] : memref<8x1024xf32, #tpu.memory_space<vmem>> -> memref<1x1024xf32, #tpu.memory_space<vmem>>
        %parallel_loop3A_273 = tpu.memref_squeeze %parallel_loop3A_272 : memref<1x1024xf32, #tpu.memory_space<vmem>> -> memref<1024xf32, #tpu.memory_space<vmem>>
        %parallel_loop3A_274 = arith.index_cast %parallel_loop3A_210 : i32 to index
        %parallel_loop3A_275 = tpu.vector_load %parallel_loop3A_273[%parallel_loop3A_274] {strides = array<i32>} : memref<1024xf32, #tpu.memory_space<vmem>>, vector<16xf32>,
        %parallel_loop3A_276 = vector.shape_cast %parallel_loop3A_275 : vector<16xf32> to vector<16xf32>
        %parallel_loop3A_277 = arith.constant 5 : i32
        %parallel_loop3A_278 = arith.index_cast %parallel_loop3A_277 : i32 to index
        %parallel_loop3A_279 = arith.index_cast %parallel_loop3A_210 : i32 to index
        %parallel_loop3A_280 = tpu.vector_load %arg7[%parallel_loop3A_278, %parallel_loop3A_279] {strides = array<i32>} : memref<32x1024xf32, #tpu.memory_space<vmem>>, vector<1x16xf32>,
        %parallel_loop3A_281 = vector.shape_cast %parallel_loop3A_280 : vector<1x16xf32> to vector<16xf32>
        %parallel_loop3A_282 = vector.shape_cast %parallel_loop3A_276 : vector<16xf32> to vector<1x16xf32>
        tpu.vector_store %arg7[%parallel_loop3A_278, %parallel_loop3A_279], %parallel_loop3A_282 {strides = array<i32>} : memref<32x1024xf32, #tpu.memory_space<vmem>>, vector<1x16xf32>,
        %parallel_loop3A_283 = arith.constant 0 : i32
        %parallel_loop3A_284 = tpu.memref_slice %arg6[%squeeze3A_39, %parallel_loop3A_283] : memref<8x1024xf32, #tpu.memory_space<vmem>> -> memref<1x1024xf32, #tpu.memory_space<vmem>>
        %parallel_loop3A_285 = tpu.memref_squeeze %parallel_loop3A_284 : memref<1x1024xf32, #tpu.memory_space<vmem>> -> memref<1024xf32, #tpu.memory_space<vmem>>
        %parallel_loop3A_286 = arith.index_cast %parallel_loop3A_210 : i32 to index
        %parallel_loop3A_287 = tpu.vector_load %parallel_loop3A_285[%parallel_loop3A_286] {strides = array<i32>} : memref<1024xf32, #tpu.memory_space<vmem>>, vector<16xf32>,
        %parallel_loop3A_288 = vector.shape_cast %parallel_loop3A_287 : vector<16xf32> to vector<16xf32>
        %parallel_loop3A_289 = arith.constant 6 : i32
        %parallel_loop3A_290 = arith.index_cast %parallel_loop3A_289 : i32 to index
        %parallel_loop3A_291 = arith.index_cast %parallel_loop3A_210 : i32 to index
        %parallel_loop3A_292 = tpu.vector_load %arg7[%parallel_loop3A_290, %parallel_loop3A_291] {strides = array<i32>} : memref<32x1024xf32, #tpu.memory_space<vmem>>, vector<1x16xf32>,
        %parallel_loop3A_293 = vector.shape_cast %parallel_loop3A_292 : vector<1x16xf32> to vector<16xf32>
        %parallel_loop3A_294 = vector.shape_cast %parallel_loop3A_288 : vector<16xf32> to vector<1x16xf32>
        tpu.vector_store %arg7[%parallel_loop3A_290, %parallel_loop3A_291], %parallel_loop3A_294 {strides = array<i32>} : memref<32x1024xf32, #tpu.memory_space<vmem>>, vector<1x16xf32>,
        %parallel_loop3A_295 = arith.constant 0 : i32
        %parallel_loop3A_296 = tpu.memref_slice %arg6[%squeeze3A_41, %parallel_loop3A_295] : memref<8x1024xf32, #tpu.memory_space<vmem>> -> memref<1x1024xf32, #tpu.memory_space<vmem>>
        %parallel_loop3A_297 = tpu.memref_squeeze %parallel_loop3A_296 : memref<1x1024xf32, #tpu.memory_space<vmem>> -> memref<1024xf32, #tpu.memory_space<vmem>>
        %parallel_loop3A_298 = arith.index_cast %parallel_loop3A_210 : i32 to index
        %parallel_loop3A_299 = tpu.vector_load %parallel_loop3A_297[%parallel_loop3A_298] {strides = array<i32>} : memref<1024xf32, #tpu.memory_space<vmem>>, vector<16xf32>,
        %parallel_loop3A_300 = vector.shape_cast %parallel_loop3A_299 : vector<16xf32> to vector<16xf32>
        %parallel_loop3A_301 = arith.constant 7 : i32
        %parallel_loop3A_302 = arith.index_cast %parallel_loop3A_301 : i32 to index
        %parallel_loop3A_303 = arith.index_cast %parallel_loop3A_210 : i32 to index
        %parallel_loop3A_304 = tpu.vector_load %arg7[%parallel_loop3A_302, %parallel_loop3A_303] {strides = array<i32>} : memref<32x1024xf32, #tpu.memory_space<vmem>>, vector<1x16xf32>,
        %parallel_loop3A_305 = vector.shape_cast %parallel_loop3A_304 : vector<1x16xf32> to vector<16xf32>
        %parallel_loop3A_306 = vector.shape_cast %parallel_loop3A_300 : vector<16xf32> to vector<1x16xf32>
        tpu.vector_store %arg7[%parallel_loop3A_302, %parallel_loop3A_303], %parallel_loop3A_306 {strides = array<i32>} : memref<32x1024xf32, #tpu.memory_space<vmem>>, vector<1x16xf32>,
        %parallel_loop3A_307 = arith.constant 0 : i32
        %parallel_loop3A_308 = tpu.memref_slice %arg6[%squeeze3A_43, %parallel_loop3A_307] : memref<8x1024xf32, #tpu.memory_space<vmem>> -> memref<1x1024xf32, #tpu.memory_space<vmem>>
        %parallel_loop3A_309 = tpu.memref_squeeze %parallel_loop3A_308 : memref<1x1024xf32, #tpu.memory_space<vmem>> -> memref<1024xf32, #tpu.memory_space<vmem>>
        %parallel_loop3A_310 = arith.index_cast %parallel_loop3A_210 : i32 to index
        %parallel_loop3A_311 = tpu.vector_load %parallel_loop3A_309[%parallel_loop3A_310] {strides = array<i32>} : memref<1024xf32, #tpu.memory_space<vmem>>, vector<16xf32>,
        %parallel_loop3A_312 = vector.shape_cast %parallel_loop3A_311 : vector<16xf32> to vector<16xf32>
        %parallel_loop3A_313 = arith.constant 8 : i32
        %parallel_loop3A_314 = arith.index_cast %parallel_loop3A_313 : i32 to index
        %parallel_loop3A_315 = arith.index_cast %parallel_loop3A_210 : i32 to index
        %parallel_loop3A_316 = tpu.vector_load %arg7[%parallel_loop3A_314, %parallel_loop3A_315] {strides = array<i32>} : memref<32x1024xf32, #tpu.memory_space<vmem>>, vector<1x16xf32>,
        %parallel_loop3A_317 = vector.shape_cast %parallel_loop3A_316 : vector<1x16xf32> to vector<16xf32>
        %parallel_loop3A_318 = vector.shape_cast %parallel_loop3A_312 : vector<16xf32> to vector<1x16xf32>
        tpu.vector_store %arg7[%parallel_loop3A_314, %parallel_loop3A_315], %parallel_loop3A_318 {strides = array<i32>} : memref<32x1024xf32, #tpu.memory_space<vmem>>, vector<1x16xf32>,
        %parallel_loop3A_319 = arith.constant 0 : i32
        %parallel_loop3A_320 = tpu.memref_slice %arg6[%squeeze3A_45, %parallel_loop3A_319] : memref<8x1024xf32, #tpu.memory_space<vmem>> -> memref<1x1024xf32, #tpu.memory_space<vmem>>
        %parallel_loop3A_321 = tpu.memref_squeeze %parallel_loop3A_320 : memref<1x1024xf32, #tpu.memory_space<vmem>> -> memref<1024xf32, #tpu.memory_space<vmem>>
        %parallel_loop3A_322 = arith.index_cast %parallel_loop3A_210 : i32 to index
        %parallel_loop3A_323 = tpu.vector_load %parallel_loop3A_321[%parallel_loop3A_322] {strides = array<i32>} : memref<1024xf32, #tpu.memory_space<vmem>>, vector<16xf32>,
        %parallel_loop3A_324 = vector.shape_cast %parallel_loop3A_323 : vector<16xf32> to vector<16xf32>
        %parallel_loop3A_325 = arith.constant 9 : i32
        %parallel_loop3A_326 = arith.index_cast %parallel_loop3A_325 : i32 to index
        %parallel_loop3A_327 = arith.index_cast %parallel_loop3A_210 : i32 to index
        %parallel_loop3A_328 = tpu.vector_load %arg7[%parallel_loop3A_326, %parallel_loop3A_327] {strides = array<i32>} : memref<32x1024xf32, #tpu.memory_space<vmem>>, vector<1x16xf32>,
        %parallel_loop3A_329 = vector.shape_cast %parallel_loop3A_328 : vector<1x16xf32> to vector<16xf32>
        %parallel_loop3A_330 = vector.shape_cast %parallel_loop3A_324 : vector<16xf32> to vector<1x16xf32>
        tpu.vector_store %arg7[%parallel_loop3A_326, %parallel_loop3A_327], %parallel_loop3A_330 {strides = array<i32>} : memref<32x1024xf32, #tpu.memory_space<vmem>>, vector<1x16xf32>,
        %parallel_loop3A_331 = arith.constant 0 : i32
        %parallel_loop3A_332 = tpu.memref_slice %arg6[%squeeze3A_47, %parallel_loop3A_331] : memref<8x1024xf32, #tpu.memory_space<vmem>> -> memref<1x1024xf32, #tpu.memory_space<vmem>>
        %parallel_loop3A_333 = tpu.memref_squeeze %parallel_loop3A_332 : memref<1x1024xf32, #tpu.memory_space<vmem>> -> memref<1024xf32, #tpu.memory_space<vmem>>
        %parallel_loop3A_334 = arith.index_cast %parallel_loop3A_210 : i32 to index
        %parallel_loop3A_335 = tpu.vector_load %parallel_loop3A_333[%parallel_loop3A_334] {strides = array<i32>} : memref<1024xf32, #tpu.memory_space<vmem>>, vector<16xf32>,
        %parallel_loop3A_336 = vector.shape_cast %parallel_loop3A_335 : vector<16xf32> to vector<16xf32>
        %parallel_loop3A_337 = arith.constant 10 : i32
        %parallel_loop3A_338 = arith.index_cast %parallel_loop3A_337 : i32 to index
        %parallel_loop3A_339 = arith.index_cast %parallel_loop3A_210 : i32 to index
        %parallel_loop3A_340 = tpu.vector_load %arg7[%parallel_loop3A_338, %parallel_loop3A_339] {strides = array<i32>} : memref<32x1024xf32, #tpu.memory_space<vmem>>, vector<1x16xf32>,
        %parallel_loop3A_341 = vector.shape_cast %parallel_loop3A_340 : vector<1x16xf32> to vector<16xf32>
        %parallel_loop3A_342 = vector.shape_cast %parallel_loop3A_336 : vector<16xf32> to vector<1x16xf32>
        tpu.vector_store %arg7[%parallel_loop3A_338, %parallel_loop3A_339], %parallel_loop3A_342 {strides = array<i32>} : memref<32x1024xf32, #tpu.memory_space<vmem>>, vector<1x16xf32>,
        %parallel_loop3A_343 = arith.constant 0 : i32
        %parallel_loop3A_344 = tpu.memref_slice %arg6[%squeeze3A_49, %parallel_loop3A_343] : memref<8x1024xf32, #tpu.memory_space<vmem>> -> memref<1x1024xf32, #tpu.memory_space<vmem>>
        %parallel_loop3A_345 = tpu.memref_squeeze %parallel_loop3A_344 : memref<1x1024xf32, #tpu.memory_space<vmem>> -> memref<1024xf32, #tpu.memory_space<vmem>>
        %parallel_loop3A_346 = arith.index_cast %parallel_loop3A_210 : i32 to index
        %parallel_loop3A_347 = tpu.vector_load %parallel_loop3A_345[%parallel_loop3A_346] {strides = array<i32>} : memref<1024xf32, #tpu.memory_space<vmem>>, vector<16xf32>,
        %parallel_loop3A_348 = vector.shape_cast %parallel_loop3A_347 : vector<16xf32> to vector<16xf32>
        %parallel_loop3A_349 = arith.constant 11 : i32
        %parallel_loop3A_350 = arith.index_cast %parallel_loop3A_349 : i32 to index
        %parallel_loop3A_351 = arith.index_cast %parallel_loop3A_210 : i32 to index
        %parallel_loop3A_352 = tpu.vector_load %arg7[%parallel_loop3A_350, %parallel_loop3A_351] {strides = array<i32>} : memref<32x1024xf32, #tpu.memory_space<vmem>>, vector<1x16xf32>,
        %parallel_loop3A_353 = vector.shape_cast %parallel_loop3A_352 : vector<1x16xf32> to vector<16xf32>
        %parallel_loop3A_354 = vector.shape_cast %parallel_loop3A_348 : vector<16xf32> to vector<1x16xf32>
        tpu.vector_store %arg7[%parallel_loop3A_350, %parallel_loop3A_351], %parallel_loop3A_354 {strides = array<i32>} : memref<32x1024xf32, #tpu.memory_space<vmem>>, vector<1x16xf32>,
        %parallel_loop3A_355 = arith.constant 0 : i32
        %parallel_loop3A_356 = tpu.memref_slice %arg6[%squeeze3A_51, %parallel_loop3A_355] : memref<8x1024xf32, #tpu.memory_space<vmem>> -> memref<1x1024xf32, #tpu.memory_space<vmem>>
        %parallel_loop3A_357 = tpu.memref_squeeze %parallel_loop3A_356 : memref<1x1024xf32, #tpu.memory_space<vmem>> -> memref<1024xf32, #tpu.memory_space<vmem>>
        %parallel_loop3A_358 = arith.index_cast %parallel_loop3A_210 : i32 to index
        %parallel_loop3A_359 = tpu.vector_load %parallel_loop3A_357[%parallel_loop3A_358] {strides = array<i32>} : memref<1024xf32, #tpu.memory_space<vmem>>, vector<16xf32>,
        %parallel_loop3A_360 = vector.shape_cast %parallel_loop3A_359 : vector<16xf32> to vector<16xf32>
        %parallel_loop3A_361 = arith.constant 12 : i32
        %parallel_loop3A_362 = arith.index_cast %parallel_loop3A_361 : i32 to index
        %parallel_loop3A_363 = arith.index_cast %parallel_loop3A_210 : i32 to index
        %parallel_loop3A_364 = tpu.vector_load %arg7[%parallel_loop3A_362, %parallel_loop3A_363] {strides = array<i32>} : memref<32x1024xf32, #tpu.memory_space<vmem>>, vector<1x16xf32>,
        %parallel_loop3A_365 = vector.shape_cast %parallel_loop3A_364 : vector<1x16xf32> to vector<16xf32>
        %parallel_loop3A_366 = vector.shape_cast %parallel_loop3A_360 : vector<16xf32> to vector<1x16xf32>
        tpu.vector_store %arg7[%parallel_loop3A_362, %parallel_loop3A_363], %parallel_loop3A_366 {strides = array<i32>} : memref<32x1024xf32, #tpu.memory_space<vmem>>, vector<1x16xf32>,
        %parallel_loop3A_367 = arith.constant 0 : i32
        %parallel_loop3A_368 = tpu.memref_slice %arg6[%squeeze3A_53, %parallel_loop3A_367] : memref<8x1024xf32, #tpu.memory_space<vmem>> -> memref<1x1024xf32, #tpu.memory_space<vmem>>
        %parallel_loop3A_369 = tpu.memref_squeeze %parallel_loop3A_368 : memref<1x1024xf32, #tpu.memory_space<vmem>> -> memref<1024xf32, #tpu.memory_space<vmem>>
        %parallel_loop3A_370 = arith.index_cast %parallel_loop3A_210 : i32 to index
        %parallel_loop3A_371 = tpu.vector_load %parallel_loop3A_369[%parallel_loop3A_370] {strides = array<i32>} : memref<1024xf32, #tpu.memory_space<vmem>>, vector<16xf32>,
        %parallel_loop3A_372 = vector.shape_cast %parallel_loop3A_371 : vector<16xf32> to vector<16xf32>
        %parallel_loop3A_373 = arith.constant 13 : i32
        %parallel_loop3A_374 = arith.index_cast %parallel_loop3A_373 : i32 to index
        %parallel_loop3A_375 = arith.index_cast %parallel_loop3A_210 : i32 to index
        %parallel_loop3A_376 = tpu.vector_load %arg7[%parallel_loop3A_374, %parallel_loop3A_375] {strides = array<i32>} : memref<32x1024xf32, #tpu.memory_space<vmem>>, vector<1x16xf32>,
        %parallel_loop3A_377 = vector.shape_cast %parallel_loop3A_376 : vector<1x16xf32> to vector<16xf32>
        %parallel_loop3A_378 = vector.shape_cast %parallel_loop3A_372 : vector<16xf32> to vector<1x16xf32>
        tpu.vector_store %arg7[%parallel_loop3A_374, %parallel_loop3A_375], %parallel_loop3A_378 {strides = array<i32>} : memref<32x1024xf32, #tpu.memory_space<vmem>>, vector<1x16xf32>,
        %parallel_loop3A_379 = arith.constant 0 : i32
        %parallel_loop3A_380 = tpu.memref_slice %arg6[%squeeze3A_55, %parallel_loop3A_379] : memref<8x1024xf32, #tpu.memory_space<vmem>> -> memref<1x1024xf32, #tpu.memory_space<vmem>>
        %parallel_loop3A_381 = tpu.memref_squeeze %parallel_loop3A_380 : memref<1x1024xf32, #tpu.memory_space<vmem>> -> memref<1024xf32, #tpu.memory_space<vmem>>
        %parallel_loop3A_382 = arith.index_cast %parallel_loop3A_210 : i32 to index
        %parallel_loop3A_383 = tpu.vector_load %parallel_loop3A_381[%parallel_loop3A_382] {strides = array<i32>} : memref<1024xf32, #tpu.memory_space<vmem>>, vector<16xf32>,
        %parallel_loop3A_384 = vector.shape_cast %parallel_loop3A_383 : vector<16xf32> to vector<16xf32>
        %parallel_loop3A_385 = arith.constant 14 : i32
        %parallel_loop3A_386 = arith.index_cast %parallel_loop3A_385 : i32 to index
        %parallel_loop3A_387 = arith.index_cast %parallel_loop3A_210 : i32 to index
        %parallel_loop3A_388 = tpu.vector_load %arg7[%parallel_loop3A_386, %parallel_loop3A_387] {strides = array<i32>} : memref<32x1024xf32, #tpu.memory_space<vmem>>, vector<1x16xf32>,
        %parallel_loop3A_389 = vector.shape_cast %parallel_loop3A_388 : vector<1x16xf32> to vector<16xf32>
        %parallel_loop3A_390 = vector.shape_cast %parallel_loop3A_384 : vector<16xf32> to vector<1x16xf32>
        tpu.vector_store %arg7[%parallel_loop3A_386, %parallel_loop3A_387], %parallel_loop3A_390 {strides = array<i32>} : memref<32x1024xf32, #tpu.memory_space<vmem>>, vector<1x16xf32>,
        %parallel_loop3A_391 = arith.constant 0 : i32
        %parallel_loop3A_392 = tpu.memref_slice %arg6[%squeeze3A_57, %parallel_loop3A_391] : memref<8x1024xf32, #tpu.memory_space<vmem>> -> memref<1x1024xf32, #tpu.memory_space<vmem>>
        %parallel_loop3A_393 = tpu.memref_squeeze %parallel_loop3A_392 : memref<1x1024xf32, #tpu.memory_space<vmem>> -> memref<1024xf32, #tpu.memory_space<vmem>>
        %parallel_loop3A_394 = arith.index_cast %parallel_loop3A_210 : i32 to index
        %parallel_loop3A_395 = tpu.vector_load %parallel_loop3A_393[%parallel_loop3A_394] {strides = array<i32>} : memref<1024xf32, #tpu.memory_space<vmem>>, vector<16xf32>,
        %parallel_loop3A_396 = vector.shape_cast %parallel_loop3A_395 : vector<16xf32> to vector<16xf32>
        %parallel_loop3A_397 = arith.constant 15 : i32
        %parallel_loop3A_398 = arith.index_cast %parallel_loop3A_397 : i32 to index
        %parallel_loop3A_399 = arith.index_cast %parallel_loop3A_210 : i32 to index
        %parallel_loop3A_400 = tpu.vector_load %arg7[%parallel_loop3A_398, %parallel_loop3A_399] {strides = array<i32>} : memref<32x1024xf32, #tpu.memory_space<vmem>>, vector<1x16xf32>,
        %parallel_loop3A_401 = vector.shape_cast %parallel_loop3A_400 : vector<1x16xf32> to vector<16xf32>
        %parallel_loop3A_402 = vector.shape_cast %parallel_loop3A_396 : vector<16xf32> to vector<1x16xf32>
        tpu.vector_store %arg7[%parallel_loop3A_398, %parallel_loop3A_399], %parallel_loop3A_402 {strides = array<i32>} : memref<32x1024xf32, #tpu.memory_space<vmem>>, vector<1x16xf32>,
      } {sc.loop_unroll_factor = 8 : i64, sc.parallel_access}
      %mul3A_60 = arith.constant 32 : i32
      %mul3A_61 = arith.muli %add3A_19, %mul3A_60 : i32
      %add3A_62 = arith.constant 16 : i32
      %add3A_63 = arith.addi %mul3A_61, %add3A_62 : i32
      %get3A_64 = arith.index_cast %add3A_63 : i32 to index
      %get3A_65 = tpu.vector_load %arg5[%get3A_64] {strides = array<i32>} : memref<1024xi32, #tpu.memory_space<vmem>>, vector<16xi32>,
      %get3A_66 = vector.shape_cast %get3A_65 : vector<16xi32> to vector<16xi32>
      %slice3A_67 = vector.extract_strided_slice %get3A_66 {offsets = [0], sizes = [1], strides = [1]} : vector<16xi32> to vector<1xi32>
      %squeeze3A_68 = vector.extract %slice3A_67[0] : i32 from vector<1xi32>
      %slice3A_69 = vector.extract_strided_slice %get3A_66 {offsets = [1], sizes = [1], strides = [1]} : vector<16xi32> to vector<1xi32>
      %squeeze3A_70 = vector.extract %slice3A_69[0] : i32 from vector<1xi32>
      %slice3A_71 = vector.extract_strided_slice %get3A_66 {offsets = [2], sizes = [1], strides = [1]} : vector<16xi32> to vector<1xi32>
      %squeeze3A_72 = vector.extract %slice3A_71[0] : i32 from vector<1xi32>
      %slice3A_73 = vector.extract_strided_slice %get3A_66 {offsets = [3], sizes = [1], strides = [1]} : vector<16xi32> to vector<1xi32>
      %squeeze3A_74 = vector.extract %slice3A_73[0] : i32 from vector<1xi32>
      %slice3A_75 = vector.extract_strided_slice %get3A_66 {offsets = [4], sizes = [1], strides = [1]} : vector<16xi32> to vector<1xi32>
      %squeeze3A_76 = vector.extract %slice3A_75[0] : i32 from vector<1xi32>
      %slice3A_77 = vector.extract_strided_slice %get3A_66 {offsets = [5], sizes = [1], strides = [1]} : vector<16xi32> to vector<1xi32>
      %squeeze3A_78 = vector.extract %slice3A_77[0] : i32 from vector<1xi32>
      %slice3A_79 = vector.extract_strided_slice %get3A_66 {offsets = [6], sizes = [1], strides = [1]} : vector<16xi32> to vector<1xi32>
      %squeeze3A_80 = vector.extract %slice3A_79[0] : i32 from vector<1xi32>
      %slice3A_81 = vector.extract_strided_slice %get3A_66 {offsets = [7], sizes = [1], strides = [1]} : vector<16xi32> to vector<1xi32>
      %squeeze3A_82 = vector.extract %slice3A_81[0] : i32 from vector<1xi32>
      %slice3A_83 = vector.extract_strided_slice %get3A_66 {offsets = [8], sizes = [1], strides = [1]} : vector<16xi32> to vector<1xi32>
      %squeeze3A_84 = vector.extract %slice3A_83[0] : i32 from vector<1xi32>
      %slice3A_85 = vector.extract_strided_slice %get3A_66 {offsets = [9], sizes = [1], strides = [1]} : vector<16xi32> to vector<1xi32>
      %squeeze3A_86 = vector.extract %slice3A_85[0] : i32 from vector<1xi32>
      %slice3A_87 = vector.extract_strided_slice %get3A_66 {offsets = [10], sizes = [1], strides = [1]} : vector<16xi32> to vector<1xi32>
      %squeeze3A_88 = vector.extract %slice3A_87[0] : i32 from vector<1xi32>
      %slice3A_89 = vector.extract_strided_slice %get3A_66 {offsets = [11], sizes = [1], strides = [1]} : vector<16xi32> to vector<1xi32>
      %squeeze3A_90 = vector.extract %slice3A_89[0] : i32 from vector<1xi32>
      %slice3A_91 = vector.extract_strided_slice %get3A_66 {offsets = [12], sizes = [1], strides = [1]} : vector<16xi32> to vector<1xi32>
      %squeeze3A_92 = vector.extract %slice3A_91[0] : i32 from vector<1xi32>
      %slice3A_93 = vector.extract_strided_slice %get3A_66 {offsets = [13], sizes = [1], strides = [1]} : vector<16xi32> to vector<1xi32>
      %squeeze3A_94 = vector.extract %slice3A_93[0] : i32 from vector<1xi32>
      %slice3A_95 = vector.extract_strided_slice %get3A_66 {offsets = [14], sizes = [1], strides = [1]} : vector<16xi32> to vector<1xi32>
      %squeeze3A_96 = vector.extract %slice3A_95[0] : i32 from vector<1xi32>
      %slice3A_97 = vector.extract_strided_slice %get3A_66 {offsets = [15], sizes = [1], strides = [1]} : vector<16xi32> to vector<1xi32>
      %squeeze3A_98 = vector.extract %slice3A_97[0] : i32 from vector<1xi32>
      %parallel_loop3A_99 = arith.constant 0 : i32
      %parallel_loop3A_100 = arith.constant 64 : i32
      %parallel_loop3A_101 = arith.constant 1 : i32
      scf.for %parallel_loop3A_208 = %parallel_loop3A_99 to %parallel_loop3A_100 step %parallel_loop3A_101  : i32 {
        %parallel_loop3A_209 = arith.constant 16 : i32
        %parallel_loop3A_210 = arith.muli %parallel_loop3A_208, %parallel_loop3A_209 : i32
        %parallel_loop3A_211 = arith.constant 0 : i32
        %parallel_loop3A_212 = tpu.memref_slice %arg6[%squeeze3A_68, %parallel_loop3A_211] : memref<8x1024xf32, #tpu.memory_space<vmem>> -> memref<1x1024xf32, #tpu.memory_space<vmem>>
        %parallel_loop3A_213 = tpu.memref_squeeze %parallel_loop3A_212 : memref<1x1024xf32, #tpu.memory_space<vmem>> -> memref<1024xf32, #tpu.memory_space<vmem>>
        %parallel_loop3A_214 = arith.index_cast %parallel_loop3A_210 : i32 to index
        %parallel_loop3A_215 = tpu.vector_load %parallel_loop3A_213[%parallel_loop3A_214] {strides = array<i32>} : memref<1024xf32, #tpu.memory_space<vmem>>, vector<16xf32>,
        %parallel_loop3A_216 = vector.shape_cast %parallel_loop3A_215 : vector<16xf32> to vector<16xf32>
        %parallel_loop3A_217 = arith.constant 16 : i32
        %parallel_loop3A_218 = arith.index_cast %parallel_loop3A_217 : i32 to index
        %parallel_loop3A_219 = arith.index_cast %parallel_loop3A_210 : i32 to index
        %parallel_loop3A_220 = tpu.vector_load %arg7[%parallel_loop3A_218, %parallel_loop3A_219] {strides = array<i32>} : memref<32x1024xf32, #tpu.memory_space<vmem>>, vector<1x16xf32>,
        %parallel_loop3A_221 = vector.shape_cast %parallel_loop3A_220 : vector<1x16xf32> to vector<16xf32>
        %parallel_loop3A_222 = vector.shape_cast %parallel_loop3A_216 : vector<16xf32> to vector<1x16xf32>
        tpu.vector_store %arg7[%parallel_loop3A_218, %parallel_loop3A_219], %parallel_loop3A_222 {strides = array<i32>} : memref<32x1024xf32, #tpu.memory_space<vmem>>, vector<1x16xf32>,
        %parallel_loop3A_223 = arith.constant 0 : i32
        %parallel_loop3A_224 = tpu.memref_slice %arg6[%squeeze3A_70, %parallel_loop3A_223] : memref<8x1024xf32, #tpu.memory_space<vmem>> -> memref<1x1024xf32, #tpu.memory_space<vmem>>
        %parallel_loop3A_225 = tpu.memref_squeeze %parallel_loop3A_224 : memref<1x1024xf32, #tpu.memory_space<vmem>> -> memref<1024xf32, #tpu.memory_space<vmem>>
        %parallel_loop3A_226 = arith.index_cast %parallel_loop3A_210 : i32 to index
        %parallel_loop3A_227 = tpu.vector_load %parallel_loop3A_225[%parallel_loop3A_226] {strides = array<i32>} : memref<1024xf32, #tpu.memory_space<vmem>>, vector<16xf32>,
        %parallel_loop3A_228 = vector.shape_cast %parallel_loop3A_227 : vector<16xf32> to vector<16xf32>
        %parallel_loop3A_229 = arith.constant 17 : i32
        %parallel_loop3A_230 = arith.index_cast %parallel_loop3A_229 : i32 to index
        %parallel_loop3A_231 = arith.index_cast %parallel_loop3A_210 : i32 to index
        %parallel_loop3A_232 = tpu.vector_load %arg7[%parallel_loop3A_230, %parallel_loop3A_231] {strides = array<i32>} : memref<32x1024xf32, #tpu.memory_space<vmem>>, vector<1x16xf32>,
        %parallel_loop3A_233 = vector.shape_cast %parallel_loop3A_232 : vector<1x16xf32> to vector<16xf32>
        %parallel_loop3A_234 = vector.shape_cast %parallel_loop3A_228 : vector<16xf32> to vector<1x16xf32>
        tpu.vector_store %arg7[%parallel_loop3A_230, %parallel_loop3A_231], %parallel_loop3A_234 {strides = array<i32>} : memref<32x1024xf32, #tpu.memory_space<vmem>>, vector<1x16xf32>,
        %parallel_loop3A_235 = arith.constant 0 : i32
        %parallel_loop3A_236 = tpu.memref_slice %arg6[%squeeze3A_72, %parallel_loop3A_235] : memref<8x1024xf32, #tpu.memory_space<vmem>> -> memref<1x1024xf32, #tpu.memory_space<vmem>>
        %parallel_loop3A_237 = tpu.memref_squeeze %parallel_loop3A_236 : memref<1x1024xf32, #tpu.memory_space<vmem>> -> memref<1024xf32, #tpu.memory_space<vmem>>
        %parallel_loop3A_238 = arith.index_cast %parallel_loop3A_210 : i32 to index
        %parallel_loop3A_239 = tpu.vector_load %parallel_loop3A_237[%parallel_loop3A_238] {strides = array<i32>} : memref<1024xf32, #tpu.memory_space<vmem>>, vector<16xf32>,
        %parallel_loop3A_240 = vector.shape_cast %parallel_loop3A_239 : vector<16xf32> to vector<16xf32>
        %parallel_loop3A_241 = arith.constant 18 : i32
        %parallel_loop3A_242 = arith.index_cast %parallel_loop3A_241 : i32 to index
        %parallel_loop3A_243 = arith.index_cast %parallel_loop3A_210 : i32 to index
        %parallel_loop3A_244 = tpu.vector_load %arg7[%parallel_loop3A_242, %parallel_loop3A_243] {strides = array<i32>} : memref<32x1024xf32, #tpu.memory_space<vmem>>, vector<1x16xf32>,
        %parallel_loop3A_245 = vector.shape_cast %parallel_loop3A_244 : vector<1x16xf32> to vector<16xf32>
        %parallel_loop3A_246 = vector.shape_cast %parallel_loop3A_240 : vector<16xf32> to vector<1x16xf32>
        tpu.vector_store %arg7[%parallel_loop3A_242, %parallel_loop3A_243], %parallel_loop3A_246 {strides = array<i32>} : memref<32x1024xf32, #tpu.memory_space<vmem>>, vector<1x16xf32>,
        %parallel_loop3A_247 = arith.constant 0 : i32
        %parallel_loop3A_248 = tpu.memref_slice %arg6[%squeeze3A_74, %parallel_loop3A_247] : memref<8x1024xf32, #tpu.memory_space<vmem>> -> memref<1x1024xf32, #tpu.memory_space<vmem>>
        %parallel_loop3A_249 = tpu.memref_squeeze %parallel_loop3A_248 : memref<1x1024xf32, #tpu.memory_space<vmem>> -> memref<1024xf32, #tpu.memory_space<vmem>>
        %parallel_loop3A_250 = arith.index_cast %parallel_loop3A_210 : i32 to index
        %parallel_loop3A_251 = tpu.vector_load %parallel_loop3A_249[%parallel_loop3A_250] {strides = array<i32>} : memref<1024xf32, #tpu.memory_space<vmem>>, vector<16xf32>,
        %parallel_loop3A_252 = vector.shape_cast %parallel_loop3A_251 : vector<16xf32> to vector<16xf32>
        %parallel_loop3A_253 = arith.constant 19 : i32
        %parallel_loop3A_254 = arith.index_cast %parallel_loop3A_253 : i32 to index
        %parallel_loop3A_255 = arith.index_cast %parallel_loop3A_210 : i32 to index
        %parallel_loop3A_256 = tpu.vector_load %arg7[%parallel_loop3A_254, %parallel_loop3A_255] {strides = array<i32>} : memref<32x1024xf32, #tpu.memory_space<vmem>>, vector<1x16xf32>,
        %parallel_loop3A_257 = vector.shape_cast %parallel_loop3A_256 : vector<1x16xf32> to vector<16xf32>
        %parallel_loop3A_258 = vector.shape_cast %parallel_loop3A_252 : vector<16xf32> to vector<1x16xf32>
        tpu.vector_store %arg7[%parallel_loop3A_254, %parallel_loop3A_255], %parallel_loop3A_258 {strides = array<i32>} : memref<32x1024xf32, #tpu.memory_space<vmem>>, vector<1x16xf32>,
        %parallel_loop3A_259 = arith.constant 0 : i32
        %parallel_loop3A_260 = tpu.memref_slice %arg6[%squeeze3A_76, %parallel_loop3A_259] : memref<8x1024xf32, #tpu.memory_space<vmem>> -> memref<1x1024xf32, #tpu.memory_space<vmem>>
        %parallel_loop3A_261 = tpu.memref_squeeze %parallel_loop3A_260 : memref<1x1024xf32, #tpu.memory_space<vmem>> -> memref<1024xf32, #tpu.memory_space<vmem>>
        %parallel_loop3A_262 = arith.index_cast %parallel_loop3A_210 : i32 to index
        %parallel_loop3A_263 = tpu.vector_load %parallel_loop3A_261[%parallel_loop3A_262] {strides = array<i32>} : memref<1024xf32, #tpu.memory_space<vmem>>, vector<16xf32>,
        %parallel_loop3A_264 = vector.shape_cast %parallel_loop3A_263 : vector<16xf32> to vector<16xf32>
        %parallel_loop3A_265 = arith.constant 20 : i32
        %parallel_loop3A_266 = arith.index_cast %parallel_loop3A_265 : i32 to index
        %parallel_loop3A_267 = arith.index_cast %parallel_loop3A_210 : i32 to index
        %parallel_loop3A_268 = tpu.vector_load %arg7[%parallel_loop3A_266, %parallel_loop3A_267] {strides = array<i32>} : memref<32x1024xf32, #tpu.memory_space<vmem>>, vector<1x16xf32>,
        %parallel_loop3A_269 = vector.shape_cast %parallel_loop3A_268 : vector<1x16xf32> to vector<16xf32>
        %parallel_loop3A_270 = vector.shape_cast %parallel_loop3A_264 : vector<16xf32> to vector<1x16xf32>
        tpu.vector_store %arg7[%parallel_loop3A_266, %parallel_loop3A_267], %parallel_loop3A_270 {strides = array<i32>} : memref<32x1024xf32, #tpu.memory_space<vmem>>, vector<1x16xf32>,
        %parallel_loop3A_271 = arith.constant 0 : i32
        %parallel_loop3A_272 = tpu.memref_slice %arg6[%squeeze3A_78, %parallel_loop3A_271] : memref<8x1024xf32, #tpu.memory_space<vmem>> -> memref<1x1024xf32, #tpu.memory_space<vmem>>
        %parallel_loop3A_273 = tpu.memref_squeeze %parallel_loop3A_272 : memref<1x1024xf32, #tpu.memory_space<vmem>> -> memref<1024xf32, #tpu.memory_space<vmem>>
        %parallel_loop3A_274 = arith.index_cast %parallel_loop3A_210 : i32 to index
        %parallel_loop3A_275 = tpu.vector_load %parallel_loop3A_273[%parallel_loop3A_274] {strides = array<i32>} : memref<1024xf32, #tpu.memory_space<vmem>>, vector<16xf32>,
        %parallel_loop3A_276 = vector.shape_cast %parallel_loop3A_275 : vector<16xf32> to vector<16xf32>
        %parallel_loop3A_277 = arith.constant 21 : i32
        %parallel_loop3A_278 = arith.index_cast %parallel_loop3A_277 : i32 to index
        %parallel_loop3A_279 = arith.index_cast %parallel_loop3A_210 : i32 to index
        %parallel_loop3A_280 = tpu.vector_load %arg7[%parallel_loop3A_278, %parallel_loop3A_279] {strides = array<i32>} : memref<32x1024xf32, #tpu.memory_space<vmem>>, vector<1x16xf32>,
        %parallel_loop3A_281 = vector.shape_cast %parallel_loop3A_280 : vector<1x16xf32> to vector<16xf32>
        %parallel_loop3A_282 = vector.shape_cast %parallel_loop3A_276 : vector<16xf32> to vector<1x16xf32>
        tpu.vector_store %arg7[%parallel_loop3A_278, %parallel_loop3A_279], %parallel_loop3A_282 {strides = array<i32>} : memref<32x1024xf32, #tpu.memory_space<vmem>>, vector<1x16xf32>,
        %parallel_loop3A_283 = arith.constant 0 : i32
        %parallel_loop3A_284 = tpu.memref_slice %arg6[%squeeze3A_80, %parallel_loop3A_283] : memref<8x1024xf32, #tpu.memory_space<vmem>> -> memref<1x1024xf32, #tpu.memory_space<vmem>>
        %parallel_loop3A_285 = tpu.memref_squeeze %parallel_loop3A_284 : memref<1x1024xf32, #tpu.memory_space<vmem>> -> memref<1024xf32, #tpu.memory_space<vmem>>
        %parallel_loop3A_286 = arith.index_cast %parallel_loop3A_210 : i32 to index
        %parallel_loop3A_287 = tpu.vector_load %parallel_loop3A_285[%parallel_loop3A_286] {strides = array<i32>} : memref<1024xf32, #tpu.memory_space<vmem>>, vector<16xf32>,
        %parallel_loop3A_288 = vector.shape_cast %parallel_loop3A_287 : vector<16xf32> to vector<16xf32>
        %parallel_loop3A_289 = arith.constant 22 : i32
        %parallel_loop3A_290 = arith.index_cast %parallel_loop3A_289 : i32 to index
        %parallel_loop3A_291 = arith.index_cast %parallel_loop3A_210 : i32 to index
        %parallel_loop3A_292 = tpu.vector_load %arg7[%parallel_loop3A_290, %parallel_loop3A_291] {strides = array<i32>} : memref<32x1024xf32, #tpu.memory_space<vmem>>, vector<1x16xf32>,
        %parallel_loop3A_293 = vector.shape_cast %parallel_loop3A_292 : vector<1x16xf32> to vector<16xf32>
        %parallel_loop3A_294 = vector.shape_cast %parallel_loop3A_288 : vector<16xf32> to vector<1x16xf32>
        tpu.vector_store %arg7[%parallel_loop3A_290, %parallel_loop3A_291], %parallel_loop3A_294 {strides = array<i32>} : memref<32x1024xf32, #tpu.memory_space<vmem>>, vector<1x16xf32>,
        %parallel_loop3A_295 = arith.constant 0 : i32
        %parallel_loop3A_296 = tpu.memref_slice %arg6[%squeeze3A_82, %parallel_loop3A_295] : memref<8x1024xf32, #tpu.memory_space<vmem>> -> memref<1x1024xf32, #tpu.memory_space<vmem>>
        %parallel_loop3A_297 = tpu.memref_squeeze %parallel_loop3A_296 : memref<1x1024xf32, #tpu.memory_space<vmem>> -> memref<1024xf32, #tpu.memory_space<vmem>>
        %parallel_loop3A_298 = arith.index_cast %parallel_loop3A_210 : i32 to index
        %parallel_loop3A_299 = tpu.vector_load %parallel_loop3A_297[%parallel_loop3A_298] {strides = array<i32>} : memref<1024xf32, #tpu.memory_space<vmem>>, vector<16xf32>,
        %parallel_loop3A_300 = vector.shape_cast %parallel_loop3A_299 : vector<16xf32> to vector<16xf32>
        %parallel_loop3A_301 = arith.constant 23 : i32
        %parallel_loop3A_302 = arith.index_cast %parallel_loop3A_301 : i32 to index
        %parallel_loop3A_303 = arith.index_cast %parallel_loop3A_210 : i32 to index
        %parallel_loop3A_304 = tpu.vector_load %arg7[%parallel_loop3A_302, %parallel_loop3A_303] {strides = array<i32>} : memref<32x1024xf32, #tpu.memory_space<vmem>>, vector<1x16xf32>,
        %parallel_loop3A_305 = vector.shape_cast %parallel_loop3A_304 : vector<1x16xf32> to vector<16xf32>
        %parallel_loop3A_306 = vector.shape_cast %parallel_loop3A_300 : vector<16xf32> to vector<1x16xf32>
        tpu.vector_store %arg7[%parallel_loop3A_302, %parallel_loop3A_303], %parallel_loop3A_306 {strides = array<i32>} : memref<32x1024xf32, #tpu.memory_space<vmem>>, vector<1x16xf32>,
        %parallel_loop3A_307 = arith.constant 0 : i32
        %parallel_loop3A_308 = tpu.memref_slice %arg6[%squeeze3A_84, %parallel_loop3A_307] : memref<8x1024xf32, #tpu.memory_space<vmem>> -> memref<1x1024xf32, #tpu.memory_space<vmem>>
        %parallel_loop3A_309 = tpu.memref_squeeze %parallel_loop3A_308 : memref<1x1024xf32, #tpu.memory_space<vmem>> -> memref<1024xf32, #tpu.memory_space<vmem>>
        %parallel_loop3A_310 = arith.index_cast %parallel_loop3A_210 : i32 to index
        %parallel_loop3A_311 = tpu.vector_load %parallel_loop3A_309[%parallel_loop3A_310] {strides = array<i32>} : memref<1024xf32, #tpu.memory_space<vmem>>, vector<16xf32>,
        %parallel_loop3A_312 = vector.shape_cast %parallel_loop3A_311 : vector<16xf32> to vector<16xf32>
        %parallel_loop3A_313 = arith.constant 24 : i32
        %parallel_loop3A_314 = arith.index_cast %parallel_loop3A_313 : i32 to index
        %parallel_loop3A_315 = arith.index_cast %parallel_loop3A_210 : i32 to index
        %parallel_loop3A_316 = tpu.vector_load %arg7[%parallel_loop3A_314, %parallel_loop3A_315] {strides = array<i32>} : memref<32x1024xf32, #tpu.memory_space<vmem>>, vector<1x16xf32>,
        %parallel_loop3A_317 = vector.shape_cast %parallel_loop3A_316 : vector<1x16xf32> to vector<16xf32>
        %parallel_loop3A_318 = vector.shape_cast %parallel_loop3A_312 : vector<16xf32> to vector<1x16xf32>
        tpu.vector_store %arg7[%parallel_loop3A_314, %parallel_loop3A_315], %parallel_loop3A_318 {strides = array<i32>} : memref<32x1024xf32, #tpu.memory_space<vmem>>, vector<1x16xf32>,
        %parallel_loop3A_319 = arith.constant 0 : i32
        %parallel_loop3A_320 = tpu.memref_slice %arg6[%squeeze3A_86, %parallel_loop3A_319] : memref<8x1024xf32, #tpu.memory_space<vmem>> -> memref<1x1024xf32, #tpu.memory_space<vmem>>
        %parallel_loop3A_321 = tpu.memref_squeeze %parallel_loop3A_320 : memref<1x1024xf32, #tpu.memory_space<vmem>> -> memref<1024xf32, #tpu.memory_space<vmem>>
        %parallel_loop3A_322 = arith.index_cast %parallel_loop3A_210 : i32 to index
        %parallel_loop3A_323 = tpu.vector_load %parallel_loop3A_321[%parallel_loop3A_322] {strides = array<i32>} : memref<1024xf32, #tpu.memory_space<vmem>>, vector<16xf32>,
        %parallel_loop3A_324 = vector.shape_cast %parallel_loop3A_323 : vector<16xf32> to vector<16xf32>
        %parallel_loop3A_325 = arith.constant 25 : i32
        %parallel_loop3A_326 = arith.index_cast %parallel_loop3A_325 : i32 to index
        %parallel_loop3A_327 = arith.index_cast %parallel_loop3A_210 : i32 to index
        %parallel_loop3A_328 = tpu.vector_load %arg7[%parallel_loop3A_326, %parallel_loop3A_327] {strides = array<i32>} : memref<32x1024xf32, #tpu.memory_space<vmem>>, vector<1x16xf32>,
        %parallel_loop3A_329 = vector.shape_cast %parallel_loop3A_328 : vector<1x16xf32> to vector<16xf32>
        %parallel_loop3A_330 = vector.shape_cast %parallel_loop3A_324 : vector<16xf32> to vector<1x16xf32>
        tpu.vector_store %arg7[%parallel_loop3A_326, %parallel_loop3A_327], %parallel_loop3A_330 {strides = array<i32>} : memref<32x1024xf32, #tpu.memory_space<vmem>>, vector<1x16xf32>,
        %parallel_loop3A_331 = arith.constant 0 : i32
        %parallel_loop3A_332 = tpu.memref_slice %arg6[%squeeze3A_88, %parallel_loop3A_331] : memref<8x1024xf32, #tpu.memory_space<vmem>> -> memref<1x1024xf32, #tpu.memory_space<vmem>>
        %parallel_loop3A_333 = tpu.memref_squeeze %parallel_loop3A_332 : memref<1x1024xf32, #tpu.memory_space<vmem>> -> memref<1024xf32, #tpu.memory_space<vmem>>
        %parallel_loop3A_334 = arith.index_cast %parallel_loop3A_210 : i32 to index
        %parallel_loop3A_335 = tpu.vector_load %parallel_loop3A_333[%parallel_loop3A_334] {strides = array<i32>} : memref<1024xf32, #tpu.memory_space<vmem>>, vector<16xf32>,
        %parallel_loop3A_336 = vector.shape_cast %parallel_loop3A_335 : vector<16xf32> to vector<16xf32>
        %parallel_loop3A_337 = arith.constant 26 : i32
        %parallel_loop3A_338 = arith.index_cast %parallel_loop3A_337 : i32 to index
        %parallel_loop3A_339 = arith.index_cast %parallel_loop3A_210 : i32 to index
        %parallel_loop3A_340 = tpu.vector_load %arg7[%parallel_loop3A_338, %parallel_loop3A_339] {strides = array<i32>} : memref<32x1024xf32, #tpu.memory_space<vmem>>, vector<1x16xf32>,
        %parallel_loop3A_341 = vector.shape_cast %parallel_loop3A_340 : vector<1x16xf32> to vector<16xf32>
        %parallel_loop3A_342 = vector.shape_cast %parallel_loop3A_336 : vector<16xf32> to vector<1x16xf32>
        tpu.vector_store %arg7[%parallel_loop3A_338, %parallel_loop3A_339], %parallel_loop3A_342 {strides = array<i32>} : memref<32x1024xf32, #tpu.memory_space<vmem>>, vector<1x16xf32>,
        %parallel_loop3A_343 = arith.constant 0 : i32
        %parallel_loop3A_344 = tpu.memref_slice %arg6[%squeeze3A_90, %parallel_loop3A_343] : memref<8x1024xf32, #tpu.memory_space<vmem>> -> memref<1x1024xf32, #tpu.memory_space<vmem>>
        %parallel_loop3A_345 = tpu.memref_squeeze %parallel_loop3A_344 : memref<1x1024xf32, #tpu.memory_space<vmem>> -> memref<1024xf32, #tpu.memory_space<vmem>>
        %parallel_loop3A_346 = arith.index_cast %parallel_loop3A_210 : i32 to index
        %parallel_loop3A_347 = tpu.vector_load %parallel_loop3A_345[%parallel_loop3A_346] {strides = array<i32>} : memref<1024xf32, #tpu.memory_space<vmem>>, vector<16xf32>,
        %parallel_loop3A_348 = vector.shape_cast %parallel_loop3A_347 : vector<16xf32> to vector<16xf32>
        %parallel_loop3A_349 = arith.constant 27 : i32
        %parallel_loop3A_350 = arith.index_cast %parallel_loop3A_349 : i32 to index
        %parallel_loop3A_351 = arith.index_cast %parallel_loop3A_210 : i32 to index
        %parallel_loop3A_352 = tpu.vector_load %arg7[%parallel_loop3A_350, %parallel_loop3A_351] {strides = array<i32>} : memref<32x1024xf32, #tpu.memory_space<vmem>>, vector<1x16xf32>,
        %parallel_loop3A_353 = vector.shape_cast %parallel_loop3A_352 : vector<1x16xf32> to vector<16xf32>
        %parallel_loop3A_354 = vector.shape_cast %parallel_loop3A_348 : vector<16xf32> to vector<1x16xf32>
        tpu.vector_store %arg7[%parallel_loop3A_350, %parallel_loop3A_351], %parallel_loop3A_354 {strides = array<i32>} : memref<32x1024xf32, #tpu.memory_space<vmem>>, vector<1x16xf32>,
        %parallel_loop3A_355 = arith.constant 0 : i32
        %parallel_loop3A_356 = tpu.memref_slice %arg6[%squeeze3A_92, %parallel_loop3A_355] : memref<8x1024xf32, #tpu.memory_space<vmem>> -> memref<1x1024xf32, #tpu.memory_space<vmem>>
        %parallel_loop3A_357 = tpu.memref_squeeze %parallel_loop3A_356 : memref<1x1024xf32, #tpu.memory_space<vmem>> -> memref<1024xf32, #tpu.memory_space<vmem>>
        %parallel_loop3A_358 = arith.index_cast %parallel_loop3A_210 : i32 to index
        %parallel_loop3A_359 = tpu.vector_load %parallel_loop3A_357[%parallel_loop3A_358] {strides = array<i32>} : memref<1024xf32, #tpu.memory_space<vmem>>, vector<16xf32>,
        %parallel_loop3A_360 = vector.shape_cast %parallel_loop3A_359 : vector<16xf32> to vector<16xf32>
        %parallel_loop3A_361 = arith.constant 28 : i32
        %parallel_loop3A_362 = arith.index_cast %parallel_loop3A_361 : i32 to index
        %parallel_loop3A_363 = arith.index_cast %parallel_loop3A_210 : i32 to index
        %parallel_loop3A_364 = tpu.vector_load %arg7[%parallel_loop3A_362, %parallel_loop3A_363] {strides = array<i32>} : memref<32x1024xf32, #tpu.memory_space<vmem>>, vector<1x16xf32>,
        %parallel_loop3A_365 = vector.shape_cast %parallel_loop3A_364 : vector<1x16xf32> to vector<16xf32>
        %parallel_loop3A_366 = vector.shape_cast %parallel_loop3A_360 : vector<16xf32> to vector<1x16xf32>
        tpu.vector_store %arg7[%parallel_loop3A_362, %parallel_loop3A_363], %parallel_loop3A_366 {strides = array<i32>} : memref<32x1024xf32, #tpu.memory_space<vmem>>, vector<1x16xf32>,
        %parallel_loop3A_367 = arith.constant 0 : i32
        %parallel_loop3A_368 = tpu.memref_slice %arg6[%squeeze3A_94, %parallel_loop3A_367] : memref<8x1024xf32, #tpu.memory_space<vmem>> -> memref<1x1024xf32, #tpu.memory_space<vmem>>
        %parallel_loop3A_369 = tpu.memref_squeeze %parallel_loop3A_368 : memref<1x1024xf32, #tpu.memory_space<vmem>> -> memref<1024xf32, #tpu.memory_space<vmem>>
        %parallel_loop3A_370 = arith.index_cast %parallel_loop3A_210 : i32 to index
        %parallel_loop3A_371 = tpu.vector_load %parallel_loop3A_369[%parallel_loop3A_370] {strides = array<i32>} : memref<1024xf32, #tpu.memory_space<vmem>>, vector<16xf32>,
        %parallel_loop3A_372 = vector.shape_cast %parallel_loop3A_371 : vector<16xf32> to vector<16xf32>
        %parallel_loop3A_373 = arith.constant 29 : i32
        %parallel_loop3A_374 = arith.index_cast %parallel_loop3A_373 : i32 to index
        %parallel_loop3A_375 = arith.index_cast %parallel_loop3A_210 : i32 to index
        %parallel_loop3A_376 = tpu.vector_load %arg7[%parallel_loop3A_374, %parallel_loop3A_375] {strides = array<i32>} : memref<32x1024xf32, #tpu.memory_space<vmem>>, vector<1x16xf32>,
        %parallel_loop3A_377 = vector.shape_cast %parallel_loop3A_376 : vector<1x16xf32> to vector<16xf32>
        %parallel_loop3A_378 = vector.shape_cast %parallel_loop3A_372 : vector<16xf32> to vector<1x16xf32>
        tpu.vector_store %arg7[%parallel_loop3A_374, %parallel_loop3A_375], %parallel_loop3A_378 {strides = array<i32>} : memref<32x1024xf32, #tpu.memory_space<vmem>>, vector<1x16xf32>,
        %parallel_loop3A_379 = arith.constant 0 : i32
        %parallel_loop3A_380 = tpu.memref_slice %arg6[%squeeze3A_96, %parallel_loop3A_379] : memref<8x1024xf32, #tpu.memory_space<vmem>> -> memref<1x1024xf32, #tpu.memory_space<vmem>>
        %parallel_loop3A_381 = tpu.memref_squeeze %parallel_loop3A_380 : memref<1x1024xf32, #tpu.memory_space<vmem>> -> memref<1024xf32, #tpu.memory_space<vmem>>
        %parallel_loop3A_382 = arith.index_cast %parallel_loop3A_210 : i32 to index
        %parallel_loop3A_383 = tpu.vector_load %parallel_loop3A_381[%parallel_loop3A_382] {strides = array<i32>} : memref<1024xf32, #tpu.memory_space<vmem>>, vector<16xf32>,
        %parallel_loop3A_384 = vector.shape_cast %parallel_loop3A_383 : vector<16xf32> to vector<16xf32>
        %parallel_loop3A_385 = arith.constant 30 : i32
        %parallel_loop3A_386 = arith.index_cast %parallel_loop3A_385 : i32 to index
        %parallel_loop3A_387 = arith.index_cast %parallel_loop3A_210 : i32 to index
        %parallel_loop3A_388 = tpu.vector_load %arg7[%parallel_loop3A_386, %parallel_loop3A_387] {strides = array<i32>} : memref<32x1024xf32, #tpu.memory_space<vmem>>, vector<1x16xf32>,
        %parallel_loop3A_389 = vector.shape_cast %parallel_loop3A_388 : vector<1x16xf32> to vector<16xf32>
        %parallel_loop3A_390 = vector.shape_cast %parallel_loop3A_384 : vector<16xf32> to vector<1x16xf32>
        tpu.vector_store %arg7[%parallel_loop3A_386, %parallel_loop3A_387], %parallel_loop3A_390 {strides = array<i32>} : memref<32x1024xf32, #tpu.memory_space<vmem>>, vector<1x16xf32>,
        %parallel_loop3A_391 = arith.constant 0 : i32
        %parallel_loop3A_392 = tpu.memref_slice %arg6[%squeeze3A_98, %parallel_loop3A_391] : memref<8x1024xf32, #tpu.memory_space<vmem>> -> memref<1x1024xf32, #tpu.memory_space<vmem>>
        %parallel_loop3A_393 = tpu.memref_squeeze %parallel_loop3A_392 : memref<1x1024xf32, #tpu.memory_space<vmem>> -> memref<1024xf32, #tpu.memory_space<vmem>>
        %parallel_loop3A_394 = arith.index_cast %parallel_loop3A_210 : i32 to index
        %parallel_loop3A_395 = tpu.vector_load %parallel_loop3A_393[%parallel_loop3A_394] {strides = array<i32>} : memref<1024xf32, #tpu.memory_space<vmem>>, vector<16xf32>,
        %parallel_loop3A_396 = vector.shape_cast %parallel_loop3A_395 : vector<16xf32> to vector<16xf32>
        %parallel_loop3A_397 = arith.constant 31 : i32
        %parallel_loop3A_398 = arith.index_cast %parallel_loop3A_397 : i32 to index
        %parallel_loop3A_399 = arith.index_cast %parallel_loop3A_210 : i32 to index
        %parallel_loop3A_400 = tpu.vector_load %arg7[%parallel_loop3A_398, %parallel_loop3A_399] {strides = array<i32>} : memref<32x1024xf32, #tpu.memory_space<vmem>>, vector<1x16xf32>,
        %parallel_loop3A_401 = vector.shape_cast %parallel_loop3A_400 : vector<1x16xf32> to vector<16xf32>
        %parallel_loop3A_402 = vector.shape_cast %parallel_loop3A_396 : vector<16xf32> to vector<1x16xf32>
        tpu.vector_store %arg7[%parallel_loop3A_398, %parallel_loop3A_399], %parallel_loop3A_402 {strides = array<i32>} : memref<32x1024xf32, #tpu.memory_space<vmem>>, vector<1x16xf32>,
      } {sc.loop_unroll_factor = 8 : i64, sc.parallel_access}
      %mul3A_102 = arith.constant 32 : i32
      %mul3A_103 = arith.muli %add3A_19, %mul3A_102 : i32
      %add3A_104 = arith.addi %mul3A_2, %mul3A_103 : i32
      %dma_start3A = arith.constant 0 : i32
      %dma_start3A_105 = tpu.memref_slice %arg4[%add3A_104, %dma_start3A] : memref<32768x1024xf32, #tpu.memory_space<hbm>> -> memref<32x1024xf32, #tpu.memory_space<hbm>>
      %dma_start3A_106 = arith.constant 0 : i32
      %dma_start3A_107 = tpu.memref_slice %arg4[%add3A_104, %dma_start3A_106] : memref<32768x1024xf32, #tpu.memory_space<hbm>> -> memref<32x1024xf32, #tpu.memory_space<hbm>>
      tpu.enqueue_dma source(%arg7 : memref<32x1024xf32, #tpu.memory_space<vmem>>) target(%dma_start3A_107 : memref<32x1024xf32, #tpu.memory_space<hbm>>) target_semaphore(%arg9 : memref<!tpu.dma_semaphore, #tpu.memory_space<semaphore_mem>>)
      %mul3A_108 = arith.constant 2 : i32
      %mul3A_109 = arith.muli %mul3A_108, %scan3A_15 : i32
      %add3A_110 = arith.constant 1 : i32
      %add3A_111 = arith.addi %mul3A_109, %add3A_110 : i32
      %ge3A_112 = arith.constant 1 : i32
      %ge3A_113 = arith.cmpi sge, %scan3A_15, %ge3A_112 : i32
      %convert_element_type3A_114 = arith.extui %ge3A_113 : i1 to i32
      %cond3A_115 = arith.constant 0 : i32
      %cond3A_116 = arith.cmpi ne, %convert_element_type3A_114, %cond3A_115 : i32
      scf.if %cond3A_116 {
        %dma_wait3A_208 = arith.constant 0 : i32
        %dma_wait3A_209 = tpu.memref_slice %arg4[%mul3A_2, %dma_wait3A_208] : memref<32768x1024xf32, #tpu.memory_space<hbm>> -> memref<32x1024xf32, #tpu.memory_space<hbm>>
        %dma_wait3A_210 = arith.constant 0 : i32
        %dma_wait3A_211 = tpu.memref_slice %arg4[%mul3A_2, %dma_wait3A_210] : memref<32768x1024xf32, #tpu.memory_space<hbm>> -> memref<32x1024xf32, #tpu.memory_space<hbm>>
        tpu.wait_dma2 semaphore(%arg10 : memref<!tpu.dma_semaphore, #tpu.memory_space<semaphore_mem>>) src(%arg8 : memref<32x1024xf32, #tpu.memory_space<vmem>>) dst(%dma_wait3A_211 : memref<32x1024xf32, #tpu.memory_space<hbm>>)
      } else {
      }
      %mul3A_117 = arith.constant 32 : i32
      %mul3A_118 = arith.muli %add3A_111, %mul3A_117 : i32
      %add3A_119 = arith.constant 0 : i32
      %add3A_120 = arith.addi %mul3A_118, %add3A_119 : i32
      %get3A_121 = arith.index_cast %add3A_120 : i32 to index
      %get3A_122 = tpu.vector_load %arg5[%get3A_121] {strides = array<i32>} : memref<1024xi32, #tpu.memory_space<vmem>>, vector<16xi32>,
      %get3A_123 = vector.shape_cast %get3A_122 : vector<16xi32> to vector<16xi32>
      %slice3A_124 = vector.extract_strided_slice %get3A_123 {offsets = [0], sizes = [1], strides = [1]} : vector<16xi32> to vector<1xi32>
      %squeeze3A_125 = vector.extract %slice3A_124[0] : i32 from vector<1xi32>
      %slice3A_126 = vector.extract_strided_slice %get3A_123 {offsets = [1], sizes = [1], strides = [1]} : vector<16xi32> to vector<1xi32>
      %squeeze3A_127 = vector.extract %slice3A_126[0] : i32 from vector<1xi32>
      %slice3A_128 = vector.extract_strided_slice %get3A_123 {offsets = [2], sizes = [1], strides = [1]} : vector<16xi32> to vector<1xi32>
      %squeeze3A_129 = vector.extract %slice3A_128[0] : i32 from vector<1xi32>
      %slice3A_130 = vector.extract_strided_slice %get3A_123 {offsets = [3], sizes = [1], strides = [1]} : vector<16xi32> to vector<1xi32>
      %squeeze3A_131 = vector.extract %slice3A_130[0] : i32 from vector<1xi32>
      %slice3A_132 = vector.extract_strided_slice %get3A_123 {offsets = [4], sizes = [1], strides = [1]} : vector<16xi32> to vector<1xi32>
      %squeeze3A_133 = vector.extract %slice3A_132[0] : i32 from vector<1xi32>
      %slice3A_134 = vector.extract_strided_slice %get3A_123 {offsets = [5], sizes = [1], strides = [1]} : vector<16xi32> to vector<1xi32>
      %squeeze3A_135 = vector.extract %slice3A_134[0] : i32 from vector<1xi32>
      %slice3A_136 = vector.extract_strided_slice %get3A_123 {offsets = [6], sizes = [1], strides = [1]} : vector<16xi32> to vector<1xi32>
      %squeeze3A_137 = vector.extract %slice3A_136[0] : i32 from vector<1xi32>
      %slice3A_138 = vector.extract_strided_slice %get3A_123 {offsets = [7], sizes = [1], strides = [1]} : vector<16xi32> to vector<1xi32>
      %squeeze3A_139 = vector.extract %slice3A_138[0] : i32 from vector<1xi32>
      %slice3A_140 = vector.extract_strided_slice %get3A_123 {offsets = [8], sizes = [1], strides = [1]} : vector<16xi32> to vector<1xi32>
      %squeeze3A_141 = vector.extract %slice3A_140[0] : i32 from vector<1xi32>
      %slice3A_142 = vector.extract_strided_slice %get3A_123 {offsets = [9], sizes = [1], strides = [1]} : vector<16xi32> to vector<1xi32>
      %squeeze3A_143 = vector.extract %slice3A_142[0] : i32 from vector<1xi32>
      %slice3A_144 = vector.extract_strided_slice %get3A_123 {offsets = [10], sizes = [1], strides = [1]} : vector<16xi32> to vector<1xi32>
      %squeeze3A_145 = vector.extract %slice3A_144[0] : i32 from vector<1xi32>
      %slice3A_146 = vector.extract_strided_slice %get3A_123 {offsets = [11], sizes = [1], strides = [1]} : vector<16xi32> to vector<1xi32>
      %squeeze3A_147 = vector.extract %slice3A_146[0] : i32 from vector<1xi32>
      %slice3A_148 = vector.extract_strided_slice %get3A_123 {offsets = [12], sizes = [1], strides = [1]} : vector<16xi32> to vector<1xi32>
      %squeeze3A_149 = vector.extract %slice3A_148[0] : i32 from vector<1xi32>
      %slice3A_150 = vector.extract_strided_slice %get3A_123 {offsets = [13], sizes = [1], strides = [1]} : vector<16xi32> to vector<1xi32>
      %squeeze3A_151 = vector.extract %slice3A_150[0] : i32 from vector<1xi32>
      %slice3A_152 = vector.extract_strided_slice %get3A_123 {offsets = [14], sizes = [1], strides = [1]} : vector<16xi32> to vector<1xi32>
      %squeeze3A_153 = vector.extract %slice3A_152[0] : i32 from vector<1xi32>
      %slice3A_154 = vector.extract_strided_slice %get3A_123 {offsets = [15], sizes = [1], strides = [1]} : vector<16xi32> to vector<1xi32>
      %squeeze3A_155 = vector.extract %slice3A_154[0] : i32 from vector<1xi32>
      %parallel_loop3A_156 = arith.constant 0 : i32
      %parallel_loop3A_157 = arith.constant 64 : i32
      %parallel_loop3A_158 = arith.constant 1 : i32
      scf.for %parallel_loop3A_208 = %parallel_loop3A_156 to %parallel_loop3A_157 step %parallel_loop3A_158  : i32 {
        %parallel_loop3A_209 = arith.constant 16 : i32
        %parallel_loop3A_210 = arith.muli %parallel_loop3A_208, %parallel_loop3A_209 : i32
        %parallel_loop3A_211 = arith.constant 0 : i32
        %parallel_loop3A_212 = tpu.memref_slice %arg6[%squeeze3A_125, %parallel_loop3A_211] : memref<8x1024xf32, #tpu.memory_space<vmem>> -> memref<1x1024xf32, #tpu.memory_space<vmem>>
        %parallel_loop3A_213 = tpu.memref_squeeze %parallel_loop3A_212 : memref<1x1024xf32, #tpu.memory_space<vmem>> -> memref<1024xf32, #tpu.memory_space<vmem>>
        %parallel_loop3A_214 = arith.index_cast %parallel_loop3A_210 : i32 to index
        %parallel_loop3A_215 = tpu.vector_load %parallel_loop3A_213[%parallel_loop3A_214] {strides = array<i32>} : memref<1024xf32, #tpu.memory_space<vmem>>, vector<16xf32>,
        %parallel_loop3A_216 = vector.shape_cast %parallel_loop3A_215 : vector<16xf32> to vector<16xf32>
        %parallel_loop3A_217 = arith.constant 0 : i32
        %parallel_loop3A_218 = arith.index_cast %parallel_loop3A_217 : i32 to index
        %parallel_loop3A_219 = arith.index_cast %parallel_loop3A_210 : i32 to index
        %parallel_loop3A_220 = tpu.vector_load %arg8[%parallel_loop3A_218, %parallel_loop3A_219] {strides = array<i32>} : memref<32x1024xf32, #tpu.memory_space<vmem>>, vector<1x16xf32>,
        %parallel_loop3A_221 = vector.shape_cast %parallel_loop3A_220 : vector<1x16xf32> to vector<16xf32>
        %parallel_loop3A_222 = vector.shape_cast %parallel_loop3A_216 : vector<16xf32> to vector<1x16xf32>
        tpu.vector_store %arg8[%parallel_loop3A_218, %parallel_loop3A_219], %parallel_loop3A_222 {strides = array<i32>} : memref<32x1024xf32, #tpu.memory_space<vmem>>, vector<1x16xf32>,
        %parallel_loop3A_223 = arith.constant 0 : i32
        %parallel_loop3A_224 = tpu.memref_slice %arg6[%squeeze3A_127, %parallel_loop3A_223] : memref<8x1024xf32, #tpu.memory_space<vmem>> -> memref<1x1024xf32, #tpu.memory_space<vmem>>
        %parallel_loop3A_225 = tpu.memref_squeeze %parallel_loop3A_224 : memref<1x1024xf32, #tpu.memory_space<vmem>> -> memref<1024xf32, #tpu.memory_space<vmem>>
        %parallel_loop3A_226 = arith.index_cast %parallel_loop3A_210 : i32 to index
        %parallel_loop3A_227 = tpu.vector_load %parallel_loop3A_225[%parallel_loop3A_226] {strides = array<i32>} : memref<1024xf32, #tpu.memory_space<vmem>>, vector<16xf32>,
        %parallel_loop3A_228 = vector.shape_cast %parallel_loop3A_227 : vector<16xf32> to vector<16xf32>
        %parallel_loop3A_229 = arith.constant 1 : i32
        %parallel_loop3A_230 = arith.index_cast %parallel_loop3A_229 : i32 to index
        %parallel_loop3A_231 = arith.index_cast %parallel_loop3A_210 : i32 to index
        %parallel_loop3A_232 = tpu.vector_load %arg8[%parallel_loop3A_230, %parallel_loop3A_231] {strides = array<i32>} : memref<32x1024xf32, #tpu.memory_space<vmem>>, vector<1x16xf32>,
        %parallel_loop3A_233 = vector.shape_cast %parallel_loop3A_232 : vector<1x16xf32> to vector<16xf32>
        %parallel_loop3A_234 = vector.shape_cast %parallel_loop3A_228 : vector<16xf32> to vector<1x16xf32>
        tpu.vector_store %arg8[%parallel_loop3A_230, %parallel_loop3A_231], %parallel_loop3A_234 {strides = array<i32>} : memref<32x1024xf32, #tpu.memory_space<vmem>>, vector<1x16xf32>,
        %parallel_loop3A_235 = arith.constant 0 : i32
        %parallel_loop3A_236 = tpu.memref_slice %arg6[%squeeze3A_129, %parallel_loop3A_235] : memref<8x1024xf32, #tpu.memory_space<vmem>> -> memref<1x1024xf32, #tpu.memory_space<vmem>>
        %parallel_loop3A_237 = tpu.memref_squeeze %parallel_loop3A_236 : memref<1x1024xf32, #tpu.memory_space<vmem>> -> memref<1024xf32, #tpu.memory_space<vmem>>
        %parallel_loop3A_238 = arith.index_cast %parallel_loop3A_210 : i32 to index
        %parallel_loop3A_239 = tpu.vector_load %parallel_loop3A_237[%parallel_loop3A_238] {strides = array<i32>} : memref<1024xf32, #tpu.memory_space<vmem>>, vector<16xf32>,
        %parallel_loop3A_240 = vector.shape_cast %parallel_loop3A_239 : vector<16xf32> to vector<16xf32>
        %parallel_loop3A_241 = arith.constant 2 : i32
        %parallel_loop3A_242 = arith.index_cast %parallel_loop3A_241 : i32 to index
        %parallel_loop3A_243 = arith.index_cast %parallel_loop3A_210 : i32 to index
        %parallel_loop3A_244 = tpu.vector_load %arg8[%parallel_loop3A_242, %parallel_loop3A_243] {strides = array<i32>} : memref<32x1024xf32, #tpu.memory_space<vmem>>, vector<1x16xf32>,
        %parallel_loop3A_245 = vector.shape_cast %parallel_loop3A_244 : vector<1x16xf32> to vector<16xf32>
        %parallel_loop3A_246 = vector.shape_cast %parallel_loop3A_240 : vector<16xf32> to vector<1x16xf32>
        tpu.vector_store %arg8[%parallel_loop3A_242, %parallel_loop3A_243], %parallel_loop3A_246 {strides = array<i32>} : memref<32x1024xf32, #tpu.memory_space<vmem>>, vector<1x16xf32>,
        %parallel_loop3A_247 = arith.constant 0 : i32
        %parallel_loop3A_248 = tpu.memref_slice %arg6[%squeeze3A_131, %parallel_loop3A_247] : memref<8x1024xf32, #tpu.memory_space<vmem>> -> memref<1x1024xf32, #tpu.memory_space<vmem>>
        %parallel_loop3A_249 = tpu.memref_squeeze %parallel_loop3A_248 : memref<1x1024xf32, #tpu.memory_space<vmem>> -> memref<1024xf32, #tpu.memory_space<vmem>>
        %parallel_loop3A_250 = arith.index_cast %parallel_loop3A_210 : i32 to index
        %parallel_loop3A_251 = tpu.vector_load %parallel_loop3A_249[%parallel_loop3A_250] {strides = array<i32>} : memref<1024xf32, #tpu.memory_space<vmem>>, vector<16xf32>,
        %parallel_loop3A_252 = vector.shape_cast %parallel_loop3A_251 : vector<16xf32> to vector<16xf32>
        %parallel_loop3A_253 = arith.constant 3 : i32
        %parallel_loop3A_254 = arith.index_cast %parallel_loop3A_253 : i32 to index
        %parallel_loop3A_255 = arith.index_cast %parallel_loop3A_210 : i32 to index
        %parallel_loop3A_256 = tpu.vector_load %arg8[%parallel_loop3A_254, %parallel_loop3A_255] {strides = array<i32>} : memref<32x1024xf32, #tpu.memory_space<vmem>>, vector<1x16xf32>,
        %parallel_loop3A_257 = vector.shape_cast %parallel_loop3A_256 : vector<1x16xf32> to vector<16xf32>
        %parallel_loop3A_258 = vector.shape_cast %parallel_loop3A_252 : vector<16xf32> to vector<1x16xf32>
        tpu.vector_store %arg8[%parallel_loop3A_254, %parallel_loop3A_255], %parallel_loop3A_258 {strides = array<i32>} : memref<32x1024xf32, #tpu.memory_space<vmem>>, vector<1x16xf32>,
        %parallel_loop3A_259 = arith.constant 0 : i32
        %parallel_loop3A_260 = tpu.memref_slice %arg6[%squeeze3A_133, %parallel_loop3A_259] : memref<8x1024xf32, #tpu.memory_space<vmem>> -> memref<1x1024xf32, #tpu.memory_space<vmem>>
        %parallel_loop3A_261 = tpu.memref_squeeze %parallel_loop3A_260 : memref<1x1024xf32, #tpu.memory_space<vmem>> -> memref<1024xf32, #tpu.memory_space<vmem>>
        %parallel_loop3A_262 = arith.index_cast %parallel_loop3A_210 : i32 to index
        %parallel_loop3A_263 = tpu.vector_load %parallel_loop3A_261[%parallel_loop3A_262] {strides = array<i32>} : memref<1024xf32, #tpu.memory_space<vmem>>, vector<16xf32>,
        %parallel_loop3A_264 = vector.shape_cast %parallel_loop3A_263 : vector<16xf32> to vector<16xf32>
        %parallel_loop3A_265 = arith.constant 4 : i32
        %parallel_loop3A_266 = arith.index_cast %parallel_loop3A_265 : i32 to index
        %parallel_loop3A_267 = arith.index_cast %parallel_loop3A_210 : i32 to index
        %parallel_loop3A_268 = tpu.vector_load %arg8[%parallel_loop3A_266, %parallel_loop3A_267] {strides = array<i32>} : memref<32x1024xf32, #tpu.memory_space<vmem>>, vector<1x16xf32>,
        %parallel_loop3A_269 = vector.shape_cast %parallel_loop3A_268 : vector<1x16xf32> to vector<16xf32>
        %parallel_loop3A_270 = vector.shape_cast %parallel_loop3A_264 : vector<16xf32> to vector<1x16xf32>
        tpu.vector_store %arg8[%parallel_loop3A_266, %parallel_loop3A_267], %parallel_loop3A_270 {strides = array<i32>} : memref<32x1024xf32, #tpu.memory_space<vmem>>, vector<1x16xf32>,
        %parallel_loop3A_271 = arith.constant 0 : i32
        %parallel_loop3A_272 = tpu.memref_slice %arg6[%squeeze3A_135, %parallel_loop3A_271] : memref<8x1024xf32, #tpu.memory_space<vmem>> -> memref<1x1024xf32, #tpu.memory_space<vmem>>
        %parallel_loop3A_273 = tpu.memref_squeeze %parallel_loop3A_272 : memref<1x1024xf32, #tpu.memory_space<vmem>> -> memref<1024xf32, #tpu.memory_space<vmem>>
        %parallel_loop3A_274 = arith.index_cast %parallel_loop3A_210 : i32 to index
        %parallel_loop3A_275 = tpu.vector_load %parallel_loop3A_273[%parallel_loop3A_274] {strides = array<i32>} : memref<1024xf32, #tpu.memory_space<vmem>>, vector<16xf32>,
        %parallel_loop3A_276 = vector.shape_cast %parallel_loop3A_275 : vector<16xf32> to vector<16xf32>
        %parallel_loop3A_277 = arith.constant 5 : i32
        %parallel_loop3A_278 = arith.index_cast %parallel_loop3A_277 : i32 to index
        %parallel_loop3A_279 = arith.index_cast %parallel_loop3A_210 : i32 to index
        %parallel_loop3A_280 = tpu.vector_load %arg8[%parallel_loop3A_278, %parallel_loop3A_279] {strides = array<i32>} : memref<32x1024xf32, #tpu.memory_space<vmem>>, vector<1x16xf32>,
        %parallel_loop3A_281 = vector.shape_cast %parallel_loop3A_280 : vector<1x16xf32> to vector<16xf32>
        %parallel_loop3A_282 = vector.shape_cast %parallel_loop3A_276 : vector<16xf32> to vector<1x16xf32>
        tpu.vector_store %arg8[%parallel_loop3A_278, %parallel_loop3A_279], %parallel_loop3A_282 {strides = array<i32>} : memref<32x1024xf32, #tpu.memory_space<vmem>>, vector<1x16xf32>,
        %parallel_loop3A_283 = arith.constant 0 : i32
        %parallel_loop3A_284 = tpu.memref_slice %arg6[%squeeze3A_137, %parallel_loop3A_283] : memref<8x1024xf32, #tpu.memory_space<vmem>> -> memref<1x1024xf32, #tpu.memory_space<vmem>>
        %parallel_loop3A_285 = tpu.memref_squeeze %parallel_loop3A_284 : memref<1x1024xf32, #tpu.memory_space<vmem>> -> memref<1024xf32, #tpu.memory_space<vmem>>
        %parallel_loop3A_286 = arith.index_cast %parallel_loop3A_210 : i32 to index
        %parallel_loop3A_287 = tpu.vector_load %parallel_loop3A_285[%parallel_loop3A_286] {strides = array<i32>} : memref<1024xf32, #tpu.memory_space<vmem>>, vector<16xf32>,
        %parallel_loop3A_288 = vector.shape_cast %parallel_loop3A_287 : vector<16xf32> to vector<16xf32>
        %parallel_loop3A_289 = arith.constant 6 : i32
        %parallel_loop3A_290 = arith.index_cast %parallel_loop3A_289 : i32 to index
        %parallel_loop3A_291 = arith.index_cast %parallel_loop3A_210 : i32 to index
        %parallel_loop3A_292 = tpu.vector_load %arg8[%parallel_loop3A_290, %parallel_loop3A_291] {strides = array<i32>} : memref<32x1024xf32, #tpu.memory_space<vmem>>, vector<1x16xf32>,
        %parallel_loop3A_293 = vector.shape_cast %parallel_loop3A_292 : vector<1x16xf32> to vector<16xf32>
        %parallel_loop3A_294 = vector.shape_cast %parallel_loop3A_288 : vector<16xf32> to vector<1x16xf32>
        tpu.vector_store %arg8[%parallel_loop3A_290, %parallel_loop3A_291], %parallel_loop3A_294 {strides = array<i32>} : memref<32x1024xf32, #tpu.memory_space<vmem>>, vector<1x16xf32>,
        %parallel_loop3A_295 = arith.constant 0 : i32
        %parallel_loop3A_296 = tpu.memref_slice %arg6[%squeeze3A_139, %parallel_loop3A_295] : memref<8x1024xf32, #tpu.memory_space<vmem>> -> memref<1x1024xf32, #tpu.memory_space<vmem>>
        %parallel_loop3A_297 = tpu.memref_squeeze %parallel_loop3A_296 : memref<1x1024xf32, #tpu.memory_space<vmem>> -> memref<1024xf32, #tpu.memory_space<vmem>>
        %parallel_loop3A_298 = arith.index_cast %parallel_loop3A_210 : i32 to index
        %parallel_loop3A_299 = tpu.vector_load %parallel_loop3A_297[%parallel_loop3A_298] {strides = array<i32>} : memref<1024xf32, #tpu.memory_space<vmem>>, vector<16xf32>,
        %parallel_loop3A_300 = vector.shape_cast %parallel_loop3A_299 : vector<16xf32> to vector<16xf32>
        %parallel_loop3A_301 = arith.constant 7 : i32
        %parallel_loop3A_302 = arith.index_cast %parallel_loop3A_301 : i32 to index
        %parallel_loop3A_303 = arith.index_cast %parallel_loop3A_210 : i32 to index
        %parallel_loop3A_304 = tpu.vector_load %arg8[%parallel_loop3A_302, %parallel_loop3A_303] {strides = array<i32>} : memref<32x1024xf32, #tpu.memory_space<vmem>>, vector<1x16xf32>,
        %parallel_loop3A_305 = vector.shape_cast %parallel_loop3A_304 : vector<1x16xf32> to vector<16xf32>
        %parallel_loop3A_306 = vector.shape_cast %parallel_loop3A_300 : vector<16xf32> to vector<1x16xf32>
        tpu.vector_store %arg8[%parallel_loop3A_302, %parallel_loop3A_303], %parallel_loop3A_306 {strides = array<i32>} : memref<32x1024xf32, #tpu.memory_space<vmem>>, vector<1x16xf32>,
        %parallel_loop3A_307 = arith.constant 0 : i32
        %parallel_loop3A_308 = tpu.memref_slice %arg6[%squeeze3A_141, %parallel_loop3A_307] : memref<8x1024xf32, #tpu.memory_space<vmem>> -> memref<1x1024xf32, #tpu.memory_space<vmem>>
        %parallel_loop3A_309 = tpu.memref_squeeze %parallel_loop3A_308 : memref<1x1024xf32, #tpu.memory_space<vmem>> -> memref<1024xf32, #tpu.memory_space<vmem>>
        %parallel_loop3A_310 = arith.index_cast %parallel_loop3A_210 : i32 to index
        %parallel_loop3A_311 = tpu.vector_load %parallel_loop3A_309[%parallel_loop3A_310] {strides = array<i32>} : memref<1024xf32, #tpu.memory_space<vmem>>, vector<16xf32>,
        %parallel_loop3A_312 = vector.shape_cast %parallel_loop3A_311 : vector<16xf32> to vector<16xf32>
        %parallel_loop3A_313 = arith.constant 8 : i32
        %parallel_loop3A_314 = arith.index_cast %parallel_loop3A_313 : i32 to index
        %parallel_loop3A_315 = arith.index_cast %parallel_loop3A_210 : i32 to index
        %parallel_loop3A_316 = tpu.vector_load %arg8[%parallel_loop3A_314, %parallel_loop3A_315] {strides = array<i32>} : memref<32x1024xf32, #tpu.memory_space<vmem>>, vector<1x16xf32>,
        %parallel_loop3A_317 = vector.shape_cast %parallel_loop3A_316 : vector<1x16xf32> to vector<16xf32>
        %parallel_loop3A_318 = vector.shape_cast %parallel_loop3A_312 : vector<16xf32> to vector<1x16xf32>
        tpu.vector_store %arg8[%parallel_loop3A_314, %parallel_loop3A_315], %parallel_loop3A_318 {strides = array<i32>} : memref<32x1024xf32, #tpu.memory_space<vmem>>, vector<1x16xf32>,
        %parallel_loop3A_319 = arith.constant 0 : i32
        %parallel_loop3A_320 = tpu.memref_slice %arg6[%squeeze3A_143, %parallel_loop3A_319] : memref<8x1024xf32, #tpu.memory_space<vmem>> -> memref<1x1024xf32, #tpu.memory_space<vmem>>
        %parallel_loop3A_321 = tpu.memref_squeeze %parallel_loop3A_320 : memref<1x1024xf32, #tpu.memory_space<vmem>> -> memref<1024xf32, #tpu.memory_space<vmem>>
        %parallel_loop3A_322 = arith.index_cast %parallel_loop3A_210 : i32 to index
        %parallel_loop3A_323 = tpu.vector_load %parallel_loop3A_321[%parallel_loop3A_322] {strides = array<i32>} : memref<1024xf32, #tpu.memory_space<vmem>>, vector<16xf32>,
        %parallel_loop3A_324 = vector.shape_cast %parallel_loop3A_323 : vector<16xf32> to vector<16xf32>
        %parallel_loop3A_325 = arith.constant 9 : i32
        %parallel_loop3A_326 = arith.index_cast %parallel_loop3A_325 : i32 to index
        %parallel_loop3A_327 = arith.index_cast %parallel_loop3A_210 : i32 to index
        %parallel_loop3A_328 = tpu.vector_load %arg8[%parallel_loop3A_326, %parallel_loop3A_327] {strides = array<i32>} : memref<32x1024xf32, #tpu.memory_space<vmem>>, vector<1x16xf32>,
        %parallel_loop3A_329 = vector.shape_cast %parallel_loop3A_328 : vector<1x16xf32> to vector<16xf32>
        %parallel_loop3A_330 = vector.shape_cast %parallel_loop3A_324 : vector<16xf32> to vector<1x16xf32>
        tpu.vector_store %arg8[%parallel_loop3A_326, %parallel_loop3A_327], %parallel_loop3A_330 {strides = array<i32>} : memref<32x1024xf32, #tpu.memory_space<vmem>>, vector<1x16xf32>,
        %parallel_loop3A_331 = arith.constant 0 : i32
        %parallel_loop3A_332 = tpu.memref_slice %arg6[%squeeze3A_145, %parallel_loop3A_331] : memref<8x1024xf32, #tpu.memory_space<vmem>> -> memref<1x1024xf32, #tpu.memory_space<vmem>>
        %parallel_loop3A_333 = tpu.memref_squeeze %parallel_loop3A_332 : memref<1x1024xf32, #tpu.memory_space<vmem>> -> memref<1024xf32, #tpu.memory_space<vmem>>
        %parallel_loop3A_334 = arith.index_cast %parallel_loop3A_210 : i32 to index
        %parallel_loop3A_335 = tpu.vector_load %parallel_loop3A_333[%parallel_loop3A_334] {strides = array<i32>} : memref<1024xf32, #tpu.memory_space<vmem>>, vector<16xf32>,
        %parallel_loop3A_336 = vector.shape_cast %parallel_loop3A_335 : vector<16xf32> to vector<16xf32>
        %parallel_loop3A_337 = arith.constant 10 : i32
        %parallel_loop3A_338 = arith.index_cast %parallel_loop3A_337 : i32 to index
        %parallel_loop3A_339 = arith.index_cast %parallel_loop3A_210 : i32 to index
        %parallel_loop3A_340 = tpu.vector_load %arg8[%parallel_loop3A_338, %parallel_loop3A_339] {strides = array<i32>} : memref<32x1024xf32, #tpu.memory_space<vmem>>, vector<1x16xf32>,
        %parallel_loop3A_341 = vector.shape_cast %parallel_loop3A_340 : vector<1x16xf32> to vector<16xf32>
        %parallel_loop3A_342 = vector.shape_cast %parallel_loop3A_336 : vector<16xf32> to vector<1x16xf32>
        tpu.vector_store %arg8[%parallel_loop3A_338, %parallel_loop3A_339], %parallel_loop3A_342 {strides = array<i32>} : memref<32x1024xf32, #tpu.memory_space<vmem>>, vector<1x16xf32>,
        %parallel_loop3A_343 = arith.constant 0 : i32
        %parallel_loop3A_344 = tpu.memref_slice %arg6[%squeeze3A_147, %parallel_loop3A_343] : memref<8x1024xf32, #tpu.memory_space<vmem>> -> memref<1x1024xf32, #tpu.memory_space<vmem>>
        %parallel_loop3A_345 = tpu.memref_squeeze %parallel_loop3A_344 : memref<1x1024xf32, #tpu.memory_space<vmem>> -> memref<1024xf32, #tpu.memory_space<vmem>>
        %parallel_loop3A_346 = arith.index_cast %parallel_loop3A_210 : i32 to index
        %parallel_loop3A_347 = tpu.vector_load %parallel_loop3A_345[%parallel_loop3A_346] {strides = array<i32>} : memref<1024xf32, #tpu.memory_space<vmem>>, vector<16xf32>,
        %parallel_loop3A_348 = vector.shape_cast %parallel_loop3A_347 : vector<16xf32> to vector<16xf32>
        %parallel_loop3A_349 = arith.constant 11 : i32
        %parallel_loop3A_350 = arith.index_cast %parallel_loop3A_349 : i32 to index
        %parallel_loop3A_351 = arith.index_cast %parallel_loop3A_210 : i32 to index
        %parallel_loop3A_352 = tpu.vector_load %arg8[%parallel_loop3A_350, %parallel_loop3A_351] {strides = array<i32>} : memref<32x1024xf32, #tpu.memory_space<vmem>>, vector<1x16xf32>,
        %parallel_loop3A_353 = vector.shape_cast %parallel_loop3A_352 : vector<1x16xf32> to vector<16xf32>
        %parallel_loop3A_354 = vector.shape_cast %parallel_loop3A_348 : vector<16xf32> to vector<1x16xf32>
        tpu.vector_store %arg8[%parallel_loop3A_350, %parallel_loop3A_351], %parallel_loop3A_354 {strides = array<i32>} : memref<32x1024xf32, #tpu.memory_space<vmem>>, vector<1x16xf32>,
        %parallel_loop3A_355 = arith.constant 0 : i32
        %parallel_loop3A_356 = tpu.memref_slice %arg6[%squeeze3A_149, %parallel_loop3A_355] : memref<8x1024xf32, #tpu.memory_space<vmem>> -> memref<1x1024xf32, #tpu.memory_space<vmem>>
        %parallel_loop3A_357 = tpu.memref_squeeze %parallel_loop3A_356 : memref<1x1024xf32, #tpu.memory_space<vmem>> -> memref<1024xf32, #tpu.memory_space<vmem>>
        %parallel_loop3A_358 = arith.index_cast %parallel_loop3A_210 : i32 to index
        %parallel_loop3A_359 = tpu.vector_load %parallel_loop3A_357[%parallel_loop3A_358] {strides = array<i32>} : memref<1024xf32, #tpu.memory_space<vmem>>, vector<16xf32>,
        %parallel_loop3A_360 = vector.shape_cast %parallel_loop3A_359 : vector<16xf32> to vector<16xf32>
        %parallel_loop3A_361 = arith.constant 12 : i32
        %parallel_loop3A_362 = arith.index_cast %parallel_loop3A_361 : i32 to index
        %parallel_loop3A_363 = arith.index_cast %parallel_loop3A_210 : i32 to index
        %parallel_loop3A_364 = tpu.vector_load %arg8[%parallel_loop3A_362, %parallel_loop3A_363] {strides = array<i32>} : memref<32x1024xf32, #tpu.memory_space<vmem>>, vector<1x16xf32>,
        %parallel_loop3A_365 = vector.shape_cast %parallel_loop3A_364 : vector<1x16xf32> to vector<16xf32>
        %parallel_loop3A_366 = vector.shape_cast %parallel_loop3A_360 : vector<16xf32> to vector<1x16xf32>
        tpu.vector_store %arg8[%parallel_loop3A_362, %parallel_loop3A_363], %parallel_loop3A_366 {strides = array<i32>} : memref<32x1024xf32, #tpu.memory_space<vmem>>, vector<1x16xf32>,
        %parallel_loop3A_367 = arith.constant 0 : i32
        %parallel_loop3A_368 = tpu.memref_slice %arg6[%squeeze3A_151, %parallel_loop3A_367] : memref<8x1024xf32, #tpu.memory_space<vmem>> -> memref<1x1024xf32, #tpu.memory_space<vmem>>
        %parallel_loop3A_369 = tpu.memref_squeeze %parallel_loop3A_368 : memref<1x1024xf32, #tpu.memory_space<vmem>> -> memref<1024xf32, #tpu.memory_space<vmem>>
        %parallel_loop3A_370 = arith.index_cast %parallel_loop3A_210 : i32 to index
        %parallel_loop3A_371 = tpu.vector_load %parallel_loop3A_369[%parallel_loop3A_370] {strides = array<i32>} : memref<1024xf32, #tpu.memory_space<vmem>>, vector<16xf32>,
        %parallel_loop3A_372 = vector.shape_cast %parallel_loop3A_371 : vector<16xf32> to vector<16xf32>
        %parallel_loop3A_373 = arith.constant 13 : i32
        %parallel_loop3A_374 = arith.index_cast %parallel_loop3A_373 : i32 to index
        %parallel_loop3A_375 = arith.index_cast %parallel_loop3A_210 : i32 to index
        %parallel_loop3A_376 = tpu.vector_load %arg8[%parallel_loop3A_374, %parallel_loop3A_375] {strides = array<i32>} : memref<32x1024xf32, #tpu.memory_space<vmem>>, vector<1x16xf32>,
        %parallel_loop3A_377 = vector.shape_cast %parallel_loop3A_376 : vector<1x16xf32> to vector<16xf32>
        %parallel_loop3A_378 = vector.shape_cast %parallel_loop3A_372 : vector<16xf32> to vector<1x16xf32>
        tpu.vector_store %arg8[%parallel_loop3A_374, %parallel_loop3A_375], %parallel_loop3A_378 {strides = array<i32>} : memref<32x1024xf32, #tpu.memory_space<vmem>>, vector<1x16xf32>,
        %parallel_loop3A_379 = arith.constant 0 : i32
        %parallel_loop3A_380 = tpu.memref_slice %arg6[%squeeze3A_153, %parallel_loop3A_379] : memref<8x1024xf32, #tpu.memory_space<vmem>> -> memref<1x1024xf32, #tpu.memory_space<vmem>>
        %parallel_loop3A_381 = tpu.memref_squeeze %parallel_loop3A_380 : memref<1x1024xf32, #tpu.memory_space<vmem>> -> memref<1024xf32, #tpu.memory_space<vmem>>
        %parallel_loop3A_382 = arith.index_cast %parallel_loop3A_210 : i32 to index
        %parallel_loop3A_383 = tpu.vector_load %parallel_loop3A_381[%parallel_loop3A_382] {strides = array<i32>} : memref<1024xf32, #tpu.memory_space<vmem>>, vector<16xf32>,
        %parallel_loop3A_384 = vector.shape_cast %parallel_loop3A_383 : vector<16xf32> to vector<16xf32>
        %parallel_loop3A_385 = arith.constant 14 : i32
        %parallel_loop3A_386 = arith.index_cast %parallel_loop3A_385 : i32 to index
        %parallel_loop3A_387 = arith.index_cast %parallel_loop3A_210 : i32 to index
        %parallel_loop3A_388 = tpu.vector_load %arg8[%parallel_loop3A_386, %parallel_loop3A_387] {strides = array<i32>} : memref<32x1024xf32, #tpu.memory_space<vmem>>, vector<1x16xf32>,
        %parallel_loop3A_389 = vector.shape_cast %parallel_loop3A_388 : vector<1x16xf32> to vector<16xf32>
        %parallel_loop3A_390 = vector.shape_cast %parallel_loop3A_384 : vector<16xf32> to vector<1x16xf32>
        tpu.vector_store %arg8[%parallel_loop3A_386, %parallel_loop3A_387], %parallel_loop3A_390 {strides = array<i32>} : memref<32x1024xf32, #tpu.memory_space<vmem>>, vector<1x16xf32>,
        %parallel_loop3A_391 = arith.constant 0 : i32
        %parallel_loop3A_392 = tpu.memref_slice %arg6[%squeeze3A_155, %parallel_loop3A_391] : memref<8x1024xf32, #tpu.memory_space<vmem>> -> memref<1x1024xf32, #tpu.memory_space<vmem>>
        %parallel_loop3A_393 = tpu.memref_squeeze %parallel_loop3A_392 : memref<1x1024xf32, #tpu.memory_space<vmem>> -> memref<1024xf32, #tpu.memory_space<vmem>>
        %parallel_loop3A_394 = arith.index_cast %parallel_loop3A_210 : i32 to index
        %parallel_loop3A_395 = tpu.vector_load %parallel_loop3A_393[%parallel_loop3A_394] {strides = array<i32>} : memref<1024xf32, #tpu.memory_space<vmem>>, vector<16xf32>,
        %parallel_loop3A_396 = vector.shape_cast %parallel_loop3A_395 : vector<16xf32> to vector<16xf32>
        %parallel_loop3A_397 = arith.constant 15 : i32
        %parallel_loop3A_398 = arith.index_cast %parallel_loop3A_397 : i32 to index
        %parallel_loop3A_399 = arith.index_cast %parallel_loop3A_210 : i32 to index
        %parallel_loop3A_400 = tpu.vector_load %arg8[%parallel_loop3A_398, %parallel_loop3A_399] {strides = array<i32>} : memref<32x1024xf32, #tpu.memory_space<vmem>>, vector<1x16xf32>,
        %parallel_loop3A_401 = vector.shape_cast %parallel_loop3A_400 : vector<1x16xf32> to vector<16xf32>
        %parallel_loop3A_402 = vector.shape_cast %parallel_loop3A_396 : vector<16xf32> to vector<1x16xf32>
        tpu.vector_store %arg8[%parallel_loop3A_398, %parallel_loop3A_399], %parallel_loop3A_402 {strides = array<i32>} : memref<32x1024xf32, #tpu.memory_space<vmem>>, vector<1x16xf32>,
      } {sc.loop_unroll_factor = 8 : i64, sc.parallel_access}
      %mul3A_159 = arith.constant 32 : i32
      %mul3A_160 = arith.muli %add3A_111, %mul3A_159 : i32
      %add3A_161 = arith.constant 16 : i32
      %add3A_162 = arith.addi %mul3A_160, %add3A_161 : i32
      %get3A_163 = arith.index_cast %add3A_162 : i32 to index
      %get3A_164 = tpu.vector_load %arg5[%get3A_163] {strides = array<i32>} : memref<1024xi32, #tpu.memory_space<vmem>>, vector<16xi32>,
      %get3A_165 = vector.shape_cast %get3A_164 : vector<16xi32> to vector<16xi32>
      %slice3A_166 = vector.extract_strided_slice %get3A_165 {offsets = [0], sizes = [1], strides = [1]} : vector<16xi32> to vector<1xi32>
      %squeeze3A_167 = vector.extract %slice3A_166[0] : i32 from vector<1xi32>
      %slice3A_168 = vector.extract_strided_slice %get3A_165 {offsets = [1], sizes = [1], strides = [1]} : vector<16xi32> to vector<1xi32>
      %squeeze3A_169 = vector.extract %slice3A_168[0] : i32 from vector<1xi32>
      %slice3A_170 = vector.extract_strided_slice %get3A_165 {offsets = [2], sizes = [1], strides = [1]} : vector<16xi32> to vector<1xi32>
      %squeeze3A_171 = vector.extract %slice3A_170[0] : i32 from vector<1xi32>
      %slice3A_172 = vector.extract_strided_slice %get3A_165 {offsets = [3], sizes = [1], strides = [1]} : vector<16xi32> to vector<1xi32>
      %squeeze3A_173 = vector.extract %slice3A_172[0] : i32 from vector<1xi32>
      %slice3A_174 = vector.extract_strided_slice %get3A_165 {offsets = [4], sizes = [1], strides = [1]} : vector<16xi32> to vector<1xi32>
      %squeeze3A_175 = vector.extract %slice3A_174[0] : i32 from vector<1xi32>
      %slice3A_176 = vector.extract_strided_slice %get3A_165 {offsets = [5], sizes = [1], strides = [1]} : vector<16xi32> to vector<1xi32>
      %squeeze3A_177 = vector.extract %slice3A_176[0] : i32 from vector<1xi32>
      %slice3A_178 = vector.extract_strided_slice %get3A_165 {offsets = [6], sizes = [1], strides = [1]} : vector<16xi32> to vector<1xi32>
      %squeeze3A_179 = vector.extract %slice3A_178[0] : i32 from vector<1xi32>
      %slice3A_180 = vector.extract_strided_slice %get3A_165 {offsets = [7], sizes = [1], strides = [1]} : vector<16xi32> to vector<1xi32>
      %squeeze3A_181 = vector.extract %slice3A_180[0] : i32 from vector<1xi32>
      %slice3A_182 = vector.extract_strided_slice %get3A_165 {offsets = [8], sizes = [1], strides = [1]} : vector<16xi32> to vector<1xi32>
      %squeeze3A_183 = vector.extract %slice3A_182[0] : i32 from vector<1xi32>
      %slice3A_184 = vector.extract_strided_slice %get3A_165 {offsets = [9], sizes = [1], strides = [1]} : vector<16xi32> to vector<1xi32>
      %squeeze3A_185 = vector.extract %slice3A_184[0] : i32 from vector<1xi32>
      %slice3A_186 = vector.extract_strided_slice %get3A_165 {offsets = [10], sizes = [1], strides = [1]} : vector<16xi32> to vector<1xi32>
      %squeeze3A_187 = vector.extract %slice3A_186[0] : i32 from vector<1xi32>
      %slice3A_188 = vector.extract_strided_slice %get3A_165 {offsets = [11], sizes = [1], strides = [1]} : vector<16xi32> to vector<1xi32>
      %squeeze3A_189 = vector.extract %slice3A_188[0] : i32 from vector<1xi32>
      %slice3A_190 = vector.extract_strided_slice %get3A_165 {offsets = [12], sizes = [1], strides = [1]} : vector<16xi32> to vector<1xi32>
      %squeeze3A_191 = vector.extract %slice3A_190[0] : i32 from vector<1xi32>
      %slice3A_192 = vector.extract_strided_slice %get3A_165 {offsets = [13], sizes = [1], strides = [1]} : vector<16xi32> to vector<1xi32>
      %squeeze3A_193 = vector.extract %slice3A_192[0] : i32 from vector<1xi32>
      %slice3A_194 = vector.extract_strided_slice %get3A_165 {offsets = [14], sizes = [1], strides = [1]} : vector<16xi32> to vector<1xi32>
      %squeeze3A_195 = vector.extract %slice3A_194[0] : i32 from vector<1xi32>
      %slice3A_196 = vector.extract_strided_slice %get3A_165 {offsets = [15], sizes = [1], strides = [1]} : vector<16xi32> to vector<1xi32>
      %squeeze3A_197 = vector.extract %slice3A_196[0] : i32 from vector<1xi32>
      %parallel_loop3A_198 = arith.constant 0 : i32
      %parallel_loop3A_199 = arith.constant 64 : i32
      %parallel_loop3A_200 = arith.constant 1 : i32
      scf.for %parallel_loop3A_208 = %parallel_loop3A_198 to %parallel_loop3A_199 step %parallel_loop3A_200  : i32 {
        %parallel_loop3A_209 = arith.constant 16 : i32
        %parallel_loop3A_210 = arith.muli %parallel_loop3A_208, %parallel_loop3A_209 : i32
        %parallel_loop3A_211 = arith.constant 0 : i32
        %parallel_loop3A_212 = tpu.memref_slice %arg6[%squeeze3A_167, %parallel_loop3A_211] : memref<8x1024xf32, #tpu.memory_space<vmem>> -> memref<1x1024xf32, #tpu.memory_space<vmem>>
        %parallel_loop3A_213 = tpu.memref_squeeze %parallel_loop3A_212 : memref<1x1024xf32, #tpu.memory_space<vmem>> -> memref<1024xf32, #tpu.memory_space<vmem>>
        %parallel_loop3A_214 = arith.index_cast %parallel_loop3A_210 : i32 to index
        %parallel_loop3A_215 = tpu.vector_load %parallel_loop3A_213[%parallel_loop3A_214] {strides = array<i32>} : memref<1024xf32, #tpu.memory_space<vmem>>, vector<16xf32>,
        %parallel_loop3A_216 = vector.shape_cast %parallel_loop3A_215 : vector<16xf32> to vector<16xf32>
        %parallel_loop3A_217 = arith.constant 16 : i32
        %parallel_loop3A_218 = arith.index_cast %parallel_loop3A_217 : i32 to index
        %parallel_loop3A_219 = arith.index_cast %parallel_loop3A_210 : i32 to index
        %parallel_loop3A_220 = tpu.vector_load %arg8[%parallel_loop3A_218, %parallel_loop3A_219] {strides = array<i32>} : memref<32x1024xf32, #tpu.memory_space<vmem>>, vector<1x16xf32>,
        %parallel_loop3A_221 = vector.shape_cast %parallel_loop3A_220 : vector<1x16xf32> to vector<16xf32>
        %parallel_loop3A_222 = vector.shape_cast %parallel_loop3A_216 : vector<16xf32> to vector<1x16xf32>
        tpu.vector_store %arg8[%parallel_loop3A_218, %parallel_loop3A_219], %parallel_loop3A_222 {strides = array<i32>} : memref<32x1024xf32, #tpu.memory_space<vmem>>, vector<1x16xf32>,
        %parallel_loop3A_223 = arith.constant 0 : i32
        %parallel_loop3A_224 = tpu.memref_slice %arg6[%squeeze3A_169, %parallel_loop3A_223] : memref<8x1024xf32, #tpu.memory_space<vmem>> -> memref<1x1024xf32, #tpu.memory_space<vmem>>
        %parallel_loop3A_225 = tpu.memref_squeeze %parallel_loop3A_224 : memref<1x1024xf32, #tpu.memory_space<vmem>> -> memref<1024xf32, #tpu.memory_space<vmem>>
        %parallel_loop3A_226 = arith.index_cast %parallel_loop3A_210 : i32 to index
        %parallel_loop3A_227 = tpu.vector_load %parallel_loop3A_225[%parallel_loop3A_226] {strides = array<i32>} : memref<1024xf32, #tpu.memory_space<vmem>>, vector<16xf32>,
        %parallel_loop3A_228 = vector.shape_cast %parallel_loop3A_227 : vector<16xf32> to vector<16xf32>
        %parallel_loop3A_229 = arith.constant 17 : i32
        %parallel_loop3A_230 = arith.index_cast %parallel_loop3A_229 : i32 to index
        %parallel_loop3A_231 = arith.index_cast %parallel_loop3A_210 : i32 to index
        %parallel_loop3A_232 = tpu.vector_load %arg8[%parallel_loop3A_230, %parallel_loop3A_231] {strides = array<i32>} : memref<32x1024xf32, #tpu.memory_space<vmem>>, vector<1x16xf32>,
        %parallel_loop3A_233 = vector.shape_cast %parallel_loop3A_232 : vector<1x16xf32> to vector<16xf32>
        %parallel_loop3A_234 = vector.shape_cast %parallel_loop3A_228 : vector<16xf32> to vector<1x16xf32>
        tpu.vector_store %arg8[%parallel_loop3A_230, %parallel_loop3A_231], %parallel_loop3A_234 {strides = array<i32>} : memref<32x1024xf32, #tpu.memory_space<vmem>>, vector<1x16xf32>,
        %parallel_loop3A_235 = arith.constant 0 : i32
        %parallel_loop3A_236 = tpu.memref_slice %arg6[%squeeze3A_171, %parallel_loop3A_235] : memref<8x1024xf32, #tpu.memory_space<vmem>> -> memref<1x1024xf32, #tpu.memory_space<vmem>>
        %parallel_loop3A_237 = tpu.memref_squeeze %parallel_loop3A_236 : memref<1x1024xf32, #tpu.memory_space<vmem>> -> memref<1024xf32, #tpu.memory_space<vmem>>
        %parallel_loop3A_238 = arith.index_cast %parallel_loop3A_210 : i32 to index
        %parallel_loop3A_239 = tpu.vector_load %parallel_loop3A_237[%parallel_loop3A_238] {strides = array<i32>} : memref<1024xf32, #tpu.memory_space<vmem>>, vector<16xf32>,
        %parallel_loop3A_240 = vector.shape_cast %parallel_loop3A_239 : vector<16xf32> to vector<16xf32>
        %parallel_loop3A_241 = arith.constant 18 : i32
        %parallel_loop3A_242 = arith.index_cast %parallel_loop3A_241 : i32 to index
        %parallel_loop3A_243 = arith.index_cast %parallel_loop3A_210 : i32 to index
        %parallel_loop3A_244 = tpu.vector_load %arg8[%parallel_loop3A_242, %parallel_loop3A_243] {strides = array<i32>} : memref<32x1024xf32, #tpu.memory_space<vmem>>, vector<1x16xf32>,
        %parallel_loop3A_245 = vector.shape_cast %parallel_loop3A_244 : vector<1x16xf32> to vector<16xf32>
        %parallel_loop3A_246 = vector.shape_cast %parallel_loop3A_240 : vector<16xf32> to vector<1x16xf32>
        tpu.vector_store %arg8[%parallel_loop3A_242, %parallel_loop3A_243], %parallel_loop3A_246 {strides = array<i32>} : memref<32x1024xf32, #tpu.memory_space<vmem>>, vector<1x16xf32>,
        %parallel_loop3A_247 = arith.constant 0 : i32
        %parallel_loop3A_248 = tpu.memref_slice %arg6[%squeeze3A_173, %parallel_loop3A_247] : memref<8x1024xf32, #tpu.memory_space<vmem>> -> memref<1x1024xf32, #tpu.memory_space<vmem>>
        %parallel_loop3A_249 = tpu.memref_squeeze %parallel_loop3A_248 : memref<1x1024xf32, #tpu.memory_space<vmem>> -> memref<1024xf32, #tpu.memory_space<vmem>>
        %parallel_loop3A_250 = arith.index_cast %parallel_loop3A_210 : i32 to index
        %parallel_loop3A_251 = tpu.vector_load %parallel_loop3A_249[%parallel_loop3A_250] {strides = array<i32>} : memref<1024xf32, #tpu.memory_space<vmem>>, vector<16xf32>,
        %parallel_loop3A_252 = vector.shape_cast %parallel_loop3A_251 : vector<16xf32> to vector<16xf32>
        %parallel_loop3A_253 = arith.constant 19 : i32
        %parallel_loop3A_254 = arith.index_cast %parallel_loop3A_253 : i32 to index
        %parallel_loop3A_255 = arith.index_cast %parallel_loop3A_210 : i32 to index
        %parallel_loop3A_256 = tpu.vector_load %arg8[%parallel_loop3A_254, %parallel_loop3A_255] {strides = array<i32>} : memref<32x1024xf32, #tpu.memory_space<vmem>>, vector<1x16xf32>,
        %parallel_loop3A_257 = vector.shape_cast %parallel_loop3A_256 : vector<1x16xf32> to vector<16xf32>
        %parallel_loop3A_258 = vector.shape_cast %parallel_loop3A_252 : vector<16xf32> to vector<1x16xf32>
        tpu.vector_store %arg8[%parallel_loop3A_254, %parallel_loop3A_255], %parallel_loop3A_258 {strides = array<i32>} : memref<32x1024xf32, #tpu.memory_space<vmem>>, vector<1x16xf32>,
        %parallel_loop3A_259 = arith.constant 0 : i32
        %parallel_loop3A_260 = tpu.memref_slice %arg6[%squeeze3A_175, %parallel_loop3A_259] : memref<8x1024xf32, #tpu.memory_space<vmem>> -> memref<1x1024xf32, #tpu.memory_space<vmem>>
        %parallel_loop3A_261 = tpu.memref_squeeze %parallel_loop3A_260 : memref<1x1024xf32, #tpu.memory_space<vmem>> -> memref<1024xf32, #tpu.memory_space<vmem>>
        %parallel_loop3A_262 = arith.index_cast %parallel_loop3A_210 : i32 to index
        %parallel_loop3A_263 = tpu.vector_load %parallel_loop3A_261[%parallel_loop3A_262] {strides = array<i32>} : memref<1024xf32, #tpu.memory_space<vmem>>, vector<16xf32>,
        %parallel_loop3A_264 = vector.shape_cast %parallel_loop3A_263 : vector<16xf32> to vector<16xf32>
        %parallel_loop3A_265 = arith.constant 20 : i32
        %parallel_loop3A_266 = arith.index_cast %parallel_loop3A_265 : i32 to index
        %parallel_loop3A_267 = arith.index_cast %parallel_loop3A_210 : i32 to index
        %parallel_loop3A_268 = tpu.vector_load %arg8[%parallel_loop3A_266, %parallel_loop3A_267] {strides = array<i32>} : memref<32x1024xf32, #tpu.memory_space<vmem>>, vector<1x16xf32>,
        %parallel_loop3A_269 = vector.shape_cast %parallel_loop3A_268 : vector<1x16xf32> to vector<16xf32>
        %parallel_loop3A_270 = vector.shape_cast %parallel_loop3A_264 : vector<16xf32> to vector<1x16xf32>
        tpu.vector_store %arg8[%parallel_loop3A_266, %parallel_loop3A_267], %parallel_loop3A_270 {strides = array<i32>} : memref<32x1024xf32, #tpu.memory_space<vmem>>, vector<1x16xf32>,
        %parallel_loop3A_271 = arith.constant 0 : i32
        %parallel_loop3A_272 = tpu.memref_slice %arg6[%squeeze3A_177, %parallel_loop3A_271] : memref<8x1024xf32, #tpu.memory_space<vmem>> -> memref<1x1024xf32, #tpu.memory_space<vmem>>
        %parallel_loop3A_273 = tpu.memref_squeeze %parallel_loop3A_272 : memref<1x1024xf32, #tpu.memory_space<vmem>> -> memref<1024xf32, #tpu.memory_space<vmem>>
        %parallel_loop3A_274 = arith.index_cast %parallel_loop3A_210 : i32 to index
        %parallel_loop3A_275 = tpu.vector_load %parallel_loop3A_273[%parallel_loop3A_274] {strides = array<i32>} : memref<1024xf32, #tpu.memory_space<vmem>>, vector<16xf32>,
        %parallel_loop3A_276 = vector.shape_cast %parallel_loop3A_275 : vector<16xf32> to vector<16xf32>
        %parallel_loop3A_277 = arith.constant 21 : i32
        %parallel_loop3A_278 = arith.index_cast %parallel_loop3A_277 : i32 to index
        %parallel_loop3A_279 = arith.index_cast %parallel_loop3A_210 : i32 to index
        %parallel_loop3A_280 = tpu.vector_load %arg8[%parallel_loop3A_278, %parallel_loop3A_279] {strides = array<i32>} : memref<32x1024xf32, #tpu.memory_space<vmem>>, vector<1x16xf32>,
        %parallel_loop3A_281 = vector.shape_cast %parallel_loop3A_280 : vector<1x16xf32> to vector<16xf32>
        %parallel_loop3A_282 = vector.shape_cast %parallel_loop3A_276 : vector<16xf32> to vector<1x16xf32>
        tpu.vector_store %arg8[%parallel_loop3A_278, %parallel_loop3A_279], %parallel_loop3A_282 {strides = array<i32>} : memref<32x1024xf32, #tpu.memory_space<vmem>>, vector<1x16xf32>,
        %parallel_loop3A_283 = arith.constant 0 : i32
        %parallel_loop3A_284 = tpu.memref_slice %arg6[%squeeze3A_179, %parallel_loop3A_283] : memref<8x1024xf32, #tpu.memory_space<vmem>> -> memref<1x1024xf32, #tpu.memory_space<vmem>>
        %parallel_loop3A_285 = tpu.memref_squeeze %parallel_loop3A_284 : memref<1x1024xf32, #tpu.memory_space<vmem>> -> memref<1024xf32, #tpu.memory_space<vmem>>
        %parallel_loop3A_286 = arith.index_cast %parallel_loop3A_210 : i32 to index
        %parallel_loop3A_287 = tpu.vector_load %parallel_loop3A_285[%parallel_loop3A_286] {strides = array<i32>} : memref<1024xf32, #tpu.memory_space<vmem>>, vector<16xf32>,
        %parallel_loop3A_288 = vector.shape_cast %parallel_loop3A_287 : vector<16xf32> to vector<16xf32>
        %parallel_loop3A_289 = arith.constant 22 : i32
        %parallel_loop3A_290 = arith.index_cast %parallel_loop3A_289 : i32 to index
        %parallel_loop3A_291 = arith.index_cast %parallel_loop3A_210 : i32 to index
        %parallel_loop3A_292 = tpu.vector_load %arg8[%parallel_loop3A_290, %parallel_loop3A_291] {strides = array<i32>} : memref<32x1024xf32, #tpu.memory_space<vmem>>, vector<1x16xf32>,
        %parallel_loop3A_293 = vector.shape_cast %parallel_loop3A_292 : vector<1x16xf32> to vector<16xf32>
        %parallel_loop3A_294 = vector.shape_cast %parallel_loop3A_288 : vector<16xf32> to vector<1x16xf32>
        tpu.vector_store %arg8[%parallel_loop3A_290, %parallel_loop3A_291], %parallel_loop3A_294 {strides = array<i32>} : memref<32x1024xf32, #tpu.memory_space<vmem>>, vector<1x16xf32>,
        %parallel_loop3A_295 = arith.constant 0 : i32
        %parallel_loop3A_296 = tpu.memref_slice %arg6[%squeeze3A_181, %parallel_loop3A_295] : memref<8x1024xf32, #tpu.memory_space<vmem>> -> memref<1x1024xf32, #tpu.memory_space<vmem>>
        %parallel_loop3A_297 = tpu.memref_squeeze %parallel_loop3A_296 : memref<1x1024xf32, #tpu.memory_space<vmem>> -> memref<1024xf32, #tpu.memory_space<vmem>>
        %parallel_loop3A_298 = arith.index_cast %parallel_loop3A_210 : i32 to index
        %parallel_loop3A_299 = tpu.vector_load %parallel_loop3A_297[%parallel_loop3A_298] {strides = array<i32>} : memref<1024xf32, #tpu.memory_space<vmem>>, vector<16xf32>,
        %parallel_loop3A_300 = vector.shape_cast %parallel_loop3A_299 : vector<16xf32> to vector<16xf32>
        %parallel_loop3A_301 = arith.constant 23 : i32
        %parallel_loop3A_302 = arith.index_cast %parallel_loop3A_301 : i32 to index
        %parallel_loop3A_303 = arith.index_cast %parallel_loop3A_210 : i32 to index
        %parallel_loop3A_304 = tpu.vector_load %arg8[%parallel_loop3A_302, %parallel_loop3A_303] {strides = array<i32>} : memref<32x1024xf32, #tpu.memory_space<vmem>>, vector<1x16xf32>,
        %parallel_loop3A_305 = vector.shape_cast %parallel_loop3A_304 : vector<1x16xf32> to vector<16xf32>
        %parallel_loop3A_306 = vector.shape_cast %parallel_loop3A_300 : vector<16xf32> to vector<1x16xf32>
        tpu.vector_store %arg8[%parallel_loop3A_302, %parallel_loop3A_303], %parallel_loop3A_306 {strides = array<i32>} : memref<32x1024xf32, #tpu.memory_space<vmem>>, vector<1x16xf32>,
        %parallel_loop3A_307 = arith.constant 0 : i32
        %parallel_loop3A_308 = tpu.memref_slice %arg6[%squeeze3A_183, %parallel_loop3A_307] : memref<8x1024xf32, #tpu.memory_space<vmem>> -> memref<1x1024xf32, #tpu.memory_space<vmem>>
        %parallel_loop3A_309 = tpu.memref_squeeze %parallel_loop3A_308 : memref<1x1024xf32, #tpu.memory_space<vmem>> -> memref<1024xf32, #tpu.memory_space<vmem>>
        %parallel_loop3A_310 = arith.index_cast %parallel_loop3A_210 : i32 to index
        %parallel_loop3A_311 = tpu.vector_load %parallel_loop3A_309[%parallel_loop3A_310] {strides = array<i32>} : memref<1024xf32, #tpu.memory_space<vmem>>, vector<16xf32>,
        %parallel_loop3A_312 = vector.shape_cast %parallel_loop3A_311 : vector<16xf32> to vector<16xf32>
        %parallel_loop3A_313 = arith.constant 24 : i32
        %parallel_loop3A_314 = arith.index_cast %parallel_loop3A_313 : i32 to index
        %parallel_loop3A_315 = arith.index_cast %parallel_loop3A_210 : i32 to index
        %parallel_loop3A_316 = tpu.vector_load %arg8[%parallel_loop3A_314, %parallel_loop3A_315] {strides = array<i32>} : memref<32x1024xf32, #tpu.memory_space<vmem>>, vector<1x16xf32>,
        %parallel_loop3A_317 = vector.shape_cast %parallel_loop3A_316 : vector<1x16xf32> to vector<16xf32>
        %parallel_loop3A_318 = vector.shape_cast %parallel_loop3A_312 : vector<16xf32> to vector<1x16xf32>
        tpu.vector_store %arg8[%parallel_loop3A_314, %parallel_loop3A_315], %parallel_loop3A_318 {strides = array<i32>} : memref<32x1024xf32, #tpu.memory_space<vmem>>, vector<1x16xf32>,
        %parallel_loop3A_319 = arith.constant 0 : i32
        %parallel_loop3A_320 = tpu.memref_slice %arg6[%squeeze3A_185, %parallel_loop3A_319] : memref<8x1024xf32, #tpu.memory_space<vmem>> -> memref<1x1024xf32, #tpu.memory_space<vmem>>
        %parallel_loop3A_321 = tpu.memref_squeeze %parallel_loop3A_320 : memref<1x1024xf32, #tpu.memory_space<vmem>> -> memref<1024xf32, #tpu.memory_space<vmem>>
        %parallel_loop3A_322 = arith.index_cast %parallel_loop3A_210 : i32 to index
        %parallel_loop3A_323 = tpu.vector_load %parallel_loop3A_321[%parallel_loop3A_322] {strides = array<i32>} : memref<1024xf32, #tpu.memory_space<vmem>>, vector<16xf32>,
        %parallel_loop3A_324 = vector.shape_cast %parallel_loop3A_323 : vector<16xf32> to vector<16xf32>
        %parallel_loop3A_325 = arith.constant 25 : i32
        %parallel_loop3A_326 = arith.index_cast %parallel_loop3A_325 : i32 to index
        %parallel_loop3A_327 = arith.index_cast %parallel_loop3A_210 : i32 to index
        %parallel_loop3A_328 = tpu.vector_load %arg8[%parallel_loop3A_326, %parallel_loop3A_327] {strides = array<i32>} : memref<32x1024xf32, #tpu.memory_space<vmem>>, vector<1x16xf32>,
        %parallel_loop3A_329 = vector.shape_cast %parallel_loop3A_328 : vector<1x16xf32> to vector<16xf32>
        %parallel_loop3A_330 = vector.shape_cast %parallel_loop3A_324 : vector<16xf32> to vector<1x16xf32>
        tpu.vector_store %arg8[%parallel_loop3A_326, %parallel_loop3A_327], %parallel_loop3A_330 {strides = array<i32>} : memref<32x1024xf32, #tpu.memory_space<vmem>>, vector<1x16xf32>,
        %parallel_loop3A_331 = arith.constant 0 : i32
        %parallel_loop3A_332 = tpu.memref_slice %arg6[%squeeze3A_187, %parallel_loop3A_331] : memref<8x1024xf32, #tpu.memory_space<vmem>> -> memref<1x1024xf32, #tpu.memory_space<vmem>>
        %parallel_loop3A_333 = tpu.memref_squeeze %parallel_loop3A_332 : memref<1x1024xf32, #tpu.memory_space<vmem>> -> memref<1024xf32, #tpu.memory_space<vmem>>
        %parallel_loop3A_334 = arith.index_cast %parallel_loop3A_210 : i32 to index
        %parallel_loop3A_335 = tpu.vector_load %parallel_loop3A_333[%parallel_loop3A_334] {strides = array<i32>} : memref<1024xf32, #tpu.memory_space<vmem>>, vector<16xf32>,
        %parallel_loop3A_336 = vector.shape_cast %parallel_loop3A_335 : vector<16xf32> to vector<16xf32>
        %parallel_loop3A_337 = arith.constant 26 : i32
        %parallel_loop3A_338 = arith.index_cast %parallel_loop3A_337 : i32 to index
        %parallel_loop3A_339 = arith.index_cast %parallel_loop3A_210 : i32 to index
        %parallel_loop3A_340 = tpu.vector_load %arg8[%parallel_loop3A_338, %parallel_loop3A_339] {strides = array<i32>} : memref<32x1024xf32, #tpu.memory_space<vmem>>, vector<1x16xf32>,
        %parallel_loop3A_341 = vector.shape_cast %parallel_loop3A_340 : vector<1x16xf32> to vector<16xf32>
        %parallel_loop3A_342 = vector.shape_cast %parallel_loop3A_336 : vector<16xf32> to vector<1x16xf32>
        tpu.vector_store %arg8[%parallel_loop3A_338, %parallel_loop3A_339], %parallel_loop3A_342 {strides = array<i32>} : memref<32x1024xf32, #tpu.memory_space<vmem>>, vector<1x16xf32>,
        %parallel_loop3A_343 = arith.constant 0 : i32
        %parallel_loop3A_344 = tpu.memref_slice %arg6[%squeeze3A_189, %parallel_loop3A_343] : memref<8x1024xf32, #tpu.memory_space<vmem>> -> memref<1x1024xf32, #tpu.memory_space<vmem>>
        %parallel_loop3A_345 = tpu.memref_squeeze %parallel_loop3A_344 : memref<1x1024xf32, #tpu.memory_space<vmem>> -> memref<1024xf32, #tpu.memory_space<vmem>>
        %parallel_loop3A_346 = arith.index_cast %parallel_loop3A_210 : i32 to index
        %parallel_loop3A_347 = tpu.vector_load %parallel_loop3A_345[%parallel_loop3A_346] {strides = array<i32>} : memref<1024xf32, #tpu.memory_space<vmem>>, vector<16xf32>,
        %parallel_loop3A_348 = vector.shape_cast %parallel_loop3A_347 : vector<16xf32> to vector<16xf32>
        %parallel_loop3A_349 = arith.constant 27 : i32
        %parallel_loop3A_350 = arith.index_cast %parallel_loop3A_349 : i32 to index
        %parallel_loop3A_351 = arith.index_cast %parallel_loop3A_210 : i32 to index
        %parallel_loop3A_352 = tpu.vector_load %arg8[%parallel_loop3A_350, %parallel_loop3A_351] {strides = array<i32>} : memref<32x1024xf32, #tpu.memory_space<vmem>>, vector<1x16xf32>,
        %parallel_loop3A_353 = vector.shape_cast %parallel_loop3A_352 : vector<1x16xf32> to vector<16xf32>
        %parallel_loop3A_354 = vector.shape_cast %parallel_loop3A_348 : vector<16xf32> to vector<1x16xf32>
        tpu.vector_store %arg8[%parallel_loop3A_350, %parallel_loop3A_351], %parallel_loop3A_354 {strides = array<i32>} : memref<32x1024xf32, #tpu.memory_space<vmem>>, vector<1x16xf32>,
        %parallel_loop3A_355 = arith.constant 0 : i32
        %parallel_loop3A_356 = tpu.memref_slice %arg6[%squeeze3A_191, %parallel_loop3A_355] : memref<8x1024xf32, #tpu.memory_space<vmem>> -> memref<1x1024xf32, #tpu.memory_space<vmem>>
        %parallel_loop3A_357 = tpu.memref_squeeze %parallel_loop3A_356 : memref<1x1024xf32, #tpu.memory_space<vmem>> -> memref<1024xf32, #tpu.memory_space<vmem>>
        %parallel_loop3A_358 = arith.index_cast %parallel_loop3A_210 : i32 to index
        %parallel_loop3A_359 = tpu.vector_load %parallel_loop3A_357[%parallel_loop3A_358] {strides = array<i32>} : memref<1024xf32, #tpu.memory_space<vmem>>, vector<16xf32>,
        %parallel_loop3A_360 = vector.shape_cast %parallel_loop3A_359 : vector<16xf32> to vector<16xf32>
        %parallel_loop3A_361 = arith.constant 28 : i32
        %parallel_loop3A_362 = arith.index_cast %parallel_loop3A_361 : i32 to index
        %parallel_loop3A_363 = arith.index_cast %parallel_loop3A_210 : i32 to index
        %parallel_loop3A_364 = tpu.vector_load %arg8[%parallel_loop3A_362, %parallel_loop3A_363] {strides = array<i32>} : memref<32x1024xf32, #tpu.memory_space<vmem>>, vector<1x16xf32>,
        %parallel_loop3A_365 = vector.shape_cast %parallel_loop3A_364 : vector<1x16xf32> to vector<16xf32>
        %parallel_loop3A_366 = vector.shape_cast %parallel_loop3A_360 : vector<16xf32> to vector<1x16xf32>
        tpu.vector_store %arg8[%parallel_loop3A_362, %parallel_loop3A_363], %parallel_loop3A_366 {strides = array<i32>} : memref<32x1024xf32, #tpu.memory_space<vmem>>, vector<1x16xf32>,
        %parallel_loop3A_367 = arith.constant 0 : i32
        %parallel_loop3A_368 = tpu.memref_slice %arg6[%squeeze3A_193, %parallel_loop3A_367] : memref<8x1024xf32, #tpu.memory_space<vmem>> -> memref<1x1024xf32, #tpu.memory_space<vmem>>
        %parallel_loop3A_369 = tpu.memref_squeeze %parallel_loop3A_368 : memref<1x1024xf32, #tpu.memory_space<vmem>> -> memref<1024xf32, #tpu.memory_space<vmem>>
        %parallel_loop3A_370 = arith.index_cast %parallel_loop3A_210 : i32 to index
        %parallel_loop3A_371 = tpu.vector_load %parallel_loop3A_369[%parallel_loop3A_370] {strides = array<i32>} : memref<1024xf32, #tpu.memory_space<vmem>>, vector<16xf32>,
        %parallel_loop3A_372 = vector.shape_cast %parallel_loop3A_371 : vector<16xf32> to vector<16xf32>
        %parallel_loop3A_373 = arith.constant 29 : i32
        %parallel_loop3A_374 = arith.index_cast %parallel_loop3A_373 : i32 to index
        %parallel_loop3A_375 = arith.index_cast %parallel_loop3A_210 : i32 to index
        %parallel_loop3A_376 = tpu.vector_load %arg8[%parallel_loop3A_374, %parallel_loop3A_375] {strides = array<i32>} : memref<32x1024xf32, #tpu.memory_space<vmem>>, vector<1x16xf32>,
        %parallel_loop3A_377 = vector.shape_cast %parallel_loop3A_376 : vector<1x16xf32> to vector<16xf32>
        %parallel_loop3A_378 = vector.shape_cast %parallel_loop3A_372 : vector<16xf32> to vector<1x16xf32>
        tpu.vector_store %arg8[%parallel_loop3A_374, %parallel_loop3A_375], %parallel_loop3A_378 {strides = array<i32>} : memref<32x1024xf32, #tpu.memory_space<vmem>>, vector<1x16xf32>,
        %parallel_loop3A_379 = arith.constant 0 : i32
        %parallel_loop3A_380 = tpu.memref_slice %arg6[%squeeze3A_195, %parallel_loop3A_379] : memref<8x1024xf32, #tpu.memory_space<vmem>> -> memref<1x1024xf32, #tpu.memory_space<vmem>>
        %parallel_loop3A_381 = tpu.memref_squeeze %parallel_loop3A_380 : memref<1x1024xf32, #tpu.memory_space<vmem>> -> memref<1024xf32, #tpu.memory_space<vmem>>
        %parallel_loop3A_382 = arith.index_cast %parallel_loop3A_210 : i32 to index
        %parallel_loop3A_383 = tpu.vector_load %parallel_loop3A_381[%parallel_loop3A_382] {strides = array<i32>} : memref<1024xf32, #tpu.memory_space<vmem>>, vector<16xf32>,
        %parallel_loop3A_384 = vector.shape_cast %parallel_loop3A_383 : vector<16xf32> to vector<16xf32>
        %parallel_loop3A_385 = arith.constant 30 : i32
        %parallel_loop3A_386 = arith.index_cast %parallel_loop3A_385 : i32 to index
        %parallel_loop3A_387 = arith.index_cast %parallel_loop3A_210 : i32 to index
        %parallel_loop3A_388 = tpu.vector_load %arg8[%parallel_loop3A_386, %parallel_loop3A_387] {strides = array<i32>} : memref<32x1024xf32, #tpu.memory_space<vmem>>, vector<1x16xf32>,
        %parallel_loop3A_389 = vector.shape_cast %parallel_loop3A_388 : vector<1x16xf32> to vector<16xf32>
        %parallel_loop3A_390 = vector.shape_cast %parallel_loop3A_384 : vector<16xf32> to vector<1x16xf32>
        tpu.vector_store %arg8[%parallel_loop3A_386, %parallel_loop3A_387], %parallel_loop3A_390 {strides = array<i32>} : memref<32x1024xf32, #tpu.memory_space<vmem>>, vector<1x16xf32>,
        %parallel_loop3A_391 = arith.constant 0 : i32
        %parallel_loop3A_392 = tpu.memref_slice %arg6[%squeeze3A_197, %parallel_loop3A_391] : memref<8x1024xf32, #tpu.memory_space<vmem>> -> memref<1x1024xf32, #tpu.memory_space<vmem>>
        %parallel_loop3A_393 = tpu.memref_squeeze %parallel_loop3A_392 : memref<1x1024xf32, #tpu.memory_space<vmem>> -> memref<1024xf32, #tpu.memory_space<vmem>>
        %parallel_loop3A_394 = arith.index_cast %parallel_loop3A_210 : i32 to index
        %parallel_loop3A_395 = tpu.vector_load %parallel_loop3A_393[%parallel_loop3A_394] {strides = array<i32>} : memref<1024xf32, #tpu.memory_space<vmem>>, vector<16xf32>,
        %parallel_loop3A_396 = vector.shape_cast %parallel_loop3A_395 : vector<16xf32> to vector<16xf32>
        %parallel_loop3A_397 = arith.constant 31 : i32
        %parallel_loop3A_398 = arith.index_cast %parallel_loop3A_397 : i32 to index
        %parallel_loop3A_399 = arith.index_cast %parallel_loop3A_210 : i32 to index
        %parallel_loop3A_400 = tpu.vector_load %arg8[%parallel_loop3A_398, %parallel_loop3A_399] {strides = array<i32>} : memref<32x1024xf32, #tpu.memory_space<vmem>>, vector<1x16xf32>,
        %parallel_loop3A_401 = vector.shape_cast %parallel_loop3A_400 : vector<1x16xf32> to vector<16xf32>
        %parallel_loop3A_402 = vector.shape_cast %parallel_loop3A_396 : vector<16xf32> to vector<1x16xf32>
        tpu.vector_store %arg8[%parallel_loop3A_398, %parallel_loop3A_399], %parallel_loop3A_402 {strides = array<i32>} : memref<32x1024xf32, #tpu.memory_space<vmem>>, vector<1x16xf32>,
      } {sc.loop_unroll_factor = 8 : i64, sc.parallel_access}
      %mul3A_201 = arith.constant 32 : i32
      %mul3A_202 = arith.muli %add3A_111, %mul3A_201 : i32
      %add3A_203 = arith.addi %mul3A_2, %mul3A_202 : i32
      %dma_start3A_204 = arith.constant 0 : i32
      %dma_start3A_205 = tpu.memref_slice %arg4[%add3A_203, %dma_start3A_204] : memref<32768x1024xf32, #tpu.memory_space<hbm>> -> memref<32x1024xf32, #tpu.memory_space<hbm>>
      %dma_start3A_206 = arith.constant 0 : i32
      %dma_start3A_207 = tpu.memref_slice %arg4[%add3A_203, %dma_start3A_206] : memref<32768x1024xf32, #tpu.memory_space<hbm>> -> memref<32x1024xf32, #tpu.memory_space<hbm>>
      tpu.enqueue_dma source(%arg8 : memref<32x1024xf32, #tpu.memory_space<vmem>>) target(%dma_start3A_207 : memref<32x1024xf32, #tpu.memory_space<hbm>>) target_semaphore(%arg10 : memref<!tpu.dma_semaphore, #tpu.memory_space<semaphore_mem>>)
    }
    %scan3A_7 = arith.constant 16 : i32
    %dma_wait3A = arith.constant 0 : i32
    %dma_wait3A_8 = tpu.memref_slice %arg4[%mul3A_2, %dma_wait3A] : memref<32768x1024xf32, #tpu.memory_space<hbm>> -> memref<32x1024xf32, #tpu.memory_space<hbm>>
    %dma_wait3A_9 = arith.constant 0 : i32
    %dma_wait3A_10 = tpu.memref_slice %arg4[%mul3A_2, %dma_wait3A_9] : memref<32768x1024xf32, #tpu.memory_space<hbm>> -> memref<32x1024xf32, #tpu.memory_space<hbm>>
    tpu.wait_dma2 semaphore(%arg9 : memref<!tpu.dma_semaphore, #tpu.memory_space<semaphore_mem>>) src(%arg7 : memref<32x1024xf32, #tpu.memory_space<vmem>>) dst(%dma_wait3A_10 : memref<32x1024xf32, #tpu.memory_space<hbm>>)
    %dma_wait3A_11 = arith.constant 0 : i32
    %dma_wait3A_12 = tpu.memref_slice %arg4[%mul3A_2, %dma_wait3A_11] : memref<32768x1024xf32, #tpu.memory_space<hbm>> -> memref<32x1024xf32, #tpu.memory_space<hbm>>
    %dma_wait3A_13 = arith.constant 0 : i32
    %dma_wait3A_14 = tpu.memref_slice %arg4[%mul3A_2, %dma_wait3A_13] : memref<32768x1024xf32, #tpu.memory_space<hbm>> -> memref<32x1024xf32, #tpu.memory_space<hbm>>
    tpu.wait_dma2 semaphore(%arg10 : memref<!tpu.dma_semaphore, #tpu.memory_space<semaphore_mem>>) src(%arg8 : memref<32x1024xf32, #tpu.memory_space<vmem>>) dst(%dma_wait3A_14 : memref<32x1024xf32, #tpu.memory_space<hbm>>)
    return
  }
}

</mosaic_0001>

<sc_bundles>
// kernel: kernel.3.cloned.1.call-start
scs
__scs_entry_jumppad:
0x0: {  	(pc) =	sbr.rel $0x88, $3  }
0x1: {  	(tag) =	ssettag $0x0;
	lr =	simm.s32 $0x1  }
0x2: {  	[smem:$0x3F9F] =	sst lr;
	_ =	strace $0xD0000000  }
0x3: {  	_ = 	snop  }
0x4: {  	_ = 	snop  }
0x5: {  	_ = 	snop  }
0x6: {  	_ = 	snop  }
0x7: {  	_ = 	snop  }
__scs_overlays_trampoline_lowered:
0x8: {  	[smem:$0x3FAE] =	sst s0  }
0x9: {  	[smem:$0x3FAF] =	sst s1  }
0xa: {  	[smem:$0x3FB0] =	sst s2  }
0xb: {  	[smem:$0x3FB1] =	sst s3  }
0xc: {  	[smem:$0x3FB2] =	sst s4  }
0xd: {  	[smem:$0x3FB3] =	sst s5  }
0xe: {  	[smem:$0x3FB4] =	sst s6  }
0xf: {  	[smem:$0x3FB5] =	sst s7  }
0x10: {  	[smem:$0x3FB6] =	sst s8  }
0x11: {  	[smem:$0x3FB7] =	sst s9;
	s0 =	simm.s32 @!p0 $0x0  }
0x12: {  	s1 =	sld [smem:$0x3F9D];
	s0 =	simm.s32 @p0 $0x1  }
0x13: {  	[smem:$0x3FB8] =	sst s0;
	s0 =	simm.s32 @!p1 $0x0  }
0x14: {  	s2 =	sld [smem:$0x3F9C];
	s0 =	simm.s32 @p1 $0x1  }
0x15: {  	[smem:$0x3FB9] =	sst s0;
	s0 =	simm.s32 @!p2 $0x0  }
0x16: {  	s3 =	sld [smem:$0x3FDB];
	s0 =	simm.s32 @p2 $0x1  }
0x17: {  	s4 =	simm.s32 $0x1BF5;
	[smem:$0x3FBB] =	sst s0  }
0x18: {  	s0 =	sld [smem:$0x3F9E];
	_ =	swait.ge [sflag:s4], $0x0  }
0x19: {  	s7 =	sld [smem:$0x3F9F]  }
0x1a: {  	s8 =	sadd.s32 $0xFFFFE003, lr  }
0x1b: {  	s9 =	sadd.s32 $0xFFFFFEF7, lr;
	s5 =	simm.s32 $0xFFFFFFFF;
	p2 =	slt.u32 s8, $0xFFFFF086  }
0x1c: {  	p1 =	slt.u32 s9, $0xF7A;
	s5 =	simm.s32 @!p2 $0x0  }
0x1d: {  	s5 =	simm.s32 @p1 $0x1;
	p0 =	seq.s32 s7, s2  }
0x1e: {  	s7 =	smul.u32 @!p0 $0xF7A, s2;
	p2 =	seq.s32 @!p0 s5, $0x0  }
0x1f: {  	s9 =	smul.u32 $0xF7A, s1;
	s8 =	simm.s32 @!p0 $0x1BF5;
	p2 =	por !p2, p0  }
0x20: {  	[sflag:s8] =	ssyncset.s32 @!p0 $0xFFFFF086;
	s6 =	sadd.s32 @!p0 s3, s7;
	s7 =	simm.s32 @!p0 $0x108  }
0x21: {  	s3 =	sadd.s32 s3, s9;
	s6 =	sadd.s32 @!p0 $0x88, s6;
	s7 =	simm.s32 @p2 $0x1082  }
0x22: {  	[simem:s7], [sflag:s8] =	dma.local @!p0 [hbm:s6], $0xF7A  }
0x23: {  	s9 =	sor.u32 $0xD0000000, s2;
	s6 =	simm.s32 $0x108;
	_ =	swait.ge @!p0 [sflag:s8], $0x0  }
0x24: {  	s3 =	sadd.s32 $0x88, s3;
	s6 =	simm.s32 @!p1 $0x1082;
	[sflag:s4] =	ssyncset.s32 $0xFFFFF086  }
0x25: {  	[simem:s6], [sflag:s4] =	dma.local [hbm:s3], $0xF7A  }
0x26: {  	[smem:$0x3F9F] =	sst s1;
	(tag) =	ssettag s2;
	_ =	strace s9  }
0x27: {  	s1 =	sld [smem:$0x3FAF]  }
0x28: {  	s2 =	sld [smem:$0x3FB0]  }
0x29: {  	s4 =	sld [smem:$0x3FB2]  }
0x2a: {  	p0 =	seq.s32 s5, $0x0;
	s5 =	sld [smem:$0x3FB3]  }
0x2b: {  	s6 =	sld [smem:$0x3FB4]  }
0x2c: {  	s7 =	sld [smem:$0x3FB5]  }
0x2d: {  	s3 =	simm.s32 $0x108;
	s8 =	sld [smem:$0x3FB6]  }
0x2e: {  	s3 =	simm.s32 @!p0 $0x1082;
	s9 =	sld [smem:$0x3FB7]  }
0x2f: {  	lr =	sadd.s32 s0, s3;
	s0 =	sld [smem:$0x3FAE]  }
0x30: {  	s3 =	sld [smem:$0x3FB1]  }
0x31: {  	[smem:$0x3FBA] =	sst s10  }
0x32: {  	s10 =	sld [smem:$0x3FB8];
	_ =	sdelay $0x3  }
0x33: {  	p0 =	seq.s32 s10, $0x1;
	s10 =	sld [smem:$0x3FBA];
	_ =	sdelay $0x3  }
0x34: {  	[smem:$0x3FBA] =	sst s10  }
0x35: {  	s10 =	sld [smem:$0x3FB9];
	_ =	sdelay $0x3  }
0x36: {  	p1 =	seq.s32 s10, $0x1;
	s10 =	sld [smem:$0x3FBA];
	_ =	sdelay $0x3  }
0x37: {  	[smem:$0x3FBA] =	sst s10  }
0x38: {  	s10 =	sld [smem:$0x3FBB]  }
0x39: {  	_ = 	snop;
	(pc) =	sbr.ind lr, $3  }
0x3a: {  	_ = 	snop  }
0x3b: {  	_ = 	snop  }
0x3c: {  	p2 =	seq.s32 s10, $0x1;
	s10 =	sld [smem:$0x3FBA]  }
0x3d: {  	_ =	shalt  }
0x3e: {  	_ =	shalt  }
0x3f: {  	_ =	shalt  }
0x40: {  	_ =	shalt  }
0x41: {  	_ =	shalt  }
0x42: {  	_ =	shalt  }
0x43: {  	_ =	shalt  }
0x44: {  	_ =	shalt  }
0x45: {  	_ =	shalt  }
0x46: {  	_ =	shalt  }
0x47: {  	_ =	shalt  }
0x48: {  	_ =	shalt  }
0x49: {  	_ =	shalt  }
0x4a: {  	_ =	shalt  }
0x4b: {  	_ =	shalt  }
0x4c: {  	_ =	shalt  }
0x4d: {  	_ =	shalt  }
0x4e: {  	_ =	shalt  }
0x4f: {  	_ =	shalt  }
0x50: {  	_ =	shalt  }
0x51: {  	_ =	shalt  }
0x52: {  	_ =	shalt  }
0x53: {  	_ =	shalt  }
0x54: {  	_ =	shalt  }
0x55: {  	_ =	shalt  }
0x56: {  	_ =	shalt  }
0x57: {  	_ =	shalt  }
0x58: {  	_ =	shalt  }
0x59: {  	_ =	shalt  }
0x5a: {  	_ =	shalt  }
0x5b: {  	_ =	shalt  }
0x5c: {  	_ =	shalt  }
0x5d: {  	_ =	shalt  }
0x5e: {  	_ =	shalt  }
0x5f: {  	_ =	shalt  }
0x60: {  	_ =	shalt  }
0x61: {  	_ =	shalt  }
0x62: {  	_ =	shalt  }
0x63: {  	_ =	shalt  }
0x64: {  	_ =	shalt  }
0x65: {  	_ =	shalt  }
0x66: {  	_ =	shalt  }
0x67: {  	_ =	shalt  }
0x68: {  	_ =	shalt  }
0x69: {  	_ =	shalt  }
0x6a: {  	_ =	shalt  }
0x6b: {  	_ =	shalt  }
0x6c: {  	_ =	shalt  }
0x6d: {  	_ =	shalt  }
0x6e: {  	_ =	shalt  }
0x6f: {  	_ =	shalt  }
0x70: {  	_ =	shalt  }
0x71: {  	_ =	shalt  }
0x72: {  	_ =	shalt  }
0x73: {  	_ =	shalt  }
0x74: {  	_ =	shalt  }
0x75: {  	_ =	shalt  }
0x76: {  	_ =	shalt  }
0x77: {  	_ =	shalt  }
0x78: {  	_ =	shalt  }
0x79: {  	_ =	shalt  }
0x7a: {  	_ =	shalt  }
0x7b: {  	_ =	shalt  }
0x7c: {  	_ =	shalt  }
0x7d: {  	_ =	shalt  }
0x7e: {  	_ =	shalt  }
0x7f: {  	_ =	shalt  }
0x80: {  	_ =	shalt  }
0x81: {  	_ =	shalt  }
0x82: {  	_ =	shalt  }
0x83: {  	_ =	shalt  }
0x84: {  	_ =	shalt  }
0x85: {  	_ =	shalt  }
0x86: {  	_ =	shalt  }
0x87: {  	_ =	shalt  }
.Lfunc_end0:
.L_simem_size_0:
called_computation_lowered:
.L_overlay_start_0:
0x88: {  	s2 =	sld [smem:$0x3FD9]  }
0x89: {  	s3 =	sld [smem:$0x3FFE];
	_ =	sdelay $0x1  }
0x8a: {  	s1 =	srdreg.scid  }
0x8b: {  	s0 =	sand.u32 $0x1, s1  }
0x8c: {  	s17 =	sshll.u32 s0, $0xA;
	s2 =	sadd.s32 s3, s2  }
0x8d: {  	s2 =	sadd.s32 s2, s17  }
0x8e: {  	[smem:$0x3FC6] =	sst s2  }
0x8f: {  	_ = 	snop  }
0x90: {  	s2 =	sld [smem:$0x3FC8]  }
0x91: {  	s18 =	sld [smem:$0x3FD0];
	(tm) =	ssettm $0x1  }
0x92: {  	s4 =	sld [smem:$0x3FFB];
	_ =	sdelay $0x3  }
0x93: {  	_ =	strace s4  }
0x94: {  	s4 =	sld [smem:$0x3FFC];
	_ =	sdelay $0x3  }
0x95: {  	_ =	strace s4  }
0x96: {  	s4 =	sld [smem:$0x3FFD];
	_ =	sdelay $0x3  }
0x97: {  	_ =	strace s4  }
0x98: {  	_ =	strace $0x8FFFFFFF  }
0x99: {  	s19 =	sld [smem:$0x3FDB];
	_ =	sdelay $0x1  }
0x9a: {  	s5 =	simm.s32 $_scs_section_size  }
0x9b: {  	s6 =	simm.s32 $_size__tile_overlayer_lowered;
	s7 =	simm.s32 $_tile_overlayer_lowered  }
0x9c: {  	s22 =	simm.s32 $0x1BFF;
	s21 =	sshll.u32 s7, $0x1;
	s4 =	sadd.s32 s5, s19  }
0x9d: {  	s8 =	simm.s32 $0x0;
	s20 =	sshll.u32 s6, $0x1;
	s6 =	sadd.s32 s21, s4  }
0x9e: {  	[timem:s8], [sflag:s22] =	dma.local [hbm:s6], s20  }
0x9f: {  	_ =	swait.ge [sflag:s22], s20  }
0xa0: {  	s5 =	ssub.s32 $0x0, s20;
	[sflag:s22] =	ssyncset.done $0x0  }
0xa1: {  	[sflag:s22] =	ssyncadd.s32 s5;
	_ =	sdelay $0x1  }
0xa2: {  	s23 =	simm.s32 $0x1B8B  }
0xa3: {  	_ =	swait.ge [sflag:s23], $0x1  }
0xa4: {  	[sflag:s23] =	ssyncset.done $0x0  }
0xa5: {  	s25 =	simm.s32 $0x1B8E;
	s24 =	sld [smem:$0x3FFE];
	[sflag:s23] =	ssyncadd.s32 $0xFFFFFFFF  }
0xa6: {  	s26 =	simm.s32 $execute0_lowered;
	[smem:$0x3FD2] =	sst s25  }
0xa7: {  	s6 =	sshll.u32 s26, $0x1;
	_ =	strace $0x80000046;
	[dreg:$0x1] =	wrdreg $0xFFFFFFFF  }
0xa8: {  	s28 =	simm.s32 $_size_execute0_lowered;
	s4 =	sadd.s32 s4, s6;
	[dreg:$0x0] =	wrdreg $0x0  }
0xa9: {  	s6 =	sshll.u32 s28, $0x1;
	[dreg:$0x2] =	wrdreg s4  }
0xaa: {  	[dreg:$0x3] =	wrdreg s6  }
0xab: {  	[dreg:$0x4] =	wrdreg $0xC0  }
0xac: {  	_ =	task [dreg:s8], $0x5FFFF  }
0xad: {  	[dreg:$0x1] =	wrdreg $0xFFFFFFFF  }
0xae: {  	[dreg:$0x0] =	wrdreg $0x60  }
0xaf: {  	[dreg:$0x2] =	wrdreg s24  }
0xb0: {  	[dreg:$0x3] =	wrdreg s2  }
0xb1: {  	[dreg:$0x4] =	wrdreg s18  }
0xb2: {  	[dreg:$0x5] =	wrdreg $0x9  }
0xb3: {  	_ =	task.clear_ibuf [dreg:s8], $0x6FFFF;
	_ =	strace $0x90000046  }
0xb4: {  	s29 =	simm.s32 $0x9;
	_ =	strace $0x80000048  }
0xb5: {  	_ =	swait.ge [sflag:s29], $0x1  }
0xb6: {  	[sflag:s29] =	ssyncadd.s32 $0xFFFFFFFF  }
0xb7: {  	_ =	strace $0x90000048  }
0xb8: {  	_ =	sfence  }
0xb9: {  	s30 =	sld [smem:$0x0];
	_ =	sdelay $0x2  }
0xba: {  	s31 =	sshll.u32 s1, $0xD;
	s1 =	sshrl.u32 s1, $0x2  }
0xbb: {  	s3 =	sand.u32 $0x4000, s31;
	s1 =	sadd.s32 s1, s30  }
0xbc: {  	s0 =	sor.u32 s3, s0;
	s1 =	sshll.u32 s1, $0x11  }
0xbd: {  	s0 =	sor.u32 s1, s0  }
0xbe: {  	s0 =	sadd.s32 $0x8F2B, s0  }
0xbf: {  	[sflag:s0] =	ssyncadd.remote.s32 $0x1  }
0xc0: {  	_ =	sfence.sel $0xFFFF  }
0xc1: {  	[dreg:$0x0] =	wrdreg $0xFFFFFFFF;
	(pc) =	sbr.abs _section_cstart, $3  }
0xc2: {  	[dreg:$0x1] =	wrdreg $0xFFFFFFFF  }
0xc3: {  	_ =	task.clear_ibuf [dreg:s8], $0x2FFFF;
	_ =	strace $0x9FFFFFFF  }
0xc4: {  	(tm) =	ssettm $0x7FFFFFFF  }
0xc5: {  	_ =	shalt  }
tec
execute0_lowered:
.L_overlay_start_1:
0x0: {  	(tag) =	ssettag $0x1  }
0x1: {  	s6 =	rddreg [dreg:$0x0]  }
0x2: {  	s2 =	rddreg [dreg:$0x1];
	s0 =	srdreg.scid  }
0x3: {  	s3 =	rddreg [dreg:$0x2];
	s1 =	stileid.u32;
	s4 =	simm.s32 $0x0  }
0x4: {  	s10 =	simm.s32 $0x2400;
	s11 =	simm.s32 $0xA400;
	s12 =	simm.s32 $0x1  }
0x5: {  	s13 =	simm.s32 $0x2;
	s14 =	simm.s32 $0x0;
	s7 =	sand.u32 $0x1, s0  }
0x6: {  	s0 =	rddreg [dreg:$0x3];
	s5 =	sshll.u32 s1, $0xB;
	s8 =	sshll.u32 s7, $0xA  }
0x7: {  	[smem:$0x7FF] =	sst s4;
	s7 =	ssub.s32 $0x2, s7;
	s5 =	sor.u32 s8, s5  }
0x8: {  	_ =	strace $0x80000047;
	s9 =	sshrl.u32 s7, $0x1;
	s8 =	sshrl.u32 s5, $0x3  }
0x9: {  	s7 =	ssub.s32 s7, s9;
	s9 =	simm.s32 $0x400;
	s6 =	sadd.s32 s8, s6  }
0xa: {  	s7 =	smax.u32 s7, $0x1;
	s8 =	simm.s32 $0x3;
	s6 =	sadd.s32 $0x400, s6  }
.LBB2_1:
0xb: {  	[tilespmem:s4], [sflag:$0x3] =	stream.linear.gather [hbm4b:s6+s4], $0x400, $0x38;
	[tilespmem:$0x12400] =	vst v63  }
0xc: {  	_ =	swait.ge [sflag:s8], $0x400  }
0xd: {  	[sflag:s8] =	ssyncset.done $0x0  }
0xe: {  	[sflag:s8] =	ssyncadd.s32 $0xFFFFFC00  }
0xf: {  	[tilespmem:s9], [sflag:$0x3] =	stream.linear.gather [hbm4b:s2+s4], $0x2000, $0x38;
	[tilespmem:$0x12400] =	vst v63  }
0x10: {  	_ =	swait.ge [sflag:s8], $0x2000  }
0x11: {  	[sflag:s8] =	ssyncset.done $0x0  }
0x12: {  	s15 =	simm.s32 $0x0;
	[sflag:s8] =	ssyncadd.s32 $0xFFFFE000  }
.LBB2_2:
0x13: {  	p0 =	seq.s32 s15, $0x0  }
0x14: {  	s16 =	simm.s32 @!p0 $0x1  }
0x15: {  	_ =	swait.ge @!p0 [sflag:s16], $0x8000  }
0x16: {  	[sflag:s16] =	ssyncset.done @!p0 $0x0  }
0x17: {  	[sflag:s16] =	ssyncadd.s32 @!p0 $0xFFFF8000;
	s16 =	sshll.u32 s15, $0x6  }
0x18: {  	v13 =	vld [tilespmem:s16+$0x0];
	_ =	sdelay $0x4  }
0x19: {  	(v2sf) =	vpush v13, $0x0;
	_ =	sdelay $0x6  }
0x1a: {  	(v2sf) =	vpush v13, $0x1;
	_ =	sdelay $0x7  }
0x1b: {  	s17 =	spop (v2sf)  }
0x1c: {  	(v2sf) =	vpush v13, $0x2;
	s18 =	sshll.u32 s17, $0xA;
	s17 =	sshll.u32 s17, $0x7  }
0x1d: {  	s18 =	sand.u32 $0xFFFFE000, s18;
	s17 =	sand.u32 $0x380, s17  }
0x1e: {  	s17 =	sor.u32 s17, s18  }
0x1f: {  	s17 =	sor.u32 $0x400, s17  }
0x20: {  	v0 =	vmov s17;
	_ =	sdelay $0x1  }
0x21: {  	s28 =	spop (v2sf)  }
0x22: {  	s29 =	sshll.u32 s28, $0xA;
	s19 =	sshll.u32 s28, $0x7  }
0x23: {  	(v2sf) =	vpush v13, $0x3;
	s18 =	sand.u32 $0xFFFFE000, s29;
	s19 =	sand.u32 $0x380, s19;
	s17 =	simm.s32 $0x0  }
0x24: {  	s19 =	sor.u32 s19, s18;
	s24 =	sor.u32 $0x70, s17;
	v2 =	vld.idx.msk [tilespmem:v0+s17+$0x0 ss:$0x1], $0xffff  }
0x25: {  	s20 =	sor.u32 $0x400, s19;
	s18 =	sor.u32 $0x10, s17;
	v3 =	vld.idx.msk [tilespmem:v0+s24+$0x0 ss:$0x1], $0xffff  }
0x26: {  	s19 =	sor.u32 $0x20, s17;
	v1 =	vmov s20;
	v4 =	vld.idx.msk [tilespmem:v0+s18+$0x0 ss:$0x1], $0xffff  }
0x27: {  	s20 =	sor.u32 $0x30, s17;
	v5 =	vld.idx.msk [tilespmem:v0+s19+$0x0 ss:$0x1], $0xffff  }
0x28: {  	s21 =	sor.u32 $0x40, s17;
	v6 =	vld.idx.msk [tilespmem:v0+s20+$0x0 ss:$0x1], $0xffff  }
0x29: {  	s22 =	sor.u32 $0x50, s17;
	v7 =	vld.idx.msk [tilespmem:v0+s21+$0x0 ss:$0x1], $0xffff  }
0x2a: {  	v8 =	vld.idx.msk [tilespmem:v0+s22+$0x0 ss:$0x1], $0xffff;
	s23 =	spop (v2sf);
	[tilespmem:s17+$0x2470] =	vst v3  }
0x2b: {  	(v2sf) =	vpush v13, $0x4;
	[tilespmem:s17+$0x2410] =	vst v4;
	s25 =	sshll.u32 s23, $0xA;
	s26 =	sshll.u32 s23, $0x7;
	v3 =	vld.idx.msk [tilespmem:v1+s24+$0x0 ss:$0x1], $0xffff  }
0x2c: {  	[tilespmem:s17+$0x2400] =	vst v2;
	s23 =	sor.u32 $0x60, s17;
	v4 =	vld.idx.msk [tilespmem:v1+s18+$0x0 ss:$0x1], $0xffff;
	s25 =	sand.u32 $0xFFFFE000, s25;
	s26 =	sand.u32 $0x380, s26  }
0x2d: {  	[tilespmem:s17+$0x2420] =	vst v5;
	v9 =	vld.idx.msk [tilespmem:v0+s23+$0x0 ss:$0x1], $0xffff;
	s25 =	sor.u32 s26, s25  }
0x2e: {  	[tilespmem:s17+$0x2430] =	vst v6;
	v5 =	vld.idx.msk [tilespmem:v1+s19+$0x0 ss:$0x1], $0xffff;
	s25 =	sor.u32 $0x400, s25  }
0x2f: {  	[tilespmem:s17+$0x2440] =	vst v7;
	v6 =	vld.idx.msk [tilespmem:v1+s20+$0x0 ss:$0x1], $0xffff;
	v2 =	vmov s25  }
0x30: {  	[tilespmem:s17+$0x2450] =	vst v8;
	v7 =	vld.idx.msk [tilespmem:v1+s21+$0x0 ss:$0x1], $0xffff  }
0x31: {  	v8 =	vld.idx.msk [tilespmem:v1+s22+$0x0 ss:$0x1], $0xffff;
	[tilespmem:s17+$0x24F0] =	vst v3  }
0x32: {  	s30 =	spop (v2sf);
	v10 =	vld.idx.msk [tilespmem:v1+s17+$0x0 ss:$0x1], $0xffff;
	[tilespmem:s17+$0x2460] =	vst v9  }
0x33: {  	(v2sf) =	vpush v13, $0x5;
	s31 =	sshll.u32 s30, $0xA;
	s25 =	sshll.u32 s30, $0x7;
	[tilespmem:s17+$0x2490] =	vst v4;
	v9 =	vld.idx.msk [tilespmem:v1+s23+$0x0 ss:$0x1], $0xffff  }
0x34: {  	s26 =	sand.u32 $0xFFFFE000, s31;
	s25 =	sand.u32 $0x380, s25;
	[tilespmem:s17+$0x24A0] =	vst v5;
	v4 =	vld.idx.msk [tilespmem:v2+s24+$0x0 ss:$0x1], $0xffff  }
0x35: {  	[tilespmem:s17+$0x24B0] =	vst v6;
	s25 =	sor.u32 s25, s26;
	v5 =	vld.idx.msk [tilespmem:v2+s18+$0x0 ss:$0x1], $0xffff  }
0x36: {  	[tilespmem:s17+$0x24C0] =	vst v7;
	s25 =	sor.u32 $0x400, s25;
	v6 =	vld.idx.msk [tilespmem:v2+s19+$0x0 ss:$0x1], $0xffff  }
0x37: {  	[tilespmem:s17+$0x24D0] =	vst v8;
	v3 =	vmov s25;
	v7 =	vld.idx.msk [tilespmem:v2+s20+$0x0 ss:$0x1], $0xffff  }
0x38: {  	[tilespmem:s17+$0x2480] =	vst v10;
	v8 =	vld.idx.msk [tilespmem:v2+s21+$0x0 ss:$0x1], $0xffff  }
0x39: {  	v11 =	vld.idx.msk [tilespmem:v2+s17+$0x0 ss:$0x1], $0xffff;
	[tilespmem:s17+$0x24E0] =	vst v9  }
0x3a: {  	s28 =	spop (v2sf);
	v9 =	vld.idx.msk [tilespmem:v2+s22+$0x0 ss:$0x1], $0xffff;
	[tilespmem:s17+$0x2570] =	vst v4  }
0x3b: {  	(v2sf) =	vpush v13, $0x6;
	s29 =	sshll.u32 s28, $0xA;
	s25 =	sshll.u32 s28, $0x7;
	[tilespmem:s17+$0x2510] =	vst v5;
	v5 =	vld.idx.msk [tilespmem:v2+s23+$0x0 ss:$0x1], $0xffff  }
0x3c: {  	s26 =	sand.u32 $0xFFFFE000, s29;
	s25 =	sand.u32 $0x380, s25;
	[tilespmem:s17+$0x2520] =	vst v6;
	v10 =	vld.idx.msk [tilespmem:v3+s24+$0x0 ss:$0x1], $0xffff  }
0x3d: {  	s25 =	sor.u32 s25, s26;
	[tilespmem:s17+$0x2530] =	vst v7;
	v6 =	vld.idx.msk [tilespmem:v3+s18+$0x0 ss:$0x1], $0xffff  }
0x3e: {  	s25 =	sor.u32 $0x400, s25;
	[tilespmem:s17+$0x2540] =	vst v8;
	v7 =	vld.idx.msk [tilespmem:v3+s19+$0x0 ss:$0x1], $0xffff  }
0x3f: {  	v4 =	vmov s25;
	[tilespmem:s17+$0x2500] =	vst v11;
	v8 =	vld.idx.msk [tilespmem:v3+s20+$0x0 ss:$0x1], $0xffff  }
0x40: {  	v12 =	vld.idx.msk [tilespmem:v3+s17+$0x0 ss:$0x1], $0xffff;
	[tilespmem:s17+$0x2550] =	vst v9  }
0x41: {  	v9 =	vld.idx.msk [tilespmem:v3+s21+$0x0 ss:$0x1], $0xffff;
	[tilespmem:s17+$0x2560] =	vst v5  }
0x42: {  	s30 =	spop (v2sf);
	v11 =	vld.idx.msk [tilespmem:v3+s22+$0x0 ss:$0x1], $0xffff;
	[tilespmem:s17+$0x25F0] =	vst v10  }
0x43: {  	(v2sf) =	vpush v13, $0x7;
	s31 =	sshll.u32 s30, $0xA;
	s25 =	sshll.u32 s30, $0x7;
	[tilespmem:s17+$0x2590] =	vst v6;
	v6 =	vld.idx.msk [tilespmem:v3+s23+$0x0 ss:$0x1], $0xffff  }
0x44: {  	s26 =	sand.u32 $0xFFFFE000, s31;
	s25 =	sand.u32 $0x380, s25;
	[tilespmem:s17+$0x25A0] =	vst v7;
	v10 =	vld.idx.msk [tilespmem:v4+s24+$0x0 ss:$0x1], $0xffff  }
0x45: {  	s25 =	sor.u32 s25, s26;
	[tilespmem:s17+$0x25B0] =	vst v8;
	v7 =	vld.idx.msk [tilespmem:v4+s18+$0x0 ss:$0x1], $0xffff  }
0x46: {  	s25 =	sor.u32 $0x400, s25;
	[tilespmem:s17+$0x2580] =	vst v12;
	v8 =	vld.idx.msk [tilespmem:v4+s19+$0x0 ss:$0x1], $0xffff  }
0x47: {  	v5 =	vmov s25;
	v15 =	vld.idx.msk [tilespmem:v4+s17+$0x0 ss:$0x1], $0xffff;
	[tilespmem:s17+$0x25C0] =	vst v9  }
0x48: {  	v9 =	vld.idx.msk [tilespmem:v4+s20+$0x0 ss:$0x1], $0xffff;
	[tilespmem:s17+$0x25D0] =	vst v11  }
0x49: {  	v11 =	vld.idx.msk [tilespmem:v4+s21+$0x0 ss:$0x1], $0xffff;
	[tilespmem:s17+$0x25E0] =	vst v6  }
0x4a: {  	s28 =	spop (v2sf);
	v12 =	vld.idx.msk [tilespmem:v4+s22+$0x0 ss:$0x1], $0xffff;
	[tilespmem:s17+$0x2670] =	vst v10  }
0x4b: {  	(v2sf) =	vpush v13, $0x8;
	s29 =	sshll.u32 s28, $0xA;
	s25 =	sshll.u32 s28, $0x7;
	[tilespmem:s17+$0x2610] =	vst v7;
	v14 =	vld.idx.msk [tilespmem:v4+s23+$0x0 ss:$0x1], $0xffff  }
0x4c: {  	s26 =	sand.u32 $0xFFFFE000, s29;
	s25 =	sand.u32 $0x380, s25;
	[tilespmem:s17+$0x2620] =	vst v8;
	v10 =	vld.idx.msk [tilespmem:v5+s24+$0x0 ss:$0x1], $0xffff  }
0x4d: {  	s25 =	sor.u32 s25, s26;
	[tilespmem:s17+$0x2600] =	vst v15;
	v8 =	vld.idx.msk [tilespmem:v5+s18+$0x0 ss:$0x1], $0xffff  }
0x4e: {  	s25 =	sor.u32 $0x400, s25;
	[tilespmem:s17+$0x2630] =	vst v9;
	v9 =	vld.idx.msk [tilespmem:v5+s19+$0x0 ss:$0x1], $0xffff  }
0x4f: {  	v6 =	vmov s25;
	v16 =	vld.idx.msk [tilespmem:v5+s17+$0x0 ss:$0x1], $0xffff;
	[tilespmem:s17+$0x2640] =	vst v11  }
0x50: {  	v11 =	vld.idx.msk [tilespmem:v5+s20+$0x0 ss:$0x1], $0xffff;
	[tilespmem:s17+$0x2650] =	vst v12  }
0x51: {  	v12 =	vld.idx.msk [tilespmem:v5+s21+$0x0 ss:$0x1], $0xffff;
	[tilespmem:s17+$0x2660] =	vst v14  }
0x52: {  	s30 =	spop (v2sf);
	v14 =	vld.idx.msk [tilespmem:v5+s22+$0x0 ss:$0x1], $0xffff;
	[tilespmem:s17+$0x26F0] =	vst v10  }
0x53: {  	(v2sf) =	vpush v13, $0x9;
	s31 =	sshll.u32 s30, $0xA;
	s25 =	sshll.u32 s30, $0x7;
	[tilespmem:s17+$0x2690] =	vst v8;
	v15 =	vld.idx.msk [tilespmem:v5+s23+$0x0 ss:$0x1], $0xffff  }
0x54: {  	s26 =	sand.u32 $0xFFFFE000, s31;
	s25 =	sand.u32 $0x380, s25;
	[tilespmem:s17+$0x26A0] =	vst v9;
	v10 =	vld.idx.msk [tilespmem:v6+s24+$0x0 ss:$0x1], $0xffff  }
0x55: {  	s25 =	sor.u32 s25, s26;
	[tilespmem:s17+$0x2680] =	vst v16;
	v9 =	vld.idx.msk [tilespmem:v6+s18+$0x0 ss:$0x1], $0xffff  }
0x56: {  	s25 =	sor.u32 $0x400, s25;
	[tilespmem:s17+$0x26B0] =	vst v11;
	v11 =	vld.idx.msk [tilespmem:v6+s19+$0x0 ss:$0x1], $0xffff  }
0x57: {  	v7 =	vmov s25;
	v17 =	vld.idx.msk [tilespmem:v6+s17+$0x0 ss:$0x1], $0xffff;
	[tilespmem:s17+$0x26C0] =	vst v12  }
0x58: {  	v12 =	vld.idx.msk [tilespmem:v6+s20+$0x0 ss:$0x1], $0xffff;
	[tilespmem:s17+$0x26D0] =	vst v14  }
0x59: {  	v14 =	vld.idx.msk [tilespmem:v6+s21+$0x0 ss:$0x1], $0xffff;
	[tilespmem:s17+$0x26E0] =	vst v15  }
0x5a: {  	s28 =	spop (v2sf);
	v15 =	vld.idx.msk [tilespmem:v6+s22+$0x0 ss:$0x1], $0xffff;
	[tilespmem:s17+$0x2770] =	vst v10  }
0x5b: {  	(v2sf) =	vpush v13, $0xA;
	s29 =	sshll.u32 s28, $0xA;
	s25 =	sshll.u32 s28, $0x7;
	[tilespmem:s17+$0x2710] =	vst v9;
	v16 =	vld.idx.msk [tilespmem:v6+s23+$0x0 ss:$0x1], $0xffff  }
0x5c: {  	s26 =	sand.u32 $0xFFFFE000, s29;
	s25 =	sand.u32 $0x380, s25;
	[tilespmem:s17+$0x2720] =	vst v11;
	v10 =	vld.idx.msk [tilespmem:v7+s24+$0x0 ss:$0x1], $0xffff  }
0x5d: {  	s25 =	sor.u32 s25, s26;
	[tilespmem:s17+$0x2700] =	vst v17;
	v11 =	vld.idx.msk [tilespmem:v7+s18+$0x0 ss:$0x1], $0xffff  }
0x5e: {  	s25 =	sor.u32 $0x400, s25;
	[tilespmem:s17+$0x2730] =	vst v12;
	v12 =	vld.idx.msk [tilespmem:v7+s19+$0x0 ss:$0x1], $0xffff  }
0x5f: {  	v8 =	vmov s25;
	v18 =	vld.idx.msk [tilespmem:v7+s17+$0x0 ss:$0x1], $0xffff;
	[tilespmem:s17+$0x2740] =	vst v14  }
0x60: {  	v14 =	vld.idx.msk [tilespmem:v7+s20+$0x0 ss:$0x1], $0xffff;
	[tilespmem:s17+$0x2750] =	vst v15  }
0x61: {  	(v2sf) =	vpush v13, $0xB;
	v15 =	vld.idx.msk [tilespmem:v7+s21+$0x0 ss:$0x1], $0xffff;
	[tilespmem:s17+$0x2760] =	vst v16  }
0x62: {  	s30 =	spop (v2sf);
	v16 =	vld.idx.msk [tilespmem:v7+s22+$0x0 ss:$0x1], $0xffff;
	[tilespmem:s17+$0x27F0] =	vst v10  }
0x63: {  	s31 =	sshll.u32 s30, $0xA;
	s25 =	sshll.u32 s30, $0x7;
	v17 =	vld.idx.msk [tilespmem:v7+s23+$0x0 ss:$0x1], $0xffff;
	[tilespmem:s17+$0x2790] =	vst v11  }
0x64: {  	s26 =	sand.u32 $0xFFFFE000, s31;
	s25 =	sand.u32 $0x380, s25;
	[tilespmem:s17+$0x27A0] =	vst v12;
	v10 =	vld.idx.msk [tilespmem:v8+s24+$0x0 ss:$0x1], $0xffff  }
0x65: {  	s25 =	sor.u32 s25, s26;
	[tilespmem:s17+$0x2780] =	vst v18;
	v12 =	vld.idx.msk [tilespmem:v8+s18+$0x0 ss:$0x1], $0xffff  }
0x66: {  	s25 =	sor.u32 $0x400, s25;
	v19 =	vld.idx.msk [tilespmem:v8+s17+$0x0 ss:$0x1], $0xffff;
	[tilespmem:s17+$0x27B0] =	vst v14  }
0x67: {  	(v2sf) =	vpush v13, $0xC;
	v9 =	vmov s25;
	v14 =	vld.idx.msk [tilespmem:v8+s19+$0x0 ss:$0x1], $0xffff;
	[tilespmem:s17+$0x27C0] =	vst v15  }
0x68: {  	v15 =	vld.idx.msk [tilespmem:v8+s20+$0x0 ss:$0x1], $0xffff;
	[tilespmem:s17+$0x27D0] =	vst v16  }
0x69: {  	v16 =	vld.idx.msk [tilespmem:v8+s21+$0x0 ss:$0x1], $0xffff;
	[tilespmem:s17+$0x27E0] =	vst v17  }
0x6a: {  	s28 =	spop (v2sf);
	v17 =	vld.idx.msk [tilespmem:v8+s22+$0x0 ss:$0x1], $0xffff;
	[tilespmem:s17+$0x4470] =	vst v10  }
0x6b: {  	s29 =	sshll.u32 s28, $0xA;
	s25 =	sshll.u32 s28, $0x7;
	[tilespmem:s17+$0x4410] =	vst v12;
	v12 =	vld.idx.msk [tilespmem:v8+s23+$0x0 ss:$0x1], $0xffff  }
0x6c: {  	s26 =	sand.u32 $0xFFFFE000, s29;
	s25 =	sand.u32 $0x380, s25;
	[tilespmem:s17+$0x4400] =	vst v19;
	v11 =	vld.idx.msk [tilespmem:v9+s24+$0x0 ss:$0x1], $0xffff  }
0x6d: {  	(v2sf) =	vpush v13, $0xD;
	s25 =	sor.u32 s25, s26;
	[tilespmem:s17+$0x4420] =	vst v14;
	v14 =	vld.idx.msk [tilespmem:v9+s18+$0x0 ss:$0x1], $0xffff  }
0x6e: {  	s25 =	sor.u32 $0x400, s25;
	v20 =	vld.idx.msk [tilespmem:v9+s17+$0x0 ss:$0x1], $0xffff;
	[tilespmem:s17+$0x4430] =	vst v15  }
0x6f: {  	v10 =	vmov s25;
	v15 =	vld.idx.msk [tilespmem:v9+s19+$0x0 ss:$0x1], $0xffff;
	[tilespmem:s17+$0x4440] =	vst v16  }
0x70: {  	s30 =	spop (v2sf);
	v16 =	vld.idx.msk [tilespmem:v9+s20+$0x0 ss:$0x1], $0xffff;
	[tilespmem:s17+$0x4450] =	vst v17  }
0x71: {  	s31 =	sshll.u32 s30, $0xA;
	s25 =	sshll.u32 s30, $0x7;
	v17 =	vld.idx.msk [tilespmem:v9+s21+$0x0 ss:$0x1], $0xffff;
	[tilespmem:s17+$0x4460] =	vst v12  }
0x72: {  	s26 =	sand.u32 $0xFFFFE000, s31;
	s25 =	sand.u32 $0x380, s25;
	v19 =	vld.idx.msk [tilespmem:v9+s22+$0x0 ss:$0x1], $0xffff;
	[tilespmem:s17+$0x44F0] =	vst v11  }
0x73: {  	(v2sf) =	vpush v13, $0xE;
	s25 =	sor.u32 s25, s26;
	[tilespmem:s17+$0x4490] =	vst v14;
	v14 =	vld.idx.msk [tilespmem:v9+s23+$0x0 ss:$0x1], $0xffff  }
0x74: {  	s25 =	sor.u32 $0x400, s25;
	[tilespmem:s17+$0x4480] =	vst v20;
	v18 =	vld.idx.msk [tilespmem:v10+s24+$0x0 ss:$0x1], $0xffff  }
0x75: {  	v11 =	vmov s25;
	[tilespmem:s17+$0x44A0] =	vst v15;
	v15 =	vld.idx.msk [tilespmem:v10+s18+$0x0 ss:$0x1], $0xffff  }
0x76: {  	s28 =	spop (v2sf);
	v20 =	vld.idx.msk [tilespmem:v10+s17+$0x0 ss:$0x1], $0xffff;
	[tilespmem:s17+$0x44B0] =	vst v16  }
0x77: {  	s29 =	sshll.u32 s28, $0xA;
	s25 =	sshll.u32 s28, $0x7;
	v16 =	vld.idx.msk [tilespmem:v10+s19+$0x0 ss:$0x1], $0xffff;
	[tilespmem:s17+$0x44C0] =	vst v17  }
0x78: {  	s26 =	sand.u32 $0xFFFFE000, s29;
	s25 =	sand.u32 $0x380, s25;
	v17 =	vld.idx.msk [tilespmem:v10+s20+$0x0 ss:$0x1], $0xffff;
	[tilespmem:s17+$0x44D0] =	vst v19  }
0x79: {  	(v2sf) =	vpush v13, $0xF;
	s25 =	sor.u32 s25, s26;
	v19 =	vld.idx.msk [tilespmem:v10+s21+$0x0 ss:$0x1], $0xffff;
	[tilespmem:s17+$0x4570] =	vst v18  }
0x7a: {  	s25 =	sor.u32 $0x400, s25;
	[tilespmem:s17+$0x44E0] =	vst v14;
	v18 =	vld.idx.msk [tilespmem:v11+s24+$0x0 ss:$0x1], $0xffff  }
0x7b: {  	v12 =	vmov s25;
	v14 =	vld.idx.msk [tilespmem:v10+s22+$0x0 ss:$0x1], $0xffff;
	[tilespmem:s17+$0x4510] =	vst v15  }
0x7c: {  	s30 =	spop (v2sf);
	v15 =	vld.idx.msk [tilespmem:v10+s23+$0x0 ss:$0x1], $0xffff;
	[tilespmem:s17+$0x4500] =	vst v20  }
0x7d: {  	s31 =	sshll.u32 s30, $0xA;
	s25 =	sshll.u32 s30, $0x7;
	[tilespmem:s17+$0x4520] =	vst v16;
	v16 =	vld.idx.msk [tilespmem:v11+s18+$0x0 ss:$0x1], $0xffff  }
0x7e: {  	s26 =	sand.u32 $0xFFFFE000, s31;
	s25 =	sand.u32 $0x380, s25;
	v22 =	vld.idx.msk [tilespmem:v11+s17+$0x0 ss:$0x1], $0xffff;
	[tilespmem:s17+$0x4530] =	vst v17  }
0x7f: {  	s25 =	sor.u32 s25, s26;
	v17 =	vld.idx.msk [tilespmem:v11+s19+$0x0 ss:$0x1], $0xffff;
	[tilespmem:s17+$0x45F0] =	vst v18  }
0x80: {  	s25 =	sor.u32 $0x400, s25;
	[tilespmem:s17+$0x4540] =	vst v19;
	v18 =	vld.idx.msk [tilespmem:v12+s24+$0x0 ss:$0x1], $0xffff  }
0x81: {  	v13 =	vmov s25;
	v19 =	vld.idx.msk [tilespmem:v11+s20+$0x0 ss:$0x1], $0xffff;
	[tilespmem:s17+$0x4550] =	vst v14  }
0x82: {  	s28 =	spop (v2sf);
	v21 =	vld.idx.msk [tilespmem:v11+s21+$0x0 ss:$0x1], $0xffff;
	[tilespmem:s17+$0x4560] =	vst v15  }
0x83: {  	s29 =	sshll.u32 s28, $0xA;
	s25 =	sshll.u32 s28, $0x7;
	v20 =	vld.idx.msk [tilespmem:v11+s22+$0x0 ss:$0x1], $0xffff;
	[tilespmem:s17+$0x4590] =	vst v16  }
0x84: {  	s26 =	sand.u32 $0xFFFFE000, s29;
	s25 =	sand.u32 $0x380, s25;
	v16 =	vld.idx.msk [tilespmem:v11+s23+$0x0 ss:$0x1], $0xffff;
	[tilespmem:s17+$0x45A0] =	vst v17  }
0x85: {  	s25 =	sor.u32 s25, s26;
	v17 =	vld.idx.msk [tilespmem:v12+s18+$0x0 ss:$0x1], $0xffff;
	[tilespmem:s17+$0x4670] =	vst v18  }
0x86: {  	s25 =	sor.u32 $0x400, s25;
	[tilespmem:s17+$0x4580] =	vst v22;
	v18 =	vld.idx.msk [tilespmem:v13+s24+$0x0 ss:$0x1], $0xffff  }
0x87: {  	v14 =	vmov s25;
	v22 =	vld.idx.msk [tilespmem:v12+s17+$0x0 ss:$0x1], $0xffff;
	[tilespmem:s17+$0x45B0] =	vst v19  }
0x88: {  	s30 =	spop (v2sf);
	v19 =	vld.idx.msk [tilespmem:v12+s19+$0x0 ss:$0x1], $0xffff;
	[tilespmem:s17+$0x45C0] =	vst v21  }
0x89: {  	s31 =	sshll.u32 s30, $0xA;
	s25 =	sshll.u32 s30, $0x7;
	v21 =	vld.idx.msk [tilespmem:v12+s20+$0x0 ss:$0x1], $0xffff;
	[tilespmem:s17+$0x45D0] =	vst v20  }
0x8a: {  	s26 =	sand.u32 $0xFFFFE000, s31;
	s25 =	sand.u32 $0x380, s25;
	v20 =	vld.idx.msk [tilespmem:v12+s21+$0x0 ss:$0x1], $0xffff;
	[tilespmem:s17+$0x45E0] =	vst v16  }
0x8b: {  	s25 =	sor.u32 s25, s26;
	v16 =	vld.idx.msk [tilespmem:v12+s22+$0x0 ss:$0x1], $0xffff;
	[tilespmem:s17+$0x46F0] =	vst v18  }
0x8c: {  	s25 =	sor.u32 $0x400, s25;
	[tilespmem:s17+$0x4610] =	vst v17;
	v18 =	vld.idx.msk [tilespmem:v14+s24+$0x0 ss:$0x1], $0xffff  }
0x8d: {  	v15 =	vmov s25;
	v17 =	vld.idx.msk [tilespmem:v12+s23+$0x0 ss:$0x1], $0xffff;
	[tilespmem:s17+$0x4620] =	vst v19  }
0x8e: {  	v19 =	vld.idx.msk [tilespmem:v13+s18+$0x0 ss:$0x1], $0xffff;
	[tilespmem:s17+$0x4630] =	vst v21  }
0x8f: {  	v21 =	vld.idx.msk [tilespmem:v13+s19+$0x0 ss:$0x1], $0xffff;
	[tilespmem:s17+$0x4640] =	vst v20  }
0x90: {  	v20 =	vld.idx.msk [tilespmem:v13+s20+$0x0 ss:$0x1], $0xffff;
	[tilespmem:s17+$0x4650] =	vst v16  }
0x91: {  	v16 =	vld.idx.msk [tilespmem:v13+s21+$0x0 ss:$0x1], $0xffff;
	[tilespmem:s17+$0x4770] =	vst v18  }
0x92: {  	[tilespmem:s17+$0x4600] =	vst v22;
	v18 =	vld.idx.msk [tilespmem:v15+s24+$0x0 ss:$0x1], $0xffff  }
0x93: {  	[tilespmem:s17+$0x4660] =	vst v17;
	v17 =	vld.idx.msk [tilespmem:v13+s22+$0x0 ss:$0x1], $0xffff  }
0x94: {  	v22 =	vld.idx.msk [tilespmem:v13+s23+$0x0 ss:$0x1], $0xffff;
	[tilespmem:s17+$0x4690] =	vst v19  }
0x95: {  	v19 =	vld.idx.msk [tilespmem:v14+s18+$0x0 ss:$0x1], $0xffff;
	[tilespmem:s17+$0x46A0] =	vst v21  }
0x96: {  	v23 =	vld.idx.msk [tilespmem:v14+s19+$0x0 ss:$0x1], $0xffff;
	[tilespmem:s17+$0x46B0] =	vst v20  }
0x97: {  	[tilespmem:s17+$0x47F0] =	vst v18;
	v18 =	vld.idx.msk [tilespmem:v13+s17+$0x0 ss:$0x1], $0xffff  }
0x98: {  	v20 =	vld.idx.msk [tilespmem:v14+s20+$0x0 ss:$0x1], $0xffff;
	[tilespmem:s17+$0x46C0] =	vst v16  }
0x99: {  	v24 =	vld.idx.msk [tilespmem:v14+s21+$0x0 ss:$0x1], $0xffff;
	[tilespmem:s17+$0x46D0] =	vst v17  }
0x9a: {  	v25 =	vld.idx.msk [tilespmem:v14+s22+$0x0 ss:$0x1], $0xffff;
	[tilespmem:s17+$0x46E0] =	vst v22  }
0x9b: {  	v22 =	vld.idx.msk [tilespmem:v14+s23+$0x0 ss:$0x1], $0xffff;
	[tilespmem:s17+$0x4710] =	vst v19  }
0x9c: {  	v21 =	vld.idx.msk [tilespmem:v15+s18+$0x0 ss:$0x1], $0xffff;
	[tilespmem:s17+$0x4680] =	vst v18  }
0x9d: {  	[tilespmem:s17+$0x4720] =	vst v23;
	v26 =	vld.idx.msk [tilespmem:v14+s17+$0x0 ss:$0x1], $0xffff  }
0x9e: {  	v19 =	vld.idx.msk [tilespmem:v15+s19+$0x0 ss:$0x1], $0xffff;
	[tilespmem:s17+$0x4730] =	vst v20  }
0x9f: {  	v16 =	vld.idx.msk [tilespmem:v15+s20+$0x0 ss:$0x1], $0xffff;
	[tilespmem:s17+$0x4740] =	vst v24  }
0xa0: {  	v17 =	vld.idx.msk [tilespmem:v15+s21+$0x0 ss:$0x1], $0xffff;
	[tilespmem:s17+$0x4760] =	vst v22  }
0xa1: {  	[tilespmem:s17+$0x4750] =	vst v25;
	v20 =	vld.idx.msk [tilespmem:v15+s23+$0x0 ss:$0x1], $0xffff  }
0xa2: {  	s18 =	simm.s32 $0x8;
	v18 =	vld.idx.msk [tilespmem:v15+s22+$0x0 ss:$0x1], $0xffff;
	[tilespmem:s17+$0x4700] =	vst v26  }
.LBB2_3:
0xa3: {  	s26 =	sshll.u32 s18, $0x7;
	p1 =	slt.u32 s18, $0x38;
	v22 =	vld.idx.msk [tilespmem:v15+s17+$0x0 ss:$0x1], $0xffff;
	[tilespmem:s17+$0x4790] =	vst v21  }
0xa4: {  	v21 =	vld.idx.msk [tilespmem:v0+s26+$0x0 ss:$0x1], $0xffff;
	s24 =	sor.u32 $0x10, s26;
	s22 =	sor.u32 $0x20, s26;
	s25 =	sor.u32 $0x70, s26;
	[tilespmem:s17+$0x47A0] =	vst v19  }
0xa5: {  	s23 =	sor.u32 $0x30, s26;
	s21 =	sor.u32 $0x40, s26;
	s19 =	sor.u32 $0x50, s26;
	v19 =	vld.idx.msk [tilespmem:v0+s25+$0x0 ss:$0x1], $0xffff;
	[tilespmem:s17+$0x47B0] =	vst v16  }
0xa6: {  	s20 =	sor.u32 $0x60, s26;
	v16 =	vld.idx.msk [tilespmem:v0+s24+$0x0 ss:$0x1], $0xffff;
	[tilespmem:s17+$0x47C0] =	vst v17  }
0xa7: {  	v17 =	vld.idx.msk [tilespmem:v0+s22+$0x0 ss:$0x1], $0xffff;
	[tilespmem:s17+$0x47D0] =	vst v18  }
0xa8: {  	v18 =	vld.idx.msk [tilespmem:v0+s23+$0x0 ss:$0x1], $0xffff;
	[tilespmem:s17+$0x47E0] =	vst v20  }
0xa9: {  	v20 =	vld.idx.msk [tilespmem:v0+s21+$0x0 ss:$0x1], $0xffff;
	[tilespmem:s17+$0x4780] =	vst v22;
	s17 =	smov.u32 s26  }
0xaa: {  	[tilespmem:s17+$0x2400] =	vst v21;
	v21 =	vld.idx.msk [tilespmem:v0+s19+$0x0 ss:$0x1], $0xffff  }
0xab: {  	v22 =	vld.idx.msk [tilespmem:v0+s20+$0x0 ss:$0x1], $0xffff;
	[tilespmem:s17+$0x2470] =	vst v19  }
0xac: {  	[tilespmem:s17+$0x2410] =	vst v16;
	v16 =	vld.idx.msk [tilespmem:v1+s25+$0x0 ss:$0x1], $0xffff  }
0xad: {  	v19 =	vld.idx.msk [tilespmem:v1+s24+$0x0 ss:$0x1], $0xffff;
	[tilespmem:s17+$0x2420] =	vst v17  }
0xae: {  	v17 =	vld.idx.msk [tilespmem:v1+s22+$0x0 ss:$0x1], $0xffff;
	[tilespmem:s17+$0x2430] =	vst v18  }
0xaf: {  	v18 =	vld.idx.msk [tilespmem:v1+s23+$0x0 ss:$0x1], $0xffff;
	[tilespmem:s17+$0x2440] =	vst v20  }
0xb0: {  	v20 =	vld.idx.msk [tilespmem:v1+s21+$0x0 ss:$0x1], $0xffff;
	[tilespmem:s17+$0x2450] =	vst v21  }
0xb1: {  	v21 =	vld.idx.msk [tilespmem:v1+s19+$0x0 ss:$0x1], $0xffff;
	[tilespmem:s17+$0x2460] =	vst v22  }
0xb2: {  	v22 =	vld.idx.msk [tilespmem:v1+s20+$0x0 ss:$0x1], $0xffff;
	[tilespmem:s17+$0x24F0] =	vst v16  }
0xb3: {  	[tilespmem:s17+$0x2490] =	vst v19;
	v16 =	vld.idx.msk [tilespmem:v2+s25+$0x0 ss:$0x1], $0xffff  }
0xb4: {  	v19 =	vld.idx.msk [tilespmem:v1+s17+$0x0 ss:$0x1], $0xffff;
	[tilespmem:s17+$0x24A0] =	vst v17  }
0xb5: {  	v17 =	vld.idx.msk [tilespmem:v2+s24+$0x0 ss:$0x1], $0xffff;
	[tilespmem:s17+$0x24B0] =	vst v18  }
0xb6: {  	v18 =	vld.idx.msk [tilespmem:v2+s22+$0x0 ss:$0x1], $0xffff;
	[tilespmem:s17+$0x24C0] =	vst v20  }
0xb7: {  	v20 =	vld.idx.msk [tilespmem:v2+s23+$0x0 ss:$0x1], $0xffff;
	[tilespmem:s17+$0x24D0] =	vst v21  }
0xb8: {  	v21 =	vld.idx.msk [tilespmem:v2+s21+$0x0 ss:$0x1], $0xffff;
	[tilespmem:s17+$0x24E0] =	vst v22  }
0xb9: {  	v22 =	vld.idx.msk [tilespmem:v2+s19+$0x0 ss:$0x1], $0xffff;
	[tilespmem:s17+$0x2570] =	vst v16  }
0xba: {  	[tilespmem:s17+$0x2480] =	vst v19;
	v16 =	vld.idx.msk [tilespmem:v3+s25+$0x0 ss:$0x1], $0xffff  }
0xbb: {  	[tilespmem:s17+$0x2510] =	vst v17;
	v17 =	vld.idx.msk [tilespmem:v2+s20+$0x0 ss:$0x1], $0xffff  }
0xbc: {  	v19 =	vld.idx.msk [tilespmem:v2+s17+$0x0 ss:$0x1], $0xffff;
	[tilespmem:s17+$0x2520] =	vst v18  }
0xbd: {  	v18 =	vld.idx.msk [tilespmem:v3+s24+$0x0 ss:$0x1], $0xffff;
	[tilespmem:s17+$0x2530] =	vst v20  }
0xbe: {  	v20 =	vld.idx.msk [tilespmem:v3+s22+$0x0 ss:$0x1], $0xffff;
	[tilespmem:s17+$0x2540] =	vst v21  }
0xbf: {  	v21 =	vld.idx.msk [tilespmem:v3+s23+$0x0 ss:$0x1], $0xffff;
	[tilespmem:s17+$0x2550] =	vst v22  }
0xc0: {  	v22 =	vld.idx.msk [tilespmem:v3+s21+$0x0 ss:$0x1], $0xffff;
	[tilespmem:s17+$0x25F0] =	vst v16  }
0xc1: {  	[tilespmem:s17+$0x2560] =	vst v17;
	v16 =	vld.idx.msk [tilespmem:v4+s25+$0x0 ss:$0x1], $0xffff  }
0xc2: {  	[tilespmem:s17+$0x2500] =	vst v19;
	v17 =	vld.idx.msk [tilespmem:v3+s19+$0x0 ss:$0x1], $0xffff  }
0xc3: {  	[tilespmem:s17+$0x2590] =	vst v18;
	v18 =	vld.idx.msk [tilespmem:v3+s20+$0x0 ss:$0x1], $0xffff  }
0xc4: {  	v19 =	vld.idx.msk [tilespmem:v3+s17+$0x0 ss:$0x1], $0xffff;
	[tilespmem:s17+$0x25A0] =	vst v20  }
0xc5: {  	v20 =	vld.idx.msk [tilespmem:v4+s24+$0x0 ss:$0x1], $0xffff;
	[tilespmem:s17+$0x25B0] =	vst v21  }
0xc6: {  	v21 =	vld.idx.msk [tilespmem:v4+s22+$0x0 ss:$0x1], $0xffff;
	[tilespmem:s17+$0x25C0] =	vst v22  }
0xc7: {  	v22 =	vld.idx.msk [tilespmem:v4+s23+$0x0 ss:$0x1], $0xffff;
	[tilespmem:s17+$0x2670] =	vst v16  }
0xc8: {  	[tilespmem:s17+$0x25D0] =	vst v17;
	v16 =	vld.idx.msk [tilespmem:v5+s25+$0x0 ss:$0x1], $0xffff  }
0xc9: {  	v17 =	vld.idx.msk [tilespmem:v4+s21+$0x0 ss:$0x1], $0xffff;
	[tilespmem:s17+$0x25E0] =	vst v18  }
0xca: {  	[tilespmem:s17+$0x2580] =	vst v19;
	v18 =	vld.idx.msk [tilespmem:v4+s19+$0x0 ss:$0x1], $0xffff  }
0xcb: {  	[tilespmem:s17+$0x2610] =	vst v20;
	v19 =	vld.idx.msk [tilespmem:v4+s20+$0x0 ss:$0x1], $0xffff  }
0xcc: {  	v20 =	vld.idx.msk [tilespmem:v4+s17+$0x0 ss:$0x1], $0xffff;
	[tilespmem:s17+$0x2620] =	vst v21  }
0xcd: {  	v21 =	vld.idx.msk [tilespmem:v5+s24+$0x0 ss:$0x1], $0xffff;
	[tilespmem:s17+$0x2630] =	vst v22  }
0xce: {  	v22 =	vld.idx.msk [tilespmem:v5+s22+$0x0 ss:$0x1], $0xffff;
	[tilespmem:s17+$0x26F0] =	vst v16  }
0xcf: {  	[tilespmem:s17+$0x2640] =	vst v17;
	v16 =	vld.idx.msk [tilespmem:v6+s25+$0x0 ss:$0x1], $0xffff  }
0xd0: {  	v17 =	vld.idx.msk [tilespmem:v5+s23+$0x0 ss:$0x1], $0xffff;
	[tilespmem:s17+$0x2650] =	vst v18  }
0xd1: {  	v18 =	vld.idx.msk [tilespmem:v5+s21+$0x0 ss:$0x1], $0xffff;
	[tilespmem:s17+$0x2660] =	vst v19  }
0xd2: {  	[tilespmem:s17+$0x2600] =	vst v20;
	v19 =	vld.idx.msk [tilespmem:v5+s19+$0x0 ss:$0x1], $0xffff  }
0xd3: {  	[tilespmem:s17+$0x2690] =	vst v21;
	v20 =	vld.idx.msk [tilespmem:v5+s20+$0x0 ss:$0x1], $0xffff  }
0xd4: {  	v21 =	vld.idx.msk [tilespmem:v5+s17+$0x0 ss:$0x1], $0xffff;
	[tilespmem:s17+$0x26A0] =	vst v22  }
0xd5: {  	v22 =	vld.idx.msk [tilespmem:v6+s24+$0x0 ss:$0x1], $0xffff;
	[tilespmem:s17+$0x2770] =	vst v16  }
0xd6: {  	[tilespmem:s17+$0x26B0] =	vst v17;
	v16 =	vld.idx.msk [tilespmem:v7+s25+$0x0 ss:$0x1], $0xffff  }
0xd7: {  	v17 =	vld.idx.msk [tilespmem:v6+s22+$0x0 ss:$0x1], $0xffff;
	[tilespmem:s17+$0x26C0] =	vst v18  }
0xd8: {  	v18 =	vld.idx.msk [tilespmem:v6+s23+$0x0 ss:$0x1], $0xffff;
	[tilespmem:s17+$0x26D0] =	vst v19  }
0xd9: {  	v19 =	vld.idx.msk [tilespmem:v6+s21+$0x0 ss:$0x1], $0xffff;
	[tilespmem:s17+$0x26E0] =	vst v20  }
0xda: {  	[tilespmem:s17+$0x2680] =	vst v21;
	v20 =	vld.idx.msk [tilespmem:v6+s19+$0x0 ss:$0x1], $0xffff  }
0xdb: {  	[tilespmem:s17+$0x2710] =	vst v22;
	v21 =	vld.idx.msk [tilespmem:v6+s20+$0x0 ss:$0x1], $0xffff  }
0xdc: {  	v22 =	vld.idx.msk [tilespmem:v6+s17+$0x0 ss:$0x1], $0xffff;
	[tilespmem:s17+$0x27F0] =	vst v16  }
0xdd: {  	[tilespmem:s17+$0x2720] =	vst v17;
	v16 =	vld.idx.msk [tilespmem:v8+s25+$0x0 ss:$0x1], $0xffff  }
0xde: {  	v17 =	vld.idx.msk [tilespmem:v7+s24+$0x0 ss:$0x1], $0xffff;
	[tilespmem:s17+$0x2730] =	vst v18  }
0xdf: {  	v18 =	vld.idx.msk [tilespmem:v7+s22+$0x0 ss:$0x1], $0xffff;
	[tilespmem:s17+$0x2740] =	vst v19  }
0xe0: {  	v19 =	vld.idx.msk [tilespmem:v7+s23+$0x0 ss:$0x1], $0xffff;
	[tilespmem:s17+$0x2750] =	vst v20  }
0xe1: {  	v20 =	vld.idx.msk [tilespmem:v7+s21+$0x0 ss:$0x1], $0xffff;
	[tilespmem:s17+$0x2760] =	vst v21  }
0xe2: {  	[tilespmem:s17+$0x2700] =	vst v22;
	v21 =	vld.idx.msk [tilespmem:v7+s19+$0x0 ss:$0x1], $0xffff  }
0xe3: {  	v22 =	vld.idx.msk [tilespmem:v7+s20+$0x0 ss:$0x1], $0xffff;
	[tilespmem:s17+$0x4470] =	vst v16  }
0xe4: {  	[tilespmem:s17+$0x2790] =	vst v17;
	v16 =	vld.idx.msk [tilespmem:v9+s25+$0x0 ss:$0x1], $0xffff  }
0xe5: {  	v17 =	vld.idx.msk [tilespmem:v7+s17+$0x0 ss:$0x1], $0xffff;
	[tilespmem:s17+$0x27A0] =	vst v18  }
0xe6: {  	v18 =	vld.idx.msk [tilespmem:v8+s24+$0x0 ss:$0x1], $0xffff;
	[tilespmem:s17+$0x27B0] =	vst v19  }
0xe7: {  	v19 =	vld.idx.msk [tilespmem:v8+s22+$0x0 ss:$0x1], $0xffff;
	[tilespmem:s17+$0x27C0] =	vst v20  }
0xe8: {  	v20 =	vld.idx.msk [tilespmem:v8+s23+$0x0 ss:$0x1], $0xffff;
	[tilespmem:s17+$0x27D0] =	vst v21  }
0xe9: {  	v21 =	vld.idx.msk [tilespmem:v8+s21+$0x0 ss:$0x1], $0xffff;
	[tilespmem:s17+$0x27E0] =	vst v22  }
0xea: {  	v22 =	vld.idx.msk [tilespmem:v8+s19+$0x0 ss:$0x1], $0xffff;
	[tilespmem:s17+$0x44F0] =	vst v16  }
0xeb: {  	[tilespmem:s17+$0x2780] =	vst v17;
	v16 =	vld.idx.msk [tilespmem:v10+s25+$0x0 ss:$0x1], $0xffff  }
0xec: {  	[tilespmem:s17+$0x4410] =	vst v18;
	v17 =	vld.idx.msk [tilespmem:v8+s20+$0x0 ss:$0x1], $0xffff  }
0xed: {  	v18 =	vld.idx.msk [tilespmem:v8+s17+$0x0 ss:$0x1], $0xffff;
	[tilespmem:s17+$0x4420] =	vst v19  }
0xee: {  	v19 =	vld.idx.msk [tilespmem:v9+s24+$0x0 ss:$0x1], $0xffff;
	[tilespmem:s17+$0x4430] =	vst v20  }
0xef: {  	v20 =	vld.idx.msk [tilespmem:v9+s22+$0x0 ss:$0x1], $0xffff;
	[tilespmem:s17+$0x4440] =	vst v21  }
0xf0: {  	v21 =	vld.idx.msk [tilespmem:v9+s23+$0x0 ss:$0x1], $0xffff;
	[tilespmem:s17+$0x4450] =	vst v22  }
0xf1: {  	v22 =	vld.idx.msk [tilespmem:v9+s21+$0x0 ss:$0x1], $0xffff;
	[tilespmem:s17+$0x4570] =	vst v16  }
0xf2: {  	[tilespmem:s17+$0x4460] =	vst v17;
	v16 =	vld.idx.msk [tilespmem:v11+s25+$0x0 ss:$0x1], $0xffff  }
0xf3: {  	[tilespmem:s17+$0x4400] =	vst v18;
	v17 =	vld.idx.msk [tilespmem:v9+s19+$0x0 ss:$0x1], $0xffff  }
0xf4: {  	[tilespmem:s17+$0x4490] =	vst v19;
	v18 =	vld.idx.msk [tilespmem:v9+s20+$0x0 ss:$0x1], $0xffff  }
0xf5: {  	v19 =	vld.idx.msk [tilespmem:v9+s17+$0x0 ss:$0x1], $0xffff;
	[tilespmem:s17+$0x44A0] =	vst v20  }
0xf6: {  	v20 =	vld.idx.msk [tilespmem:v10+s24+$0x0 ss:$0x1], $0xffff;
	[tilespmem:s17+$0x44B0] =	vst v21  }
0xf7: {  	v21 =	vld.idx.msk [tilespmem:v10+s22+$0x0 ss:$0x1], $0xffff;
	[tilespmem:s17+$0x44C0] =	vst v22  }
0xf8: {  	v22 =	vld.idx.msk [tilespmem:v10+s23+$0x0 ss:$0x1], $0xffff;
	[tilespmem:s17+$0x45F0] =	vst v16  }
0xf9: {  	[tilespmem:s17+$0x44D0] =	vst v17;
	v16 =	vld.idx.msk [tilespmem:v12+s25+$0x0 ss:$0x1], $0xffff  }
0xfa: {  	v17 =	vld.idx.msk [tilespmem:v10+s21+$0x0 ss:$0x1], $0xffff;
	[tilespmem:s17+$0x44E0] =	vst v18  }
0xfb: {  	[tilespmem:s17+$0x4480] =	vst v19;
	v18 =	vld.idx.msk [tilespmem:v10+s19+$0x0 ss:$0x1], $0xffff  }
0xfc: {  	[tilespmem:s17+$0x4510] =	vst v20;
	v19 =	vld.idx.msk [tilespmem:v10+s20+$0x0 ss:$0x1], $0xffff  }
0xfd: {  	v20 =	vld.idx.msk [tilespmem:v10+s17+$0x0 ss:$0x1], $0xffff;
	[tilespmem:s17+$0x4520] =	vst v21  }
0xfe: {  	v21 =	vld.idx.msk [tilespmem:v11+s24+$0x0 ss:$0x1], $0xffff;
	[tilespmem:s17+$0x4530] =	vst v22  }
0xff: {  	v22 =	vld.idx.msk [tilespmem:v11+s22+$0x0 ss:$0x1], $0xffff;
	[tilespmem:s17+$0x4670] =	vst v16  }
0x100: {  	[tilespmem:s17+$0x4540] =	vst v17;
	v16 =	vld.idx.msk [tilespmem:v13+s25+$0x0 ss:$0x1], $0xffff  }
0x101: {  	v17 =	vld.idx.msk [tilespmem:v11+s23+$0x0 ss:$0x1], $0xffff;
	[tilespmem:s17+$0x4550] =	vst v18  }
0x102: {  	v18 =	vld.idx.msk [tilespmem:v11+s21+$0x0 ss:$0x1], $0xffff;
	[tilespmem:s17+$0x4560] =	vst v19  }
0x103: {  	[tilespmem:s17+$0x4500] =	vst v20;
	v19 =	vld.idx.msk [tilespmem:v11+s19+$0x0 ss:$0x1], $0xffff  }
0x104: {  	[tilespmem:s17+$0x4590] =	vst v21;
	v20 =	vld.idx.msk [tilespmem:v11+s20+$0x0 ss:$0x1], $0xffff  }
0x105: {  	v21 =	vld.idx.msk [tilespmem:v11+s17+$0x0 ss:$0x1], $0xffff;
	[tilespmem:s17+$0x45A0] =	vst v22  }
0x106: {  	v22 =	vld.idx.msk [tilespmem:v12+s24+$0x0 ss:$0x1], $0xffff;
	[tilespmem:s17+$0x46F0] =	vst v16  }
0x107: {  	[tilespmem:s17+$0x45B0] =	vst v17;
	v16 =	vld.idx.msk [tilespmem:v14+s25+$0x0 ss:$0x1], $0xffff  }
0x108: {  	v17 =	vld.idx.msk [tilespmem:v12+s22+$0x0 ss:$0x1], $0xffff;
	[tilespmem:s17+$0x45C0] =	vst v18  }
0x109: {  	v18 =	vld.idx.msk [tilespmem:v12+s23+$0x0 ss:$0x1], $0xffff;
	[tilespmem:s17+$0x45D0] =	vst v19  }
0x10a: {  	v19 =	vld.idx.msk [tilespmem:v12+s21+$0x0 ss:$0x1], $0xffff;
	[tilespmem:s17+$0x45E0] =	vst v20  }
0x10b: {  	[tilespmem:s17+$0x4580] =	vst v21;
	v20 =	vld.idx.msk [tilespmem:v12+s19+$0x0 ss:$0x1], $0xffff  }
0x10c: {  	[tilespmem:s17+$0x4610] =	vst v22;
	v21 =	vld.idx.msk [tilespmem:v12+s20+$0x0 ss:$0x1], $0xffff  }
0x10d: {  	v22 =	vld.idx.msk [tilespmem:v12+s17+$0x0 ss:$0x1], $0xffff;
	[tilespmem:s17+$0x4770] =	vst v16  }
0x10e: {  	[tilespmem:s17+$0x4620] =	vst v17;
	v16 =	vld.idx.msk [tilespmem:v15+s25+$0x0 ss:$0x1], $0xffff  }
0x10f: {  	v17 =	vld.idx.msk [tilespmem:v13+s24+$0x0 ss:$0x1], $0xffff;
	[tilespmem:s17+$0x4630] =	vst v18  }
0x110: {  	v18 =	vld.idx.msk [tilespmem:v13+s22+$0x0 ss:$0x1], $0xffff;
	[tilespmem:s17+$0x4640] =	vst v19  }
0x111: {  	v19 =	vld.idx.msk [tilespmem:v13+s23+$0x0 ss:$0x1], $0xffff;
	[tilespmem:s17+$0x4650] =	vst v20  }
0x112: {  	v20 =	vld.idx.msk [tilespmem:v13+s21+$0x0 ss:$0x1], $0xffff;
	[tilespmem:s17+$0x4660] =	vst v21  }
0x113: {  	[tilespmem:s17+$0x4600] =	vst v22;
	v21 =	vld.idx.msk [tilespmem:v13+s19+$0x0 ss:$0x1], $0xffff  }
0x114: {  	v22 =	vld.idx.msk [tilespmem:v13+s20+$0x0 ss:$0x1], $0xffff;
	[tilespmem:s17+$0x47F0] =	vst v16  }
0x115: {  	v16 =	vld.idx.msk [tilespmem:v13+s17+$0x0 ss:$0x1], $0xffff;
	[tilespmem:s17+$0x4690] =	vst v17  }
0x116: {  	v17 =	vld.idx.msk [tilespmem:v14+s24+$0x0 ss:$0x1], $0xffff;
	[tilespmem:s17+$0x46A0] =	vst v18  }
0x117: {  	v18 =	vld.idx.msk [tilespmem:v14+s22+$0x0 ss:$0x1], $0xffff;
	[tilespmem:s17+$0x46B0] =	vst v19  }
0x118: {  	v23 =	vld.idx.msk [tilespmem:v14+s23+$0x0 ss:$0x1], $0xffff;
	[tilespmem:s17+$0x46C0] =	vst v20  }
0x119: {  	v20 =	vld.idx.msk [tilespmem:v14+s21+$0x0 ss:$0x1], $0xffff;
	[tilespmem:s17+$0x46D0] =	vst v21  }
0x11a: {  	v24 =	vld.idx.msk [tilespmem:v14+s19+$0x0 ss:$0x1], $0xffff;
	[tilespmem:s17+$0x46E0] =	vst v22  }
0x11b: {  	[tilespmem:s17+$0x4680] =	vst v16;
	v22 =	vld.idx.msk [tilespmem:v14+s20+$0x0 ss:$0x1], $0xffff  }
0x11c: {  	v25 =	vld.idx.msk [tilespmem:v14+s17+$0x0 ss:$0x1], $0xffff;
	[tilespmem:s17+$0x4710] =	vst v17  }
0x11d: {  	v21 =	vld.idx.msk [tilespmem:v15+s24+$0x0 ss:$0x1], $0xffff;
	[tilespmem:s17+$0x4720] =	vst v18  }
.Ltmp0:
0x11e: {  	v19 =	vld.idx.msk [tilespmem:v15+s22+$0x0 ss:$0x1], $0xffff;
	[tilespmem:s17+$0x4730] =	vst v23;
	(pc) =	sbr.rel @p1 .LBB2_3-.Ltmp0, $4  }
0x11f: {  	v16 =	vld.idx.msk [tilespmem:v15+s23+$0x0 ss:$0x1], $0xffff;
	[tilespmem:s17+$0x4740] =	vst v20  }
0x120: {  	v17 =	vld.idx.msk [tilespmem:v15+s21+$0x0 ss:$0x1], $0xffff;
	[tilespmem:s17+$0x4750] =	vst v24  }
0x121: {  	v18 =	vld.idx.msk [tilespmem:v15+s19+$0x0 ss:$0x1], $0xffff;
	[tilespmem:s17+$0x4760] =	vst v22  }
0x122: {  	s18 =	sadd.s32 $0x8, s18;
	[tilespmem:s17+$0x4700] =	vst v25;
	v20 =	vld.idx.msk [tilespmem:v15+s20+$0x0 ss:$0x1], $0xffff  }
0x123: {  	_ =	sdelay $0x2  }
0x124: {  	[tilespmem:s17+$0x4790] =	vst v21  }
0x125: {  	v0 =	vld.idx.msk [tilespmem:v15+s17+$0x0 ss:$0x1], $0xffff;
	[tilespmem:s17+$0x47A0] =	vst v19  }
0x126: {  	[tilespmem:s17+$0x47B0] =	vst v16  }
0x127: {  	[tilespmem:s17+$0x47C0] =	vst v17  }
0x128: {  	[tilespmem:s17+$0x47D0] =	vst v18  }
0x129: {  	[tilespmem:s17+$0x47E0] =	vst v20  }
0x12a: {  	[tilespmem:s17+$0x4780] =	vst v0  }
0x12b: {  	v13 =	vld [tilespmem:s16+$0x10];
	_ =	sdelay $0x4  }
0x12c: {  	(v2sf) =	vpush v13, $0x0;
	_ =	sdelay $0x6  }
0x12d: {  	(v2sf) =	vpush v13, $0x1;
	_ =	sdelay $0x7  }
0x12e: {  	s26 =	spop (v2sf)  }
0x12f: {  	(v2sf) =	vpush v13, $0x2;
	s18 =	sshll.u32 s26, $0xA;
	s17 =	sshll.u32 s26, $0x7  }
0x130: {  	s18 =	sand.u32 $0xFFFFE000, s18;
	s17 =	sand.u32 $0x380, s17  }
0x131: {  	s17 =	sor.u32 s17, s18  }
0x132: {  	s17 =	sor.u32 $0x400, s17  }
0x133: {  	v0 =	vmov s17;
	_ =	sdelay $0x1  }
0x134: {  	s28 =	spop (v2sf)  }
0x135: {  	s29 =	sshll.u32 s28, $0xA;
	s19 =	sshll.u32 s28, $0x7  }
0x136: {  	(v2sf) =	vpush v13, $0x3;
	s18 =	sand.u32 $0xFFFFE000, s29;
	s19 =	sand.u32 $0x380, s19;
	s17 =	simm.s32 $0x0  }
0x137: {  	s19 =	sor.u32 s19, s18;
	s24 =	sor.u32 $0x70, s17;
	v2 =	vld.idx.msk [tilespmem:v0+s17+$0x0 ss:$0x1], $0xffff  }
0x138: {  	s20 =	sor.u32 $0x400, s19;
	s18 =	sor.u32 $0x10, s17;
	v3 =	vld.idx.msk [tilespmem:v0+s24+$0x0 ss:$0x1], $0xffff  }
0x139: {  	s19 =	sor.u32 $0x20, s17;
	v1 =	vmov s20;
	v4 =	vld.idx.msk [tilespmem:v0+s18+$0x0 ss:$0x1], $0xffff  }
0x13a: {  	s20 =	sor.u32 $0x30, s17;
	v5 =	vld.idx.msk [tilespmem:v0+s19+$0x0 ss:$0x1], $0xffff  }
0x13b: {  	s21 =	sor.u32 $0x40, s17;
	v6 =	vld.idx.msk [tilespmem:v0+s20+$0x0 ss:$0x1], $0xffff  }
0x13c: {  	s22 =	sor.u32 $0x50, s17;
	v7 =	vld.idx.msk [tilespmem:v0+s21+$0x0 ss:$0x1], $0xffff  }
0x13d: {  	v8 =	vld.idx.msk [tilespmem:v0+s22+$0x0 ss:$0x1], $0xffff;
	s23 =	spop (v2sf);
	[tilespmem:s17+$0x6470] =	vst v3  }
0x13e: {  	(v2sf) =	vpush v13, $0x4;
	[tilespmem:s17+$0x6410] =	vst v4;
	s25 =	sshll.u32 s23, $0xA;
	s26 =	sshll.u32 s23, $0x7;
	v3 =	vld.idx.msk [tilespmem:v1+s24+$0x0 ss:$0x1], $0xffff  }
0x13f: {  	[tilespmem:s17+$0x6400] =	vst v2;
	s23 =	sor.u32 $0x60, s17;
	v4 =	vld.idx.msk [tilespmem:v1+s18+$0x0 ss:$0x1], $0xffff;
	s25 =	sand.u32 $0xFFFFE000, s25;
	s26 =	sand.u32 $0x380, s26  }
0x140: {  	[tilespmem:s17+$0x6420] =	vst v5;
	v9 =	vld.idx.msk [tilespmem:v0+s23+$0x0 ss:$0x1], $0xffff;
	s25 =	sor.u32 s26, s25  }
0x141: {  	[tilespmem:s17+$0x6430] =	vst v6;
	v5 =	vld.idx.msk [tilespmem:v1+s19+$0x0 ss:$0x1], $0xffff;
	s25 =	sor.u32 $0x400, s25  }
0x142: {  	[tilespmem:s17+$0x6440] =	vst v7;
	v6 =	vld.idx.msk [tilespmem:v1+s20+$0x0 ss:$0x1], $0xffff;
	v2 =	vmov s25  }
0x143: {  	[tilespmem:s17+$0x6450] =	vst v8;
	v7 =	vld.idx.msk [tilespmem:v1+s21+$0x0 ss:$0x1], $0xffff  }
0x144: {  	v8 =	vld.idx.msk [tilespmem:v1+s22+$0x0 ss:$0x1], $0xffff;
	[tilespmem:s17+$0x64F0] =	vst v3  }
0x145: {  	s30 =	spop (v2sf);
	v10 =	vld.idx.msk [tilespmem:v1+s17+$0x0 ss:$0x1], $0xffff;
	[tilespmem:s17+$0x6460] =	vst v9  }
0x146: {  	(v2sf) =	vpush v13, $0x5;
	s31 =	sshll.u32 s30, $0xA;
	s25 =	sshll.u32 s30, $0x7;
	[tilespmem:s17+$0x6490] =	vst v4;
	v9 =	vld.idx.msk [tilespmem:v1+s23+$0x0 ss:$0x1], $0xffff  }
0x147: {  	s26 =	sand.u32 $0xFFFFE000, s31;
	s25 =	sand.u32 $0x380, s25;
	[tilespmem:s17+$0x64A0] =	vst v5;
	v4 =	vld.idx.msk [tilespmem:v2+s24+$0x0 ss:$0x1], $0xffff  }
0x148: {  	[tilespmem:s17+$0x64B0] =	vst v6;
	s25 =	sor.u32 s25, s26;
	v5 =	vld.idx.msk [tilespmem:v2+s18+$0x0 ss:$0x1], $0xffff  }
0x149: {  	[tilespmem:s17+$0x64C0] =	vst v7;
	s25 =	sor.u32 $0x400, s25;
	v6 =	vld.idx.msk [tilespmem:v2+s19+$0x0 ss:$0x1], $0xffff  }
0x14a: {  	[tilespmem:s17+$0x64D0] =	vst v8;
	v3 =	vmov s25;
	v7 =	vld.idx.msk [tilespmem:v2+s20+$0x0 ss:$0x1], $0xffff  }
0x14b: {  	[tilespmem:s17+$0x6480] =	vst v10;
	v8 =	vld.idx.msk [tilespmem:v2+s21+$0x0 ss:$0x1], $0xffff  }
0x14c: {  	v11 =	vld.idx.msk [tilespmem:v2+s17+$0x0 ss:$0x1], $0xffff;
	[tilespmem:s17+$0x64E0] =	vst v9  }
0x14d: {  	s28 =	spop (v2sf);
	v9 =	vld.idx.msk [tilespmem:v2+s22+$0x0 ss:$0x1], $0xffff;
	[tilespmem:s17+$0x6570] =	vst v4  }
0x14e: {  	(v2sf) =	vpush v13, $0x6;
	s29 =	sshll.u32 s28, $0xA;
	s25 =	sshll.u32 s28, $0x7;
	[tilespmem:s17+$0x6510] =	vst v5;
	v5 =	vld.idx.msk [tilespmem:v2+s23+$0x0 ss:$0x1], $0xffff  }
0x14f: {  	s26 =	sand.u32 $0xFFFFE000, s29;
	s25 =	sand.u32 $0x380, s25;
	[tilespmem:s17+$0x6520] =	vst v6;
	v10 =	vld.idx.msk [tilespmem:v3+s24+$0x0 ss:$0x1], $0xffff  }
0x150: {  	s25 =	sor.u32 s25, s26;
	[tilespmem:s17+$0x6530] =	vst v7;
	v6 =	vld.idx.msk [tilespmem:v3+s18+$0x0 ss:$0x1], $0xffff  }
0x151: {  	s25 =	sor.u32 $0x400, s25;
	[tilespmem:s17+$0x6540] =	vst v8;
	v7 =	vld.idx.msk [tilespmem:v3+s19+$0x0 ss:$0x1], $0xffff  }
0x152: {  	v4 =	vmov s25;
	[tilespmem:s17+$0x6500] =	vst v11;
	v8 =	vld.idx.msk [tilespmem:v3+s20+$0x0 ss:$0x1], $0xffff  }
0x153: {  	v12 =	vld.idx.msk [tilespmem:v3+s17+$0x0 ss:$0x1], $0xffff;
	[tilespmem:s17+$0x6550] =	vst v9  }
0x154: {  	v9 =	vld.idx.msk [tilespmem:v3+s21+$0x0 ss:$0x1], $0xffff;
	[tilespmem:s17+$0x6560] =	vst v5  }
0x155: {  	s30 =	spop (v2sf);
	v11 =	vld.idx.msk [tilespmem:v3+s22+$0x0 ss:$0x1], $0xffff;
	[tilespmem:s17+$0x65F0] =	vst v10  }
0x156: {  	(v2sf) =	vpush v13, $0x7;
	s31 =	sshll.u32 s30, $0xA;
	s25 =	sshll.u32 s30, $0x7;
	[tilespmem:s17+$0x6590] =	vst v6;
	v6 =	vld.idx.msk [tilespmem:v3+s23+$0x0 ss:$0x1], $0xffff  }
0x157: {  	s26 =	sand.u32 $0xFFFFE000, s31;
	s25 =	sand.u32 $0x380, s25;
	[tilespmem:s17+$0x65A0] =	vst v7;
	v10 =	vld.idx.msk [tilespmem:v4+s24+$0x0 ss:$0x1], $0xffff  }
0x158: {  	s25 =	sor.u32 s25, s26;
	[tilespmem:s17+$0x65B0] =	vst v8;
	v7 =	vld.idx.msk [tilespmem:v4+s18+$0x0 ss:$0x1], $0xffff  }
0x159: {  	s25 =	sor.u32 $0x400, s25;
	[tilespmem:s17+$0x6580] =	vst v12;
	v8 =	vld.idx.msk [tilespmem:v4+s19+$0x0 ss:$0x1], $0xffff  }
0x15a: {  	v5 =	vmov s25;
	v15 =	vld.idx.msk [tilespmem:v4+s17+$0x0 ss:$0x1], $0xffff;
	[tilespmem:s17+$0x65C0] =	vst v9  }
0x15b: {  	v9 =	vld.idx.msk [tilespmem:v4+s20+$0x0 ss:$0x1], $0xffff;
	[tilespmem:s17+$0x65D0] =	vst v11  }
0x15c: {  	v11 =	vld.idx.msk [tilespmem:v4+s21+$0x0 ss:$0x1], $0xffff;
	[tilespmem:s17+$0x65E0] =	vst v6  }
0x15d: {  	s28 =	spop (v2sf);
	v12 =	vld.idx.msk [tilespmem:v4+s22+$0x0 ss:$0x1], $0xffff;
	[tilespmem:s17+$0x6670] =	vst v10  }
0x15e: {  	(v2sf) =	vpush v13, $0x8;
	s29 =	sshll.u32 s28, $0xA;
	s25 =	sshll.u32 s28, $0x7;
	[tilespmem:s17+$0x6610] =	vst v7;
	v14 =	vld.idx.msk [tilespmem:v4+s23+$0x0 ss:$0x1], $0xffff  }
0x15f: {  	s26 =	sand.u32 $0xFFFFE000, s29;
	s25 =	sand.u32 $0x380, s25;
	[tilespmem:s17+$0x6620] =	vst v8;
	v10 =	vld.idx.msk [tilespmem:v5+s24+$0x0 ss:$0x1], $0xffff  }
0x160: {  	s25 =	sor.u32 s25, s26;
	[tilespmem:s17+$0x6600] =	vst v15;
	v8 =	vld.idx.msk [tilespmem:v5+s18+$0x0 ss:$0x1], $0xffff  }
0x161: {  	s25 =	sor.u32 $0x400, s25;
	[tilespmem:s17+$0x6630] =	vst v9;
	v9 =	vld.idx.msk [tilespmem:v5+s19+$0x0 ss:$0x1], $0xffff  }
0x162: {  	v6 =	vmov s25;
	v16 =	vld.idx.msk [tilespmem:v5+s17+$0x0 ss:$0x1], $0xffff;
	[tilespmem:s17+$0x6640] =	vst v11  }
0x163: {  	v11 =	vld.idx.msk [tilespmem:v5+s20+$0x0 ss:$0x1], $0xffff;
	[tilespmem:s17+$0x6650] =	vst v12  }
0x164: {  	v12 =	vld.idx.msk [tilespmem:v5+s21+$0x0 ss:$0x1], $0xffff;
	[tilespmem:s17+$0x6660] =	vst v14  }
0x165: {  	s30 =	spop (v2sf);
	v14 =	vld.idx.msk [tilespmem:v5+s22+$0x0 ss:$0x1], $0xffff;
	[tilespmem:s17+$0x66F0] =	vst v10  }
0x166: {  	(v2sf) =	vpush v13, $0x9;
	s31 =	sshll.u32 s30, $0xA;
	s25 =	sshll.u32 s30, $0x7;
	[tilespmem:s17+$0x6690] =	vst v8;
	v15 =	vld.idx.msk [tilespmem:v5+s23+$0x0 ss:$0x1], $0xffff  }
0x167: {  	s26 =	sand.u32 $0xFFFFE000, s31;
	s25 =	sand.u32 $0x380, s25;
	[tilespmem:s17+$0x66A0] =	vst v9;
	v10 =	vld.idx.msk [tilespmem:v6+s24+$0x0 ss:$0x1], $0xffff  }
0x168: {  	s25 =	sor.u32 s25, s26;
	[tilespmem:s17+$0x6680] =	vst v16;
	v9 =	vld.idx.msk [tilespmem:v6+s18+$0x0 ss:$0x1], $0xffff  }
0x169: {  	s25 =	sor.u32 $0x400, s25;
	[tilespmem:s17+$0x66B0] =	vst v11;
	v11 =	vld.idx.msk [tilespmem:v6+s19+$0x0 ss:$0x1], $0xffff  }
0x16a: {  	v7 =	vmov s25;
	v17 =	vld.idx.msk [tilespmem:v6+s17+$0x0 ss:$0x1], $0xffff;
	[tilespmem:s17+$0x66C0] =	vst v12  }
0x16b: {  	v12 =	vld.idx.msk [tilespmem:v6+s20+$0x0 ss:$0x1], $0xffff;
	[tilespmem:s17+$0x66D0] =	vst v14  }
0x16c: {  	v14 =	vld.idx.msk [tilespmem:v6+s21+$0x0 ss:$0x1], $0xffff;
	[tilespmem:s17+$0x66E0] =	vst v15  }
0x16d: {  	s28 =	spop (v2sf);
	v15 =	vld.idx.msk [tilespmem:v6+s22+$0x0 ss:$0x1], $0xffff;
	[tilespmem:s17+$0x6770] =	vst v10  }
0x16e: {  	(v2sf) =	vpush v13, $0xA;
	s29 =	sshll.u32 s28, $0xA;
	s25 =	sshll.u32 s28, $0x7;
	[tilespmem:s17+$0x6710] =	vst v9;
	v16 =	vld.idx.msk [tilespmem:v6+s23+$0x0 ss:$0x1], $0xffff  }
0x16f: {  	s26 =	sand.u32 $0xFFFFE000, s29;
	s25 =	sand.u32 $0x380, s25;
	[tilespmem:s17+$0x6720] =	vst v11;
	v10 =	vld.idx.msk [tilespmem:v7+s24+$0x0 ss:$0x1], $0xffff  }
0x170: {  	s25 =	sor.u32 s25, s26;
	[tilespmem:s17+$0x6700] =	vst v17;
	v11 =	vld.idx.msk [tilespmem:v7+s18+$0x0 ss:$0x1], $0xffff  }
0x171: {  	s25 =	sor.u32 $0x400, s25;
	[tilespmem:s17+$0x6730] =	vst v12;
	v12 =	vld.idx.msk [tilespmem:v7+s19+$0x0 ss:$0x1], $0xffff  }
0x172: {  	v8 =	vmov s25;
	v18 =	vld.idx.msk [tilespmem:v7+s17+$0x0 ss:$0x1], $0xffff;
	[tilespmem:s17+$0x6740] =	vst v14  }
0x173: {  	v14 =	vld.idx.msk [tilespmem:v7+s20+$0x0 ss:$0x1], $0xffff;
	[tilespmem:s17+$0x6750] =	vst v15  }
0x174: {  	(v2sf) =	vpush v13, $0xB;
	v15 =	vld.idx.msk [tilespmem:v7+s21+$0x0 ss:$0x1], $0xffff;
	[tilespmem:s17+$0x6760] =	vst v16  }
0x175: {  	s30 =	spop (v2sf);
	v16 =	vld.idx.msk [tilespmem:v7+s22+$0x0 ss:$0x1], $0xffff;
	[tilespmem:s17+$0x67F0] =	vst v10  }
0x176: {  	s31 =	sshll.u32 s30, $0xA;
	s25 =	sshll.u32 s30, $0x7;
	v17 =	vld.idx.msk [tilespmem:v7+s23+$0x0 ss:$0x1], $0xffff;
	[tilespmem:s17+$0x6790] =	vst v11  }
0x177: {  	s26 =	sand.u32 $0xFFFFE000, s31;
	s25 =	sand.u32 $0x380, s25;
	[tilespmem:s17+$0x67A0] =	vst v12;
	v10 =	vld.idx.msk [tilespmem:v8+s24+$0x0 ss:$0x1], $0xffff  }
0x178: {  	s25 =	sor.u32 s25, s26;
	[tilespmem:s17+$0x6780] =	vst v18;
	v12 =	vld.idx.msk [tilespmem:v8+s18+$0x0 ss:$0x1], $0xffff  }
0x179: {  	s25 =	sor.u32 $0x400, s25;
	v19 =	vld.idx.msk [tilespmem:v8+s17+$0x0 ss:$0x1], $0xffff;
	[tilespmem:s17+$0x67B0] =	vst v14  }
0x17a: {  	(v2sf) =	vpush v13, $0xC;
	v9 =	vmov s25;
	v14 =	vld.idx.msk [tilespmem:v8+s19+$0x0 ss:$0x1], $0xffff;
	[tilespmem:s17+$0x67C0] =	vst v15  }
0x17b: {  	v15 =	vld.idx.msk [tilespmem:v8+s20+$0x0 ss:$0x1], $0xffff;
	[tilespmem:s17+$0x67D0] =	vst v16  }
0x17c: {  	v16 =	vld.idx.msk [tilespmem:v8+s21+$0x0 ss:$0x1], $0xffff;
	[tilespmem:s17+$0x67E0] =	vst v17  }
0x17d: {  	s28 =	spop (v2sf);
	v17 =	vld.idx.msk [tilespmem:v8+s22+$0x0 ss:$0x1], $0xffff;
	[tilespmem:s17+$0x8470] =	vst v10  }
0x17e: {  	s29 =	sshll.u32 s28, $0xA;
	s25 =	sshll.u32 s28, $0x7;
	[tilespmem:s17+$0x8410] =	vst v12;
	v12 =	vld.idx.msk [tilespmem:v8+s23+$0x0 ss:$0x1], $0xffff  }
0x17f: {  	s26 =	sand.u32 $0xFFFFE000, s29;
	s25 =	sand.u32 $0x380, s25;
	[tilespmem:s17+$0x8400] =	vst v19;
	v11 =	vld.idx.msk [tilespmem:v9+s24+$0x0 ss:$0x1], $0xffff  }
0x180: {  	(v2sf) =	vpush v13, $0xD;
	s25 =	sor.u32 s25, s26;
	[tilespmem:s17+$0x8420] =	vst v14;
	v14 =	vld.idx.msk [tilespmem:v9+s18+$0x0 ss:$0x1], $0xffff  }
0x181: {  	s25 =	sor.u32 $0x400, s25;
	v20 =	vld.idx.msk [tilespmem:v9+s17+$0x0 ss:$0x1], $0xffff;
	[tilespmem:s17+$0x8430] =	vst v15  }
0x182: {  	v10 =	vmov s25;
	v15 =	vld.idx.msk [tilespmem:v9+s19+$0x0 ss:$0x1], $0xffff;
	[tilespmem:s17+$0x8440] =	vst v16  }
0x183: {  	s30 =	spop (v2sf);
	v16 =	vld.idx.msk [tilespmem:v9+s20+$0x0 ss:$0x1], $0xffff;
	[tilespmem:s17+$0x8450] =	vst v17  }
0x184: {  	s31 =	sshll.u32 s30, $0xA;
	s25 =	sshll.u32 s30, $0x7;
	v17 =	vld.idx.msk [tilespmem:v9+s21+$0x0 ss:$0x1], $0xffff;
	[tilespmem:s17+$0x8460] =	vst v12  }
0x185: {  	s26 =	sand.u32 $0xFFFFE000, s31;
	s25 =	sand.u32 $0x380, s25;
	v19 =	vld.idx.msk [tilespmem:v9+s22+$0x0 ss:$0x1], $0xffff;
	[tilespmem:s17+$0x84F0] =	vst v11  }
0x186: {  	(v2sf) =	vpush v13, $0xE;
	s25 =	sor.u32 s25, s26;
	[tilespmem:s17+$0x8490] =	vst v14;
	v14 =	vld.idx.msk [tilespmem:v9+s23+$0x0 ss:$0x1], $0xffff  }
0x187: {  	s25 =	sor.u32 $0x400, s25;
	[tilespmem:s17+$0x8480] =	vst v20;
	v18 =	vld.idx.msk [tilespmem:v10+s24+$0x0 ss:$0x1], $0xffff  }
0x188: {  	v11 =	vmov s25;
	[tilespmem:s17+$0x84A0] =	vst v15;
	v15 =	vld.idx.msk [tilespmem:v10+s18+$0x0 ss:$0x1], $0xffff  }
0x189: {  	s28 =	spop (v2sf);
	v20 =	vld.idx.msk [tilespmem:v10+s17+$0x0 ss:$0x1], $0xffff;
	[tilespmem:s17+$0x84B0] =	vst v16  }
0x18a: {  	s29 =	sshll.u32 s28, $0xA;
	s25 =	sshll.u32 s28, $0x7;
	v16 =	vld.idx.msk [tilespmem:v10+s19+$0x0 ss:$0x1], $0xffff;
	[tilespmem:s17+$0x84C0] =	vst v17  }
0x18b: {  	s26 =	sand.u32 $0xFFFFE000, s29;
	s25 =	sand.u32 $0x380, s25;
	v17 =	vld.idx.msk [tilespmem:v10+s20+$0x0 ss:$0x1], $0xffff;
	[tilespmem:s17+$0x84D0] =	vst v19  }
0x18c: {  	(v2sf) =	vpush v13, $0xF;
	s25 =	sor.u32 s25, s26;
	v19 =	vld.idx.msk [tilespmem:v10+s21+$0x0 ss:$0x1], $0xffff;
	[tilespmem:s17+$0x8570] =	vst v18  }
0x18d: {  	s25 =	sor.u32 $0x400, s25;
	[tilespmem:s17+$0x84E0] =	vst v14;
	v18 =	vld.idx.msk [tilespmem:v11+s24+$0x0 ss:$0x1], $0xffff  }
0x18e: {  	v12 =	vmov s25;
	v14 =	vld.idx.msk [tilespmem:v10+s22+$0x0 ss:$0x1], $0xffff;
	[tilespmem:s17+$0x8510] =	vst v15  }
0x18f: {  	s30 =	spop (v2sf);
	v15 =	vld.idx.msk [tilespmem:v10+s23+$0x0 ss:$0x1], $0xffff;
	[tilespmem:s17+$0x8500] =	vst v20  }
0x190: {  	s31 =	sshll.u32 s30, $0xA;
	s25 =	sshll.u32 s30, $0x7;
	[tilespmem:s17+$0x8520] =	vst v16;
	v16 =	vld.idx.msk [tilespmem:v11+s18+$0x0 ss:$0x1], $0xffff  }
0x191: {  	s26 =	sand.u32 $0xFFFFE000, s31;
	s25 =	sand.u32 $0x380, s25;
	v22 =	vld.idx.msk [tilespmem:v11+s17+$0x0 ss:$0x1], $0xffff;
	[tilespmem:s17+$0x8530] =	vst v17  }
0x192: {  	s25 =	sor.u32 s25, s26;
	v17 =	vld.idx.msk [tilespmem:v11+s19+$0x0 ss:$0x1], $0xffff;
	[tilespmem:s17+$0x85F0] =	vst v18  }
0x193: {  	s25 =	sor.u32 $0x400, s25;
	[tilespmem:s17+$0x8540] =	vst v19;
	v18 =	vld.idx.msk [tilespmem:v12+s24+$0x0 ss:$0x1], $0xffff  }
0x194: {  	v13 =	vmov s25;
	v19 =	vld.idx.msk [tilespmem:v11+s20+$0x0 ss:$0x1], $0xffff;
	[tilespmem:s17+$0x8550] =	vst v14  }
0x195: {  	s28 =	spop (v2sf);
	v21 =	vld.idx.msk [tilespmem:v11+s21+$0x0 ss:$0x1], $0xffff;
	[tilespmem:s17+$0x8560] =	vst v15  }
0x196: {  	s29 =	sshll.u32 s28, $0xA;
	s25 =	sshll.u32 s28, $0x7;
	v20 =	vld.idx.msk [tilespmem:v11+s22+$0x0 ss:$0x1], $0xffff;
	[tilespmem:s17+$0x8590] =	vst v16  }
0x197: {  	s26 =	sand.u32 $0xFFFFE000, s29;
	s25 =	sand.u32 $0x380, s25;
	v16 =	vld.idx.msk [tilespmem:v11+s23+$0x0 ss:$0x1], $0xffff;
	[tilespmem:s17+$0x85A0] =	vst v17  }
0x198: {  	s25 =	sor.u32 s25, s26;
	v17 =	vld.idx.msk [tilespmem:v12+s18+$0x0 ss:$0x1], $0xffff;
	[tilespmem:s17+$0x8670] =	vst v18  }
0x199: {  	s25 =	sor.u32 $0x400, s25;
	[tilespmem:s17+$0x8580] =	vst v22;
	v18 =	vld.idx.msk [tilespmem:v13+s24+$0x0 ss:$0x1], $0xffff  }
0x19a: {  	v14 =	vmov s25;
	v22 =	vld.idx.msk [tilespmem:v12+s17+$0x0 ss:$0x1], $0xffff;
	[tilespmem:s17+$0x85B0] =	vst v19  }
0x19b: {  	s30 =	spop (v2sf);
	v19 =	vld.idx.msk [tilespmem:v12+s19+$0x0 ss:$0x1], $0xffff;
	[tilespmem:s17+$0x85C0] =	vst v21  }
0x19c: {  	s31 =	sshll.u32 s30, $0xA;
	s25 =	sshll.u32 s30, $0x7;
	v21 =	vld.idx.msk [tilespmem:v12+s20+$0x0 ss:$0x1], $0xffff;
	[tilespmem:s17+$0x85D0] =	vst v20  }
0x19d: {  	s26 =	sand.u32 $0xFFFFE000, s31;
	s25 =	sand.u32 $0x380, s25;
	v20 =	vld.idx.msk [tilespmem:v12+s21+$0x0 ss:$0x1], $0xffff;
	[tilespmem:s17+$0x85E0] =	vst v16  }
0x19e: {  	s25 =	sor.u32 s25, s26;
	v16 =	vld.idx.msk [tilespmem:v12+s22+$0x0 ss:$0x1], $0xffff;
	[tilespmem:s17+$0x86F0] =	vst v18  }
0x19f: {  	s25 =	sor.u32 $0x400, s25;
	[tilespmem:s17+$0x8610] =	vst v17;
	v18 =	vld.idx.msk [tilespmem:v14+s24+$0x0 ss:$0x1], $0xffff  }
0x1a0: {  	v15 =	vmov s25;
	v17 =	vld.idx.msk [tilespmem:v12+s23+$0x0 ss:$0x1], $0xffff;
	[tilespmem:s17+$0x8620] =	vst v19  }
0x1a1: {  	v19 =	vld.idx.msk [tilespmem:v13+s18+$0x0 ss:$0x1], $0xffff;
	[tilespmem:s17+$0x8630] =	vst v21  }
0x1a2: {  	v21 =	vld.idx.msk [tilespmem:v13+s19+$0x0 ss:$0x1], $0xffff;
	[tilespmem:s17+$0x8640] =	vst v20  }
0x1a3: {  	v20 =	vld.idx.msk [tilespmem:v13+s20+$0x0 ss:$0x1], $0xffff;
	[tilespmem:s17+$0x8650] =	vst v16  }
0x1a4: {  	v16 =	vld.idx.msk [tilespmem:v13+s21+$0x0 ss:$0x1], $0xffff;
	[tilespmem:s17+$0x8770] =	vst v18  }
0x1a5: {  	[tilespmem:s17+$0x8600] =	vst v22;
	v18 =	vld.idx.msk [tilespmem:v15+s24+$0x0 ss:$0x1], $0xffff  }
0x1a6: {  	[tilespmem:s17+$0x8660] =	vst v17;
	v17 =	vld.idx.msk [tilespmem:v13+s22+$0x0 ss:$0x1], $0xffff  }
0x1a7: {  	v22 =	vld.idx.msk [tilespmem:v13+s23+$0x0 ss:$0x1], $0xffff;
	[tilespmem:s17+$0x8690] =	vst v19  }
0x1a8: {  	v19 =	vld.idx.msk [tilespmem:v14+s18+$0x0 ss:$0x1], $0xffff;
	[tilespmem:s17+$0x86A0] =	vst v21  }
0x1a9: {  	v23 =	vld.idx.msk [tilespmem:v14+s19+$0x0 ss:$0x1], $0xffff;
	[tilespmem:s17+$0x86B0] =	vst v20  }
0x1aa: {  	[tilespmem:s17+$0x87F0] =	vst v18;
	v18 =	vld.idx.msk [tilespmem:v13+s17+$0x0 ss:$0x1], $0xffff  }
0x1ab: {  	v20 =	vld.idx.msk [tilespmem:v14+s20+$0x0 ss:$0x1], $0xffff;
	[tilespmem:s17+$0x86C0] =	vst v16  }
0x1ac: {  	v24 =	vld.idx.msk [tilespmem:v14+s21+$0x0 ss:$0x1], $0xffff;
	[tilespmem:s17+$0x86D0] =	vst v17  }
0x1ad: {  	v25 =	vld.idx.msk [tilespmem:v14+s22+$0x0 ss:$0x1], $0xffff;
	[tilespmem:s17+$0x86E0] =	vst v22  }
0x1ae: {  	v22 =	vld.idx.msk [tilespmem:v14+s23+$0x0 ss:$0x1], $0xffff;
	[tilespmem:s17+$0x8710] =	vst v19  }
0x1af: {  	v21 =	vld.idx.msk [tilespmem:v15+s18+$0x0 ss:$0x1], $0xffff;
	[tilespmem:s17+$0x8680] =	vst v18  }
0x1b0: {  	[tilespmem:s17+$0x8720] =	vst v23;
	v26 =	vld.idx.msk [tilespmem:v14+s17+$0x0 ss:$0x1], $0xffff  }
0x1b1: {  	v19 =	vld.idx.msk [tilespmem:v15+s19+$0x0 ss:$0x1], $0xffff;
	[tilespmem:s17+$0x8730] =	vst v20  }
0x1b2: {  	v16 =	vld.idx.msk [tilespmem:v15+s20+$0x0 ss:$0x1], $0xffff;
	[tilespmem:s17+$0x8740] =	vst v24  }
0x1b3: {  	v17 =	vld.idx.msk [tilespmem:v15+s21+$0x0 ss:$0x1], $0xffff;
	[tilespmem:s17+$0x8760] =	vst v22  }
0x1b4: {  	[tilespmem:s17+$0x8750] =	vst v25;
	v20 =	vld.idx.msk [tilespmem:v15+s23+$0x0 ss:$0x1], $0xffff  }
0x1b5: {  	s18 =	simm.s32 $0x8;
	v18 =	vld.idx.msk [tilespmem:v15+s22+$0x0 ss:$0x1], $0xffff;
	[tilespmem:s17+$0x8700] =	vst v26  }
.LBB2_5:
0x1b6: {  	s26 =	sshll.u32 s18, $0x7;
	p1 =	slt.u32 s18, $0x38;
	v22 =	vld.idx.msk [tilespmem:v15+s17+$0x0 ss:$0x1], $0xffff;
	[tilespmem:s17+$0x8790] =	vst v21  }
0x1b7: {  	v21 =	vld.idx.msk [tilespmem:v0+s26+$0x0 ss:$0x1], $0xffff;
	s24 =	sor.u32 $0x10, s26;
	s22 =	sor.u32 $0x20, s26;
	s25 =	sor.u32 $0x70, s26;
	[tilespmem:s17+$0x87A0] =	vst v19  }
0x1b8: {  	s23 =	sor.u32 $0x30, s26;
	s21 =	sor.u32 $0x40, s26;
	s19 =	sor.u32 $0x50, s26;
	v19 =	vld.idx.msk [tilespmem:v0+s25+$0x0 ss:$0x1], $0xffff;
	[tilespmem:s17+$0x87B0] =	vst v16  }
0x1b9: {  	s20 =	sor.u32 $0x60, s26;
	v16 =	vld.idx.msk [tilespmem:v0+s24+$0x0 ss:$0x1], $0xffff;
	[tilespmem:s17+$0x87C0] =	vst v17  }
0x1ba: {  	v17 =	vld.idx.msk [tilespmem:v0+s22+$0x0 ss:$0x1], $0xffff;
	[tilespmem:s17+$0x87D0] =	vst v18  }
0x1bb: {  	v18 =	vld.idx.msk [tilespmem:v0+s23+$0x0 ss:$0x1], $0xffff;
	[tilespmem:s17+$0x87E0] =	vst v20  }
0x1bc: {  	v20 =	vld.idx.msk [tilespmem:v0+s21+$0x0 ss:$0x1], $0xffff;
	[tilespmem:s17+$0x8780] =	vst v22;
	s17 =	smov.u32 s26  }
0x1bd: {  	[tilespmem:s17+$0x6400] =	vst v21;
	v21 =	vld.idx.msk [tilespmem:v0+s19+$0x0 ss:$0x1], $0xffff  }
0x1be: {  	v22 =	vld.idx.msk [tilespmem:v0+s20+$0x0 ss:$0x1], $0xffff;
	[tilespmem:s17+$0x6470] =	vst v19  }
0x1bf: {  	[tilespmem:s17+$0x6410] =	vst v16;
	v16 =	vld.idx.msk [tilespmem:v1+s25+$0x0 ss:$0x1], $0xffff  }
0x1c0: {  	v19 =	vld.idx.msk [tilespmem:v1+s24+$0x0 ss:$0x1], $0xffff;
	[tilespmem:s17+$0x6420] =	vst v17  }
0x1c1: {  	v17 =	vld.idx.msk [tilespmem:v1+s22+$0x0 ss:$0x1], $0xffff;
	[tilespmem:s17+$0x6430] =	vst v18  }
0x1c2: {  	v18 =	vld.idx.msk [tilespmem:v1+s23+$0x0 ss:$0x1], $0xffff;
	[tilespmem:s17+$0x6440] =	vst v20  }
0x1c3: {  	v20 =	vld.idx.msk [tilespmem:v1+s21+$0x0 ss:$0x1], $0xffff;
	[tilespmem:s17+$0x6450] =	vst v21  }
0x1c4: {  	v21 =	vld.idx.msk [tilespmem:v1+s19+$0x0 ss:$0x1], $0xffff;
	[tilespmem:s17+$0x6460] =	vst v22  }
0x1c5: {  	v22 =	vld.idx.msk [tilespmem:v1+s20+$0x0 ss:$0x1], $0xffff;
	[tilespmem:s17+$0x64F0] =	vst v16  }
0x1c6: {  	[tilespmem:s17+$0x6490] =	vst v19;
	v16 =	vld.idx.msk [tilespmem:v2+s25+$0x0 ss:$0x1], $0xffff  }
0x1c7: {  	v19 =	vld.idx.msk [tilespmem:v1+s17+$0x0 ss:$0x1], $0xffff;
	[tilespmem:s17+$0x64A0] =	vst v17  }
0x1c8: {  	v17 =	vld.idx.msk [tilespmem:v2+s24+$0x0 ss:$0x1], $0xffff;
	[tilespmem:s17+$0x64B0] =	vst v18  }
0x1c9: {  	v18 =	vld.idx.msk [tilespmem:v2+s22+$0x0 ss:$0x1], $0xffff;
	[tilespmem:s17+$0x64C0] =	vst v20  }
0x1ca: {  	v20 =	vld.idx.msk [tilespmem:v2+s23+$0x0 ss:$0x1], $0xffff;
	[tilespmem:s17+$0x64D0] =	vst v21  }
0x1cb: {  	v21 =	vld.idx.msk [tilespmem:v2+s21+$0x0 ss:$0x1], $0xffff;
	[tilespmem:s17+$0x64E0] =	vst v22  }
0x1cc: {  	v22 =	vld.idx.msk [tilespmem:v2+s19+$0x0 ss:$0x1], $0xffff;
	[tilespmem:s17+$0x6570] =	vst v16  }
0x1cd: {  	[tilespmem:s17+$0x6480] =	vst v19;
	v16 =	vld.idx.msk [tilespmem:v3+s25+$0x0 ss:$0x1], $0xffff  }
0x1ce: {  	[tilespmem:s17+$0x6510] =	vst v17;
	v17 =	vld.idx.msk [tilespmem:v2+s20+$0x0 ss:$0x1], $0xffff  }
0x1cf: {  	v19 =	vld.idx.msk [tilespmem:v2+s17+$0x0 ss:$0x1], $0xffff;
	[tilespmem:s17+$0x6520] =	vst v18  }
0x1d0: {  	v18 =	vld.idx.msk [tilespmem:v3+s24+$0x0 ss:$0x1], $0xffff;
	[tilespmem:s17+$0x6530] =	vst v20  }
0x1d1: {  	v20 =	vld.idx.msk [tilespmem:v3+s22+$0x0 ss:$0x1], $0xffff;
	[tilespmem:s17+$0x6540] =	vst v21  }
0x1d2: {  	v21 =	vld.idx.msk [tilespmem:v3+s23+$0x0 ss:$0x1], $0xffff;
	[tilespmem:s17+$0x6550] =	vst v22  }
0x1d3: {  	v22 =	vld.idx.msk [tilespmem:v3+s21+$0x0 ss:$0x1], $0xffff;
	[tilespmem:s17+$0x65F0] =	vst v16  }
0x1d4: {  	[tilespmem:s17+$0x6560] =	vst v17;
	v16 =	vld.idx.msk [tilespmem:v4+s25+$0x0 ss:$0x1], $0xffff  }
0x1d5: {  	[tilespmem:s17+$0x6500] =	vst v19;
	v17 =	vld.idx.msk [tilespmem:v3+s19+$0x0 ss:$0x1], $0xffff  }
0x1d6: {  	[tilespmem:s17+$0x6590] =	vst v18;
	v18 =	vld.idx.msk [tilespmem:v3+s20+$0x0 ss:$0x1], $0xffff  }
0x1d7: {  	v19 =	vld.idx.msk [tilespmem:v3+s17+$0x0 ss:$0x1], $0xffff;
	[tilespmem:s17+$0x65A0] =	vst v20  }
0x1d8: {  	v20 =	vld.idx.msk [tilespmem:v4+s24+$0x0 ss:$0x1], $0xffff;
	[tilespmem:s17+$0x65B0] =	vst v21  }
0x1d9: {  	v21 =	vld.idx.msk [tilespmem:v4+s22+$0x0 ss:$0x1], $0xffff;
	[tilespmem:s17+$0x65C0] =	vst v22  }
0x1da: {  	v22 =	vld.idx.msk [tilespmem:v4+s23+$0x0 ss:$0x1], $0xffff;
	[tilespmem:s17+$0x6670] =	vst v16  }
0x1db: {  	[tilespmem:s17+$0x65D0] =	vst v17;
	v16 =	vld.idx.msk [tilespmem:v5+s25+$0x0 ss:$0x1], $0xffff  }
0x1dc: {  	v17 =	vld.idx.msk [tilespmem:v4+s21+$0x0 ss:$0x1], $0xffff;
	[tilespmem:s17+$0x65E0] =	vst v18  }
0x1dd: {  	[tilespmem:s17+$0x6580] =	vst v19;
	v18 =	vld.idx.msk [tilespmem:v4+s19+$0x0 ss:$0x1], $0xffff  }
0x1de: {  	[tilespmem:s17+$0x6610] =	vst v20;
	v19 =	vld.idx.msk [tilespmem:v4+s20+$0x0 ss:$0x1], $0xffff  }
0x1df: {  	v20 =	vld.idx.msk [tilespmem:v4+s17+$0x0 ss:$0x1], $0xffff;
	[tilespmem:s17+$0x6620] =	vst v21  }
0x1e0: {  	v21 =	vld.idx.msk [tilespmem:v5+s24+$0x0 ss:$0x1], $0xffff;
	[tilespmem:s17+$0x6630] =	vst v22  }
0x1e1: {  	v22 =	vld.idx.msk [tilespmem:v5+s22+$0x0 ss:$0x1], $0xffff;
	[tilespmem:s17+$0x66F0] =	vst v16  }
0x1e2: {  	[tilespmem:s17+$0x6640] =	vst v17;
	v16 =	vld.idx.msk [tilespmem:v6+s25+$0x0 ss:$0x1], $0xffff  }
0x1e3: {  	v17 =	vld.idx.msk [tilespmem:v5+s23+$0x0 ss:$0x1], $0xffff;
	[tilespmem:s17+$0x6650] =	vst v18  }
0x1e4: {  	v18 =	vld.idx.msk [tilespmem:v5+s21+$0x0 ss:$0x1], $0xffff;
	[tilespmem:s17+$0x6660] =	vst v19  }
0x1e5: {  	[tilespmem:s17+$0x6600] =	vst v20;
	v19 =	vld.idx.msk [tilespmem:v5+s19+$0x0 ss:$0x1], $0xffff  }
0x1e6: {  	[tilespmem:s17+$0x6690] =	vst v21;
	v20 =	vld.idx.msk [tilespmem:v5+s20+$0x0 ss:$0x1], $0xffff  }
0x1e7: {  	v21 =	vld.idx.msk [tilespmem:v5+s17+$0x0 ss:$0x1], $0xffff;
	[tilespmem:s17+$0x66A0] =	vst v22  }
0x1e8: {  	v22 =	vld.idx.msk [tilespmem:v6+s24+$0x0 ss:$0x1], $0xffff;
	[tilespmem:s17+$0x6770] =	vst v16  }
0x1e9: {  	[tilespmem:s17+$0x66B0] =	vst v17;
	v16 =	vld.idx.msk [tilespmem:v7+s25+$0x0 ss:$0x1], $0xffff  }
0x1ea: {  	v17 =	vld.idx.msk [tilespmem:v6+s22+$0x0 ss:$0x1], $0xffff;
	[tilespmem:s17+$0x66C0] =	vst v18  }
0x1eb: {  	v18 =	vld.idx.msk [tilespmem:v6+s23+$0x0 ss:$0x1], $0xffff;
	[tilespmem:s17+$0x66D0] =	vst v19  }
0x1ec: {  	v19 =	vld.idx.msk [tilespmem:v6+s21+$0x0 ss:$0x1], $0xffff;
	[tilespmem:s17+$0x66E0] =	vst v20  }
0x1ed: {  	[tilespmem:s17+$0x6680] =	vst v21;
	v20 =	vld.idx.msk [tilespmem:v6+s19+$0x0 ss:$0x1], $0xffff  }
0x1ee: {  	[tilespmem:s17+$0x6710] =	vst v22;
	v21 =	vld.idx.msk [tilespmem:v6+s20+$0x0 ss:$0x1], $0xffff  }
0x1ef: {  	v22 =	vld.idx.msk [tilespmem:v6+s17+$0x0 ss:$0x1], $0xffff;
	[tilespmem:s17+$0x67F0] =	vst v16  }
0x1f0: {  	[tilespmem:s17+$0x6720] =	vst v17;
	v16 =	vld.idx.msk [tilespmem:v8+s25+$0x0 ss:$0x1], $0xffff  }
0x1f1: {  	v17 =	vld.idx.msk [tilespmem:v7+s24+$0x0 ss:$0x1], $0xffff;
	[tilespmem:s17+$0x6730] =	vst v18  }
0x1f2: {  	v18 =	vld.idx.msk [tilespmem:v7+s22+$0x0 ss:$0x1], $0xffff;
	[tilespmem:s17+$0x6740] =	vst v19  }
0x1f3: {  	v19 =	vld.idx.msk [tilespmem:v7+s23+$0x0 ss:$0x1], $0xffff;
	[tilespmem:s17+$0x6750] =	vst v20  }
0x1f4: {  	v20 =	vld.idx.msk [tilespmem:v7+s21+$0x0 ss:$0x1], $0xffff;
	[tilespmem:s17+$0x6760] =	vst v21  }
0x1f5: {  	[tilespmem:s17+$0x6700] =	vst v22;
	v21 =	vld.idx.msk [tilespmem:v7+s19+$0x0 ss:$0x1], $0xffff  }
0x1f6: {  	v22 =	vld.idx.msk [tilespmem:v7+s20+$0x0 ss:$0x1], $0xffff;
	[tilespmem:s17+$0x8470] =	vst v16  }
0x1f7: {  	[tilespmem:s17+$0x6790] =	vst v17;
	v16 =	vld.idx.msk [tilespmem:v9+s25+$0x0 ss:$0x1], $0xffff  }
0x1f8: {  	v17 =	vld.idx.msk [tilespmem:v7+s17+$0x0 ss:$0x1], $0xffff;
	[tilespmem:s17+$0x67A0] =	vst v18  }
0x1f9: {  	v18 =	vld.idx.msk [tilespmem:v8+s24+$0x0 ss:$0x1], $0xffff;
	[tilespmem:s17+$0x67B0] =	vst v19  }
0x1fa: {  	v19 =	vld.idx.msk [tilespmem:v8+s22+$0x0 ss:$0x1], $0xffff;
	[tilespmem:s17+$0x67C0] =	vst v20  }
0x1fb: {  	v20 =	vld.idx.msk [tilespmem:v8+s23+$0x0 ss:$0x1], $0xffff;
	[tilespmem:s17+$0x67D0] =	vst v21  }
0x1fc: {  	v21 =	vld.idx.msk [tilespmem:v8+s21+$0x0 ss:$0x1], $0xffff;
	[tilespmem:s17+$0x67E0] =	vst v22  }
0x1fd: {  	v22 =	vld.idx.msk [tilespmem:v8+s19+$0x0 ss:$0x1], $0xffff;
	[tilespmem:s17+$0x84F0] =	vst v16  }
0x1fe: {  	[tilespmem:s17+$0x6780] =	vst v17;
	v16 =	vld.idx.msk [tilespmem:v10+s25+$0x0 ss:$0x1], $0xffff  }
0x1ff: {  	[tilespmem:s17+$0x8410] =	vst v18;
	v17 =	vld.idx.msk [tilespmem:v8+s20+$0x0 ss:$0x1], $0xffff  }
0x200: {  	v18 =	vld.idx.msk [tilespmem:v8+s17+$0x0 ss:$0x1], $0xffff;
	[tilespmem:s17+$0x8420] =	vst v19  }
0x201: {  	v19 =	vld.idx.msk [tilespmem:v9+s24+$0x0 ss:$0x1], $0xffff;
	[tilespmem:s17+$0x8430] =	vst v20  }
0x202: {  	v20 =	vld.idx.msk [tilespmem:v9+s22+$0x0 ss:$0x1], $0xffff;
	[tilespmem:s17+$0x8440] =	vst v21  }
0x203: {  	v21 =	vld.idx.msk [tilespmem:v9+s23+$0x0 ss:$0x1], $0xffff;
	[tilespmem:s17+$0x8450] =	vst v22  }
0x204: {  	v22 =	vld.idx.msk [tilespmem:v9+s21+$0x0 ss:$0x1], $0xffff;
	[tilespmem:s17+$0x8570] =	vst v16  }
0x205: {  	[tilespmem:s17+$0x8460] =	vst v17;
	v16 =	vld.idx.msk [tilespmem:v11+s25+$0x0 ss:$0x1], $0xffff  }
0x206: {  	[tilespmem:s17+$0x8400] =	vst v18;
	v17 =	vld.idx.msk [tilespmem:v9+s19+$0x0 ss:$0x1], $0xffff  }
0x207: {  	[tilespmem:s17+$0x8490] =	vst v19;
	v18 =	vld.idx.msk [tilespmem:v9+s20+$0x0 ss:$0x1], $0xffff  }
0x208: {  	v19 =	vld.idx.msk [tilespmem:v9+s17+$0x0 ss:$0x1], $0xffff;
	[tilespmem:s17+$0x84A0] =	vst v20  }
0x209: {  	v20 =	vld.idx.msk [tilespmem:v10+s24+$0x0 ss:$0x1], $0xffff;
	[tilespmem:s17+$0x84B0] =	vst v21  }
0x20a: {  	v21 =	vld.idx.msk [tilespmem:v10+s22+$0x0 ss:$0x1], $0xffff;
	[tilespmem:s17+$0x84C0] =	vst v22  }
0x20b: {  	v22 =	vld.idx.msk [tilespmem:v10+s23+$0x0 ss:$0x1], $0xffff;
	[tilespmem:s17+$0x85F0] =	vst v16  }
0x20c: {  	[tilespmem:s17+$0x84D0] =	vst v17;
	v16 =	vld.idx.msk [tilespmem:v12+s25+$0x0 ss:$0x1], $0xffff  }
0x20d: {  	v17 =	vld.idx.msk [tilespmem:v10+s21+$0x0 ss:$0x1], $0xffff;
	[tilespmem:s17+$0x84E0] =	vst v18  }
0x20e: {  	[tilespmem:s17+$0x8480] =	vst v19;
	v18 =	vld.idx.msk [tilespmem:v10+s19+$0x0 ss:$0x1], $0xffff  }
0x20f: {  	[tilespmem:s17+$0x8510] =	vst v20;
	v19 =	vld.idx.msk [tilespmem:v10+s20+$0x0 ss:$0x1], $0xffff  }
0x210: {  	v20 =	vld.idx.msk [tilespmem:v10+s17+$0x0 ss:$0x1], $0xffff;
	[tilespmem:s17+$0x8520] =	vst v21  }
0x211: {  	v21 =	vld.idx.msk [tilespmem:v11+s24+$0x0 ss:$0x1], $0xffff;
	[tilespmem:s17+$0x8530] =	vst v22  }
0x212: {  	v22 =	vld.idx.msk [tilespmem:v11+s22+$0x0 ss:$0x1], $0xffff;
	[tilespmem:s17+$0x8670] =	vst v16  }
0x213: {  	[tilespmem:s17+$0x8540] =	vst v17;
	v16 =	vld.idx.msk [tilespmem:v13+s25+$0x0 ss:$0x1], $0xffff  }
0x214: {  	v17 =	vld.idx.msk [tilespmem:v11+s23+$0x0 ss:$0x1], $0xffff;
	[tilespmem:s17+$0x8550] =	vst v18  }
0x215: {  	v18 =	vld.idx.msk [tilespmem:v11+s21+$0x0 ss:$0x1], $0xffff;
	[tilespmem:s17+$0x8560] =	vst v19  }
0x216: {  	[tilespmem:s17+$0x8500] =	vst v20;
	v19 =	vld.idx.msk [tilespmem:v11+s19+$0x0 ss:$0x1], $0xffff  }
0x217: {  	[tilespmem:s17+$0x8590] =	vst v21;
	v20 =	vld.idx.msk [tilespmem:v11+s20+$0x0 ss:$0x1], $0xffff  }
0x218: {  	v21 =	vld.idx.msk [tilespmem:v11+s17+$0x0 ss:$0x1], $0xffff;
	[tilespmem:s17+$0x85A0] =	vst v22  }
0x219: {  	v22 =	vld.idx.msk [tilespmem:v12+s24+$0x0 ss:$0x1], $0xffff;
	[tilespmem:s17+$0x86F0] =	vst v16  }
0x21a: {  	[tilespmem:s17+$0x85B0] =	vst v17;
	v16 =	vld.idx.msk [tilespmem:v14+s25+$0x0 ss:$0x1], $0xffff  }
0x21b: {  	v17 =	vld.idx.msk [tilespmem:v12+s22+$0x0 ss:$0x1], $0xffff;
	[tilespmem:s17+$0x85C0] =	vst v18  }
0x21c: {  	v18 =	vld.idx.msk [tilespmem:v12+s23+$0x0 ss:$0x1], $0xffff;
	[tilespmem:s17+$0x85D0] =	vst v19  }
0x21d: {  	v19 =	vld.idx.msk [tilespmem:v12+s21+$0x0 ss:$0x1], $0xffff;
	[tilespmem:s17+$0x85E0] =	vst v20  }
0x21e: {  	[tilespmem:s17+$0x8580] =	vst v21;
	v20 =	vld.idx.msk [tilespmem:v12+s19+$0x0 ss:$0x1], $0xffff  }
0x21f: {  	[tilespmem:s17+$0x8610] =	vst v22;
	v21 =	vld.idx.msk [tilespmem:v12+s20+$0x0 ss:$0x1], $0xffff  }
0x220: {  	v22 =	vld.idx.msk [tilespmem:v12+s17+$0x0 ss:$0x1], $0xffff;
	[tilespmem:s17+$0x8770] =	vst v16  }
0x221: {  	[tilespmem:s17+$0x8620] =	vst v17;
	v16 =	vld.idx.msk [tilespmem:v15+s25+$0x0 ss:$0x1], $0xffff  }
0x222: {  	v17 =	vld.idx.msk [tilespmem:v13+s24+$0x0 ss:$0x1], $0xffff;
	[tilespmem:s17+$0x8630] =	vst v18  }
0x223: {  	v18 =	vld.idx.msk [tilespmem:v13+s22+$0x0 ss:$0x1], $0xffff;
	[tilespmem:s17+$0x8640] =	vst v19  }
0x224: {  	v19 =	vld.idx.msk [tilespmem:v13+s23+$0x0 ss:$0x1], $0xffff;
	[tilespmem:s17+$0x8650] =	vst v20  }
0x225: {  	v20 =	vld.idx.msk [tilespmem:v13+s21+$0x0 ss:$0x1], $0xffff;
	[tilespmem:s17+$0x8660] =	vst v21  }
0x226: {  	[tilespmem:s17+$0x8600] =	vst v22;
	v21 =	vld.idx.msk [tilespmem:v13+s19+$0x0 ss:$0x1], $0xffff  }
0x227: {  	v22 =	vld.idx.msk [tilespmem:v13+s20+$0x0 ss:$0x1], $0xffff;
	[tilespmem:s17+$0x87F0] =	vst v16  }
0x228: {  	v16 =	vld.idx.msk [tilespmem:v13+s17+$0x0 ss:$0x1], $0xffff;
	[tilespmem:s17+$0x8690] =	vst v17  }
0x229: {  	v17 =	vld.idx.msk [tilespmem:v14+s24+$0x0 ss:$0x1], $0xffff;
	[tilespmem:s17+$0x86A0] =	vst v18  }
0x22a: {  	v18 =	vld.idx.msk [tilespmem:v14+s22+$0x0 ss:$0x1], $0xffff;
	[tilespmem:s17+$0x86B0] =	vst v19  }
0x22b: {  	v23 =	vld.idx.msk [tilespmem:v14+s23+$0x0 ss:$0x1], $0xffff;
	[tilespmem:s17+$0x86C0] =	vst v20  }
0x22c: {  	v20 =	vld.idx.msk [tilespmem:v14+s21+$0x0 ss:$0x1], $0xffff;
	[tilespmem:s17+$0x86D0] =	vst v21  }
0x22d: {  	v24 =	vld.idx.msk [tilespmem:v14+s19+$0x0 ss:$0x1], $0xffff;
	[tilespmem:s17+$0x86E0] =	vst v22  }
0x22e: {  	[tilespmem:s17+$0x8680] =	vst v16;
	v22 =	vld.idx.msk [tilespmem:v14+s20+$0x0 ss:$0x1], $0xffff  }
0x22f: {  	v25 =	vld.idx.msk [tilespmem:v14+s17+$0x0 ss:$0x1], $0xffff;
	[tilespmem:s17+$0x8710] =	vst v17  }
0x230: {  	v21 =	vld.idx.msk [tilespmem:v15+s24+$0x0 ss:$0x1], $0xffff;
	[tilespmem:s17+$0x8720] =	vst v18  }
.Ltmp1:
0x231: {  	v19 =	vld.idx.msk [tilespmem:v15+s22+$0x0 ss:$0x1], $0xffff;
	[tilespmem:s17+$0x8730] =	vst v23;
	(pc) =	sbr.rel @p1 .LBB2_5-.Ltmp1, $4  }
0x232: {  	v16 =	vld.idx.msk [tilespmem:v15+s23+$0x0 ss:$0x1], $0xffff;
	[tilespmem:s17+$0x8740] =	vst v20  }
0x233: {  	v17 =	vld.idx.msk [tilespmem:v15+s21+$0x0 ss:$0x1], $0xffff;
	[tilespmem:s17+$0x8750] =	vst v24  }
0x234: {  	v18 =	vld.idx.msk [tilespmem:v15+s19+$0x0 ss:$0x1], $0xffff;
	[tilespmem:s17+$0x8760] =	vst v22  }
0x235: {  	s18 =	sadd.s32 $0x8, s18;
	[tilespmem:s17+$0x8700] =	vst v25;
	v20 =	vld.idx.msk [tilespmem:v15+s20+$0x0 ss:$0x1], $0xffff  }
0x236: {  	_ =	sdelay $0x2  }
0x237: {  	[tilespmem:s17+$0x8790] =	vst v21  }
0x238: {  	v0 =	vld.idx.msk [tilespmem:v15+s17+$0x0 ss:$0x1], $0xffff;
	[tilespmem:s17+$0x87A0] =	vst v19  }
0x239: {  	[tilespmem:s17+$0x87B0] =	vst v16  }
0x23a: {  	[tilespmem:s17+$0x87C0] =	vst v17  }
0x23b: {  	s18 =	sadd.s32 s5, s16;
	[tilespmem:s17+$0x87D0] =	vst v18  }
0x23c: {  	s18 =	sshll.u32 s18, $0x7;
	[tilespmem:s17+$0x87E0] =	vst v20  }
0x23d: {  	s25 =	sadd.s32 s3, s18;
	s18 =	simm.s32 @!p0 $0x2;
	[tilespmem:s17+$0x8780] =	vst v0  }
0x23e: {  	[hbm4b:s25+s4] =	stream.linear.scatter [tilespmem:s10], [sflag:$0x1], $0x8000, $0x38;
	[tilespmem:$0x12400] =	vst v63  }
0x23f: {  	_ =	swait.ge @!p0 [sflag:s18], $0x8000  }
0x240: {  	[sflag:s18] =	ssyncset.done @!p0 $0x0  }
0x241: {  	s17 =	sor.u32 $0x20, s16;
	[sflag:s18] =	ssyncadd.s32 @!p0 $0xFFFF8000  }
0x242: {  	v13 =	vld [tilespmem:s17+$0x0];
	_ =	sdelay $0x4  }
0x243: {  	(v2sf) =	vpush v13, $0x0;
	_ =	sdelay $0x6  }
0x244: {  	(v2sf) =	vpush v13, $0x1;
	_ =	sdelay $0x7  }
0x245: {  	s26 =	spop (v2sf)  }
0x246: {  	(v2sf) =	vpush v13, $0x2;
	s19 =	sshll.u32 s26, $0xA;
	s18 =	sshll.u32 s26, $0x7  }
0x247: {  	s19 =	sand.u32 $0xFFFFE000, s19;
	s18 =	sand.u32 $0x380, s18  }
0x248: {  	s18 =	sor.u32 s18, s19  }
0x249: {  	s18 =	sor.u32 $0x400, s18  }
0x24a: {  	v0 =	vmov s18;
	_ =	sdelay $0x1  }
0x24b: {  	s28 =	spop (v2sf)  }
0x24c: {  	s29 =	sshll.u32 s28, $0xA;
	s20 =	sshll.u32 s28, $0x7  }
0x24d: {  	(v2sf) =	vpush v13, $0x3;
	s19 =	sand.u32 $0xFFFFE000, s29;
	s20 =	sand.u32 $0x380, s20;
	s18 =	simm.s32 $0x0  }
0x24e: {  	s20 =	sor.u32 s20, s19;
	s25 =	sor.u32 $0x70, s18;
	v2 =	vld.idx.msk [tilespmem:v0+s18+$0x0 ss:$0x1], $0xffff  }
0x24f: {  	s21 =	sor.u32 $0x400, s20;
	s19 =	sor.u32 $0x10, s18;
	v3 =	vld.idx.msk [tilespmem:v0+s25+$0x0 ss:$0x1], $0xffff  }
0x250: {  	s20 =	sor.u32 $0x20, s18;
	v1 =	vmov s21;
	v4 =	vld.idx.msk [tilespmem:v0+s19+$0x0 ss:$0x1], $0xffff  }
0x251: {  	s21 =	sor.u32 $0x30, s18;
	v5 =	vld.idx.msk [tilespmem:v0+s20+$0x0 ss:$0x1], $0xffff  }
0x252: {  	s22 =	sor.u32 $0x40, s18;
	v6 =	vld.idx.msk [tilespmem:v0+s21+$0x0 ss:$0x1], $0xffff  }
0x253: {  	s23 =	sor.u32 $0x50, s18;
	v7 =	vld.idx.msk [tilespmem:v0+s22+$0x0 ss:$0x1], $0xffff  }
0x254: {  	v8 =	vld.idx.msk [tilespmem:v0+s23+$0x0 ss:$0x1], $0xffff;
	s24 =	spop (v2sf);
	[tilespmem:s18+$0xA470] =	vst v3  }
0x255: {  	(v2sf) =	vpush v13, $0x4;
	[tilespmem:s18+$0xA410] =	vst v4;
	s26 =	sshll.u32 s24, $0xA;
	s28 =	sshll.u32 s24, $0x7;
	v3 =	vld.idx.msk [tilespmem:v1+s25+$0x0 ss:$0x1], $0xffff  }
0x256: {  	[tilespmem:s18+$0xA400] =	vst v2;
	s24 =	sor.u32 $0x60, s18;
	v4 =	vld.idx.msk [tilespmem:v1+s19+$0x0 ss:$0x1], $0xffff;
	s26 =	sand.u32 $0xFFFFE000, s26;
	s28 =	sand.u32 $0x380, s28  }
0x257: {  	[tilespmem:s18+$0xA420] =	vst v5;
	v9 =	vld.idx.msk [tilespmem:v0+s24+$0x0 ss:$0x1], $0xffff;
	s26 =	sor.u32 s28, s26  }
0x258: {  	[tilespmem:s18+$0xA430] =	vst v6;
	v5 =	vld.idx.msk [tilespmem:v1+s20+$0x0 ss:$0x1], $0xffff;
	s26 =	sor.u32 $0x400, s26  }
0x259: {  	[tilespmem:s18+$0xA440] =	vst v7;
	v6 =	vld.idx.msk [tilespmem:v1+s21+$0x0 ss:$0x1], $0xffff;
	v2 =	vmov s26  }
0x25a: {  	[tilespmem:s18+$0xA450] =	vst v8;
	v7 =	vld.idx.msk [tilespmem:v1+s22+$0x0 ss:$0x1], $0xffff  }
0x25b: {  	v8 =	vld.idx.msk [tilespmem:v1+s23+$0x0 ss:$0x1], $0xffff;
	[tilespmem:s18+$0xA4F0] =	vst v3  }
0x25c: {  	s30 =	spop (v2sf);
	v10 =	vld.idx.msk [tilespmem:v1+s18+$0x0 ss:$0x1], $0xffff;
	[tilespmem:s18+$0xA460] =	vst v9  }
0x25d: {  	(v2sf) =	vpush v13, $0x5;
	s31 =	sshll.u32 s30, $0xA;
	s26 =	sshll.u32 s30, $0x7;
	[tilespmem:s18+$0xA490] =	vst v4;
	v9 =	vld.idx.msk [tilespmem:v1+s24+$0x0 ss:$0x1], $0xffff  }
0x25e: {  	s28 =	sand.u32 $0xFFFFE000, s31;
	s26 =	sand.u32 $0x380, s26;
	[tilespmem:s18+$0xA4A0] =	vst v5;
	v4 =	vld.idx.msk [tilespmem:v2+s25+$0x0 ss:$0x1], $0xffff  }
0x25f: {  	[tilespmem:s18+$0xA4B0] =	vst v6;
	s26 =	sor.u32 s26, s28;
	v5 =	vld.idx.msk [tilespmem:v2+s19+$0x0 ss:$0x1], $0xffff  }
0x260: {  	[tilespmem:s18+$0xA4C0] =	vst v7;
	s26 =	sor.u32 $0x400, s26;
	v6 =	vld.idx.msk [tilespmem:v2+s20+$0x0 ss:$0x1], $0xffff  }
0x261: {  	[tilespmem:s18+$0xA4D0] =	vst v8;
	v3 =	vmov s26;
	v7 =	vld.idx.msk [tilespmem:v2+s21+$0x0 ss:$0x1], $0xffff  }
0x262: {  	[tilespmem:s18+$0xA480] =	vst v10;
	v8 =	vld.idx.msk [tilespmem:v2+s22+$0x0 ss:$0x1], $0xffff  }
0x263: {  	v11 =	vld.idx.msk [tilespmem:v2+s18+$0x0 ss:$0x1], $0xffff;
	[tilespmem:s18+$0xA4E0] =	vst v9  }
0x264: {  	s29 =	spop (v2sf);
	v9 =	vld.idx.msk [tilespmem:v2+s23+$0x0 ss:$0x1], $0xffff;
	[tilespmem:s18+$0xA570] =	vst v4  }
0x265: {  	(v2sf) =	vpush v13, $0x6;
	s30 =	sshll.u32 s29, $0xA;
	s26 =	sshll.u32 s29, $0x7;
	[tilespmem:s18+$0xA510] =	vst v5;
	v5 =	vld.idx.msk [tilespmem:v2+s24+$0x0 ss:$0x1], $0xffff  }
0x266: {  	s28 =	sand.u32 $0xFFFFE000, s30;
	s26 =	sand.u32 $0x380, s26;
	[tilespmem:s18+$0xA520] =	vst v6;
	v10 =	vld.idx.msk [tilespmem:v3+s25+$0x0 ss:$0x1], $0xffff  }
0x267: {  	s26 =	sor.u32 s26, s28;
	[tilespmem:s18+$0xA530] =	vst v7;
	v6 =	vld.idx.msk [tilespmem:v3+s19+$0x0 ss:$0x1], $0xffff  }
0x268: {  	s26 =	sor.u32 $0x400, s26;
	[tilespmem:s18+$0xA540] =	vst v8;
	v7 =	vld.idx.msk [tilespmem:v3+s20+$0x0 ss:$0x1], $0xffff  }
0x269: {  	v4 =	vmov s26;
	[tilespmem:s18+$0xA500] =	vst v11;
	v8 =	vld.idx.msk [tilespmem:v3+s21+$0x0 ss:$0x1], $0xffff  }
0x26a: {  	v12 =	vld.idx.msk [tilespmem:v3+s18+$0x0 ss:$0x1], $0xffff;
	[tilespmem:s18+$0xA550] =	vst v9  }
0x26b: {  	v9 =	vld.idx.msk [tilespmem:v3+s22+$0x0 ss:$0x1], $0xffff;
	[tilespmem:s18+$0xA560] =	vst v5  }
0x26c: {  	s31 =	spop (v2sf);
	v11 =	vld.idx.msk [tilespmem:v3+s23+$0x0 ss:$0x1], $0xffff;
	[tilespmem:s18+$0xA5F0] =	vst v10  }
0x26d: {  	(v2sf) =	vpush v13, $0x7;
	s29 =	sshll.u32 s31, $0xA;
	s26 =	sshll.u32 s31, $0x7;
	[tilespmem:s18+$0xA590] =	vst v6;
	v6 =	vld.idx.msk [tilespmem:v3+s24+$0x0 ss:$0x1], $0xffff  }
0x26e: {  	s28 =	sand.u32 $0xFFFFE000, s29;
	s26 =	sand.u32 $0x380, s26;
	[tilespmem:s18+$0xA5A0] =	vst v7;
	v10 =	vld.idx.msk [tilespmem:v4+s25+$0x0 ss:$0x1], $0xffff  }
0x26f: {  	s26 =	sor.u32 s26, s28;
	[tilespmem:s18+$0xA5B0] =	vst v8;
	v7 =	vld.idx.msk [tilespmem:v4+s19+$0x0 ss:$0x1], $0xffff  }
0x270: {  	s26 =	sor.u32 $0x400, s26;
	[tilespmem:s18+$0xA580] =	vst v12;
	v8 =	vld.idx.msk [tilespmem:v4+s20+$0x0 ss:$0x1], $0xffff  }
0x271: {  	v5 =	vmov s26;
	v15 =	vld.idx.msk [tilespmem:v4+s18+$0x0 ss:$0x1], $0xffff;
	[tilespmem:s18+$0xA5C0] =	vst v9  }
0x272: {  	v9 =	vld.idx.msk [tilespmem:v4+s21+$0x0 ss:$0x1], $0xffff;
	[tilespmem:s18+$0xA5D0] =	vst v11  }
0x273: {  	v11 =	vld.idx.msk [tilespmem:v4+s22+$0x0 ss:$0x1], $0xffff;
	[tilespmem:s18+$0xA5E0] =	vst v6  }
0x274: {  	s30 =	spop (v2sf);
	v12 =	vld.idx.msk [tilespmem:v4+s23+$0x0 ss:$0x1], $0xffff;
	[tilespmem:s18+$0xA670] =	vst v10  }
0x275: {  	(v2sf) =	vpush v13, $0x8;
	s31 =	sshll.u32 s30, $0xA;
	s26 =	sshll.u32 s30, $0x7;
	[tilespmem:s18+$0xA610] =	vst v7;
	v14 =	vld.idx.msk [tilespmem:v4+s24+$0x0 ss:$0x1], $0xffff  }
0x276: {  	s28 =	sand.u32 $0xFFFFE000, s31;
	s26 =	sand.u32 $0x380, s26;
	[tilespmem:s18+$0xA620] =	vst v8;
	v10 =	vld.idx.msk [tilespmem:v5+s25+$0x0 ss:$0x1], $0xffff  }
0x277: {  	s26 =	sor.u32 s26, s28;
	[tilespmem:s18+$0xA600] =	vst v15;
	v8 =	vld.idx.msk [tilespmem:v5+s19+$0x0 ss:$0x1], $0xffff  }
0x278: {  	s26 =	sor.u32 $0x400, s26;
	[tilespmem:s18+$0xA630] =	vst v9;
	v9 =	vld.idx.msk [tilespmem:v5+s20+$0x0 ss:$0x1], $0xffff  }
0x279: {  	v6 =	vmov s26;
	v16 =	vld.idx.msk [tilespmem:v5+s18+$0x0 ss:$0x1], $0xffff;
	[tilespmem:s18+$0xA640] =	vst v11  }
0x27a: {  	v11 =	vld.idx.msk [tilespmem:v5+s21+$0x0 ss:$0x1], $0xffff;
	[tilespmem:s18+$0xA650] =	vst v12  }
0x27b: {  	v12 =	vld.idx.msk [tilespmem:v5+s22+$0x0 ss:$0x1], $0xffff;
	[tilespmem:s18+$0xA660] =	vst v14  }
0x27c: {  	s29 =	spop (v2sf);
	v14 =	vld.idx.msk [tilespmem:v5+s23+$0x0 ss:$0x1], $0xffff;
	[tilespmem:s18+$0xA6F0] =	vst v10  }
0x27d: {  	(v2sf) =	vpush v13, $0x9;
	s30 =	sshll.u32 s29, $0xA;
	s26 =	sshll.u32 s29, $0x7;
	[tilespmem:s18+$0xA690] =	vst v8;
	v15 =	vld.idx.msk [tilespmem:v5+s24+$0x0 ss:$0x1], $0xffff  }
0x27e: {  	s28 =	sand.u32 $0xFFFFE000, s30;
	s26 =	sand.u32 $0x380, s26;
	[tilespmem:s18+$0xA6A0] =	vst v9;
	v10 =	vld.idx.msk [tilespmem:v6+s25+$0x0 ss:$0x1], $0xffff  }
0x27f: {  	s26 =	sor.u32 s26, s28;
	[tilespmem:s18+$0xA680] =	vst v16;
	v9 =	vld.idx.msk [tilespmem:v6+s19+$0x0 ss:$0x1], $0xffff  }
0x280: {  	s26 =	sor.u32 $0x400, s26;
	[tilespmem:s18+$0xA6B0] =	vst v11;
	v11 =	vld.idx.msk [tilespmem:v6+s20+$0x0 ss:$0x1], $0xffff  }
0x281: {  	v7 =	vmov s26;
	v17 =	vld.idx.msk [tilespmem:v6+s18+$0x0 ss:$0x1], $0xffff;
	[tilespmem:s18+$0xA6C0] =	vst v12  }
0x282: {  	v12 =	vld.idx.msk [tilespmem:v6+s21+$0x0 ss:$0x1], $0xffff;
	[tilespmem:s18+$0xA6D0] =	vst v14  }
0x283: {  	v14 =	vld.idx.msk [tilespmem:v6+s22+$0x0 ss:$0x1], $0xffff;
	[tilespmem:s18+$0xA6E0] =	vst v15  }
0x284: {  	s31 =	spop (v2sf);
	v15 =	vld.idx.msk [tilespmem:v6+s23+$0x0 ss:$0x1], $0xffff;
	[tilespmem:s18+$0xA770] =	vst v10  }
0x285: {  	(v2sf) =	vpush v13, $0xA;
	s29 =	sshll.u32 s31, $0xA;
	s26 =	sshll.u32 s31, $0x7;
	[tilespmem:s18+$0xA710] =	vst v9;
	v16 =	vld.idx.msk [tilespmem:v6+s24+$0x0 ss:$0x1], $0xffff  }
0x286: {  	s28 =	sand.u32 $0xFFFFE000, s29;
	s26 =	sand.u32 $0x380, s26;
	[tilespmem:s18+$0xA720] =	vst v11;
	v10 =	vld.idx.msk [tilespmem:v7+s25+$0x0 ss:$0x1], $0xffff  }
0x287: {  	s26 =	sor.u32 s26, s28;
	[tilespmem:s18+$0xA700] =	vst v17;
	v11 =	vld.idx.msk [tilespmem:v7+s19+$0x0 ss:$0x1], $0xffff  }
0x288: {  	s26 =	sor.u32 $0x400, s26;
	[tilespmem:s18+$0xA730] =	vst v12;
	v12 =	vld.idx.msk [tilespmem:v7+s20+$0x0 ss:$0x1], $0xffff  }
0x289: {  	v8 =	vmov s26;
	v18 =	vld.idx.msk [tilespmem:v7+s18+$0x0 ss:$0x1], $0xffff;
	[tilespmem:s18+$0xA740] =	vst v14  }
0x28a: {  	v14 =	vld.idx.msk [tilespmem:v7+s21+$0x0 ss:$0x1], $0xffff;
	[tilespmem:s18+$0xA750] =	vst v15  }
0x28b: {  	(v2sf) =	vpush v13, $0xB;
	v15 =	vld.idx.msk [tilespmem:v7+s22+$0x0 ss:$0x1], $0xffff;
	[tilespmem:s18+$0xA760] =	vst v16  }
0x28c: {  	s30 =	spop (v2sf);
	v16 =	vld.idx.msk [tilespmem:v7+s23+$0x0 ss:$0x1], $0xffff;
	[tilespmem:s18+$0xA7F0] =	vst v10  }
0x28d: {  	s31 =	sshll.u32 s30, $0xA;
	s26 =	sshll.u32 s30, $0x7;
	v17 =	vld.idx.msk [tilespmem:v7+s24+$0x0 ss:$0x1], $0xffff;
	[tilespmem:s18+$0xA790] =	vst v11  }
0x28e: {  	s28 =	sand.u32 $0xFFFFE000, s31;
	s26 =	sand.u32 $0x380, s26;
	[tilespmem:s18+$0xA7A0] =	vst v12;
	v10 =	vld.idx.msk [tilespmem:v8+s25+$0x0 ss:$0x1], $0xffff  }
0x28f: {  	s26 =	sor.u32 s26, s28;
	[tilespmem:s18+$0xA780] =	vst v18;
	v12 =	vld.idx.msk [tilespmem:v8+s19+$0x0 ss:$0x1], $0xffff  }
0x290: {  	s26 =	sor.u32 $0x400, s26;
	v19 =	vld.idx.msk [tilespmem:v8+s18+$0x0 ss:$0x1], $0xffff;
	[tilespmem:s18+$0xA7B0] =	vst v14  }
0x291: {  	(v2sf) =	vpush v13, $0xC;
	v9 =	vmov s26;
	v14 =	vld.idx.msk [tilespmem:v8+s20+$0x0 ss:$0x1], $0xffff;
	[tilespmem:s18+$0xA7C0] =	vst v15  }
0x292: {  	v15 =	vld.idx.msk [tilespmem:v8+s21+$0x0 ss:$0x1], $0xffff;
	[tilespmem:s18+$0xA7D0] =	vst v16  }
0x293: {  	v16 =	vld.idx.msk [tilespmem:v8+s22+$0x0 ss:$0x1], $0xffff;
	[tilespmem:s18+$0xA7E0] =	vst v17  }
0x294: {  	s29 =	spop (v2sf);
	v17 =	vld.idx.msk [tilespmem:v8+s23+$0x0 ss:$0x1], $0xffff;
	[tilespmem:s18+$0xC470] =	vst v10  }
0x295: {  	s30 =	sshll.u32 s29, $0xA;
	s26 =	sshll.u32 s29, $0x7;
	[tilespmem:s18+$0xC410] =	vst v12;
	v12 =	vld.idx.msk [tilespmem:v8+s24+$0x0 ss:$0x1], $0xffff  }
0x296: {  	s28 =	sand.u32 $0xFFFFE000, s30;
	s26 =	sand.u32 $0x380, s26;
	[tilespmem:s18+$0xC400] =	vst v19;
	v11 =	vld.idx.msk [tilespmem:v9+s25+$0x0 ss:$0x1], $0xffff  }
0x297: {  	(v2sf) =	vpush v13, $0xD;
	s26 =	sor.u32 s26, s28;
	[tilespmem:s18+$0xC420] =	vst v14;
	v14 =	vld.idx.msk [tilespmem:v9+s19+$0x0 ss:$0x1], $0xffff  }
0x298: {  	s26 =	sor.u32 $0x400, s26;
	v20 =	vld.idx.msk [tilespmem:v9+s18+$0x0 ss:$0x1], $0xffff;
	[tilespmem:s18+$0xC430] =	vst v15  }
0x299: {  	v10 =	vmov s26;
	v15 =	vld.idx.msk [tilespmem:v9+s20+$0x0 ss:$0x1], $0xffff;
	[tilespmem:s18+$0xC440] =	vst v16  }
0x29a: {  	s31 =	spop (v2sf);
	v16 =	vld.idx.msk [tilespmem:v9+s21+$0x0 ss:$0x1], $0xffff;
	[tilespmem:s18+$0xC450] =	vst v17  }
0x29b: {  	s29 =	sshll.u32 s31, $0xA;
	s26 =	sshll.u32 s31, $0x7;
	v17 =	vld.idx.msk [tilespmem:v9+s22+$0x0 ss:$0x1], $0xffff;
	[tilespmem:s18+$0xC460] =	vst v12  }
0x29c: {  	s28 =	sand.u32 $0xFFFFE000, s29;
	s26 =	sand.u32 $0x380, s26;
	v19 =	vld.idx.msk [tilespmem:v9+s23+$0x0 ss:$0x1], $0xffff;
	[tilespmem:s18+$0xC4F0] =	vst v11  }
0x29d: {  	(v2sf) =	vpush v13, $0xE;
	s26 =	sor.u32 s26, s28;
	[tilespmem:s18+$0xC490] =	vst v14;
	v14 =	vld.idx.msk [tilespmem:v9+s24+$0x0 ss:$0x1], $0xffff  }
0x29e: {  	s26 =	sor.u32 $0x400, s26;
	[tilespmem:s18+$0xC480] =	vst v20;
	v18 =	vld.idx.msk [tilespmem:v10+s25+$0x0 ss:$0x1], $0xffff  }
0x29f: {  	v11 =	vmov s26;
	[tilespmem:s18+$0xC4A0] =	vst v15;
	v15 =	vld.idx.msk [tilespmem:v10+s19+$0x0 ss:$0x1], $0xffff  }
0x2a0: {  	s30 =	spop (v2sf);
	v20 =	vld.idx.msk [tilespmem:v10+s18+$0x0 ss:$0x1], $0xffff;
	[tilespmem:s18+$0xC4B0] =	vst v16  }
0x2a1: {  	s31 =	sshll.u32 s30, $0xA;
	s26 =	sshll.u32 s30, $0x7;
	v16 =	vld.idx.msk [tilespmem:v10+s20+$0x0 ss:$0x1], $0xffff;
	[tilespmem:s18+$0xC4C0] =	vst v17  }
0x2a2: {  	s28 =	sand.u32 $0xFFFFE000, s31;
	s26 =	sand.u32 $0x380, s26;
	v17 =	vld.idx.msk [tilespmem:v10+s21+$0x0 ss:$0x1], $0xffff;
	[tilespmem:s18+$0xC4D0] =	vst v19  }
0x2a3: {  	(v2sf) =	vpush v13, $0xF;
	s26 =	sor.u32 s26, s28;
	v19 =	vld.idx.msk [tilespmem:v10+s22+$0x0 ss:$0x1], $0xffff;
	[tilespmem:s18+$0xC570] =	vst v18  }
0x2a4: {  	s26 =	sor.u32 $0x400, s26;
	[tilespmem:s18+$0xC4E0] =	vst v14;
	v18 =	vld.idx.msk [tilespmem:v11+s25+$0x0 ss:$0x1], $0xffff  }
0x2a5: {  	v12 =	vmov s26;
	v14 =	vld.idx.msk [tilespmem:v10+s23+$0x0 ss:$0x1], $0xffff;
	[tilespmem:s18+$0xC510] =	vst v15  }
0x2a6: {  	s29 =	spop (v2sf);
	v15 =	vld.idx.msk [tilespmem:v10+s24+$0x0 ss:$0x1], $0xffff;
	[tilespmem:s18+$0xC500] =	vst v20  }
0x2a7: {  	s30 =	sshll.u32 s29, $0xA;
	s26 =	sshll.u32 s29, $0x7;
	[tilespmem:s18+$0xC520] =	vst v16;
	v16 =	vld.idx.msk [tilespmem:v11+s19+$0x0 ss:$0x1], $0xffff  }
0x2a8: {  	s28 =	sand.u32 $0xFFFFE000, s30;
	s26 =	sand.u32 $0x380, s26;
	v22 =	vld.idx.msk [tilespmem:v11+s18+$0x0 ss:$0x1], $0xffff;
	[tilespmem:s18+$0xC530] =	vst v17  }
0x2a9: {  	s26 =	sor.u32 s26, s28;
	v17 =	vld.idx.msk [tilespmem:v11+s20+$0x0 ss:$0x1], $0xffff;
	[tilespmem:s18+$0xC5F0] =	vst v18  }
0x2aa: {  	s26 =	sor.u32 $0x400, s26;
	[tilespmem:s18+$0xC540] =	vst v19;
	v18 =	vld.idx.msk [tilespmem:v12+s25+$0x0 ss:$0x1], $0xffff  }
0x2ab: {  	v13 =	vmov s26;
	v19 =	vld.idx.msk [tilespmem:v11+s21+$0x0 ss:$0x1], $0xffff;
	[tilespmem:s18+$0xC550] =	vst v14  }
0x2ac: {  	s31 =	spop (v2sf);
	v21 =	vld.idx.msk [tilespmem:v11+s22+$0x0 ss:$0x1], $0xffff;
	[tilespmem:s18+$0xC560] =	vst v15  }
0x2ad: {  	s29 =	sshll.u32 s31, $0xA;
	s26 =	sshll.u32 s31, $0x7;
	v20 =	vld.idx.msk [tilespmem:v11+s23+$0x0 ss:$0x1], $0xffff;
	[tilespmem:s18+$0xC590] =	vst v16  }
0x2ae: {  	s28 =	sand.u32 $0xFFFFE000, s29;
	s26 =	sand.u32 $0x380, s26;
	v16 =	vld.idx.msk [tilespmem:v11+s24+$0x0 ss:$0x1], $0xffff;
	[tilespmem:s18+$0xC5A0] =	vst v17  }
0x2af: {  	s26 =	sor.u32 s26, s28;
	v17 =	vld.idx.msk [tilespmem:v12+s19+$0x0 ss:$0x1], $0xffff;
	[tilespmem:s18+$0xC670] =	vst v18  }
0x2b0: {  	s26 =	sor.u32 $0x400, s26;
	[tilespmem:s18+$0xC580] =	vst v22;
	v18 =	vld.idx.msk [tilespmem:v13+s25+$0x0 ss:$0x1], $0xffff  }
0x2b1: {  	v14 =	vmov s26;
	v22 =	vld.idx.msk [tilespmem:v12+s18+$0x0 ss:$0x1], $0xffff;
	[tilespmem:s18+$0xC5B0] =	vst v19  }
0x2b2: {  	s30 =	spop (v2sf);
	v19 =	vld.idx.msk [tilespmem:v12+s20+$0x0 ss:$0x1], $0xffff;
	[tilespmem:s18+$0xC5C0] =	vst v21  }
0x2b3: {  	s31 =	sshll.u32 s30, $0xA;
	s26 =	sshll.u32 s30, $0x7;
	v21 =	vld.idx.msk [tilespmem:v12+s21+$0x0 ss:$0x1], $0xffff;
	[tilespmem:s18+$0xC5D0] =	vst v20  }
0x2b4: {  	s28 =	sand.u32 $0xFFFFE000, s31;
	s26 =	sand.u32 $0x380, s26;
	v20 =	vld.idx.msk [tilespmem:v12+s22+$0x0 ss:$0x1], $0xffff;
	[tilespmem:s18+$0xC5E0] =	vst v16  }
0x2b5: {  	s26 =	sor.u32 s26, s28;
	v16 =	vld.idx.msk [tilespmem:v12+s23+$0x0 ss:$0x1], $0xffff;
	[tilespmem:s18+$0xC6F0] =	vst v18  }
0x2b6: {  	s26 =	sor.u32 $0x400, s26;
	[tilespmem:s18+$0xC610] =	vst v17;
	v18 =	vld.idx.msk [tilespmem:v14+s25+$0x0 ss:$0x1], $0xffff  }
0x2b7: {  	v15 =	vmov s26;
	v17 =	vld.idx.msk [tilespmem:v12+s24+$0x0 ss:$0x1], $0xffff;
	[tilespmem:s18+$0xC620] =	vst v19  }
0x2b8: {  	v19 =	vld.idx.msk [tilespmem:v13+s19+$0x0 ss:$0x1], $0xffff;
	[tilespmem:s18+$0xC630] =	vst v21  }
0x2b9: {  	v21 =	vld.idx.msk [tilespmem:v13+s20+$0x0 ss:$0x1], $0xffff;
	[tilespmem:s18+$0xC640] =	vst v20  }
0x2ba: {  	v20 =	vld.idx.msk [tilespmem:v13+s21+$0x0 ss:$0x1], $0xffff;
	[tilespmem:s18+$0xC650] =	vst v16  }
0x2bb: {  	v16 =	vld.idx.msk [tilespmem:v13+s22+$0x0 ss:$0x1], $0xffff;
	[tilespmem:s18+$0xC770] =	vst v18  }
0x2bc: {  	[tilespmem:s18+$0xC600] =	vst v22;
	v18 =	vld.idx.msk [tilespmem:v15+s25+$0x0 ss:$0x1], $0xffff  }
0x2bd: {  	[tilespmem:s18+$0xC660] =	vst v17;
	v17 =	vld.idx.msk [tilespmem:v13+s23+$0x0 ss:$0x1], $0xffff  }
0x2be: {  	v22 =	vld.idx.msk [tilespmem:v13+s24+$0x0 ss:$0x1], $0xffff;
	[tilespmem:s18+$0xC690] =	vst v19  }
0x2bf: {  	v19 =	vld.idx.msk [tilespmem:v14+s19+$0x0 ss:$0x1], $0xffff;
	[tilespmem:s18+$0xC6A0] =	vst v21  }
0x2c0: {  	v23 =	vld.idx.msk [tilespmem:v14+s20+$0x0 ss:$0x1], $0xffff;
	[tilespmem:s18+$0xC6B0] =	vst v20  }
0x2c1: {  	[tilespmem:s18+$0xC7F0] =	vst v18;
	v18 =	vld.idx.msk [tilespmem:v13+s18+$0x0 ss:$0x1], $0xffff  }
0x2c2: {  	v20 =	vld.idx.msk [tilespmem:v14+s21+$0x0 ss:$0x1], $0xffff;
	[tilespmem:s18+$0xC6C0] =	vst v16  }
0x2c3: {  	v24 =	vld.idx.msk [tilespmem:v14+s22+$0x0 ss:$0x1], $0xffff;
	[tilespmem:s18+$0xC6D0] =	vst v17  }
0x2c4: {  	v25 =	vld.idx.msk [tilespmem:v14+s23+$0x0 ss:$0x1], $0xffff;
	[tilespmem:s18+$0xC6E0] =	vst v22  }
0x2c5: {  	v22 =	vld.idx.msk [tilespmem:v14+s24+$0x0 ss:$0x1], $0xffff;
	[tilespmem:s18+$0xC710] =	vst v19  }
0x2c6: {  	v21 =	vld.idx.msk [tilespmem:v15+s19+$0x0 ss:$0x1], $0xffff;
	[tilespmem:s18+$0xC680] =	vst v18  }
0x2c7: {  	[tilespmem:s18+$0xC720] =	vst v23;
	v26 =	vld.idx.msk [tilespmem:v14+s18+$0x0 ss:$0x1], $0xffff  }
0x2c8: {  	v19 =	vld.idx.msk [tilespmem:v15+s20+$0x0 ss:$0x1], $0xffff;
	[tilespmem:s18+$0xC730] =	vst v20  }
0x2c9: {  	v16 =	vld.idx.msk [tilespmem:v15+s21+$0x0 ss:$0x1], $0xffff;
	[tilespmem:s18+$0xC740] =	vst v24  }
0x2ca: {  	v17 =	vld.idx.msk [tilespmem:v15+s22+$0x0 ss:$0x1], $0xffff;
	[tilespmem:s18+$0xC760] =	vst v22  }
0x2cb: {  	[tilespmem:s18+$0xC750] =	vst v25;
	v20 =	vld.idx.msk [tilespmem:v15+s24+$0x0 ss:$0x1], $0xffff  }
0x2cc: {  	s19 =	simm.s32 $0x8;
	v18 =	vld.idx.msk [tilespmem:v15+s23+$0x0 ss:$0x1], $0xffff;
	[tilespmem:s18+$0xC700] =	vst v26  }
.LBB2_7:
0x2cd: {  	s28 =	sshll.u32 s19, $0x7;
	p0 =	slt.u32 s19, $0x38;
	v22 =	vld.idx.msk [tilespmem:v15+s18+$0x0 ss:$0x1], $0xffff;
	[tilespmem:s18+$0xC790] =	vst v21  }
0x2ce: {  	v21 =	vld.idx.msk [tilespmem:v0+s28+$0x0 ss:$0x1], $0xffff;
	s25 =	sor.u32 $0x10, s28;
	s23 =	sor.u32 $0x20, s28;
	s26 =	sor.u32 $0x70, s28;
	[tilespmem:s18+$0xC7A0] =	vst v19  }
0x2cf: {  	s24 =	sor.u32 $0x30, s28;
	s22 =	sor.u32 $0x40, s28;
	s20 =	sor.u32 $0x50, s28;
	v19 =	vld.idx.msk [tilespmem:v0+s26+$0x0 ss:$0x1], $0xffff;
	[tilespmem:s18+$0xC7B0] =	vst v16  }
0x2d0: {  	s21 =	sor.u32 $0x60, s28;
	v16 =	vld.idx.msk [tilespmem:v0+s25+$0x0 ss:$0x1], $0xffff;
	[tilespmem:s18+$0xC7C0] =	vst v17  }
0x2d1: {  	v17 =	vld.idx.msk [tilespmem:v0+s23+$0x0 ss:$0x1], $0xffff;
	[tilespmem:s18+$0xC7D0] =	vst v18  }
0x2d2: {  	v18 =	vld.idx.msk [tilespmem:v0+s24+$0x0 ss:$0x1], $0xffff;
	[tilespmem:s18+$0xC7E0] =	vst v20  }
0x2d3: {  	v20 =	vld.idx.msk [tilespmem:v0+s22+$0x0 ss:$0x1], $0xffff;
	[tilespmem:s18+$0xC780] =	vst v22;
	s18 =	smov.u32 s28  }
0x2d4: {  	[tilespmem:s18+$0xA400] =	vst v21;
	v21 =	vld.idx.msk [tilespmem:v0+s20+$0x0 ss:$0x1], $0xffff  }
0x2d5: {  	v22 =	vld.idx.msk [tilespmem:v0+s21+$0x0 ss:$0x1], $0xffff;
	[tilespmem:s18+$0xA470] =	vst v19  }
0x2d6: {  	[tilespmem:s18+$0xA410] =	vst v16;
	v16 =	vld.idx.msk [tilespmem:v1+s26+$0x0 ss:$0x1], $0xffff  }
0x2d7: {  	v19 =	vld.idx.msk [tilespmem:v1+s25+$0x0 ss:$0x1], $0xffff;
	[tilespmem:s18+$0xA420] =	vst v17  }
0x2d8: {  	v17 =	vld.idx.msk [tilespmem:v1+s23+$0x0 ss:$0x1], $0xffff;
	[tilespmem:s18+$0xA430] =	vst v18  }
0x2d9: {  	v18 =	vld.idx.msk [tilespmem:v1+s24+$0x0 ss:$0x1], $0xffff;
	[tilespmem:s18+$0xA440] =	vst v20  }
0x2da: {  	v20 =	vld.idx.msk [tilespmem:v1+s22+$0x0 ss:$0x1], $0xffff;
	[tilespmem:s18+$0xA450] =	vst v21  }
0x2db: {  	v21 =	vld.idx.msk [tilespmem:v1+s20+$0x0 ss:$0x1], $0xffff;
	[tilespmem:s18+$0xA460] =	vst v22  }
0x2dc: {  	v22 =	vld.idx.msk [tilespmem:v1+s21+$0x0 ss:$0x1], $0xffff;
	[tilespmem:s18+$0xA4F0] =	vst v16  }
0x2dd: {  	[tilespmem:s18+$0xA490] =	vst v19;
	v16 =	vld.idx.msk [tilespmem:v2+s26+$0x0 ss:$0x1], $0xffff  }
0x2de: {  	v19 =	vld.idx.msk [tilespmem:v1+s18+$0x0 ss:$0x1], $0xffff;
	[tilespmem:s18+$0xA4A0] =	vst v17  }
0x2df: {  	v17 =	vld.idx.msk [tilespmem:v2+s25+$0x0 ss:$0x1], $0xffff;
	[tilespmem:s18+$0xA4B0] =	vst v18  }
0x2e0: {  	v18 =	vld.idx.msk [tilespmem:v2+s23+$0x0 ss:$0x1], $0xffff;
	[tilespmem:s18+$0xA4C0] =	vst v20  }
0x2e1: {  	v20 =	vld.idx.msk [tilespmem:v2+s24+$0x0 ss:$0x1], $0xffff;
	[tilespmem:s18+$0xA4D0] =	vst v21  }
0x2e2: {  	v21 =	vld.idx.msk [tilespmem:v2+s22+$0x0 ss:$0x1], $0xffff;
	[tilespmem:s18+$0xA4E0] =	vst v22  }
0x2e3: {  	v22 =	vld.idx.msk [tilespmem:v2+s20+$0x0 ss:$0x1], $0xffff;
	[tilespmem:s18+$0xA570] =	vst v16  }
0x2e4: {  	[tilespmem:s18+$0xA480] =	vst v19;
	v16 =	vld.idx.msk [tilespmem:v3+s26+$0x0 ss:$0x1], $0xffff  }
0x2e5: {  	[tilespmem:s18+$0xA510] =	vst v17;
	v17 =	vld.idx.msk [tilespmem:v2+s21+$0x0 ss:$0x1], $0xffff  }
0x2e6: {  	v19 =	vld.idx.msk [tilespmem:v2+s18+$0x0 ss:$0x1], $0xffff;
	[tilespmem:s18+$0xA520] =	vst v18  }
0x2e7: {  	v18 =	vld.idx.msk [tilespmem:v3+s25+$0x0 ss:$0x1], $0xffff;
	[tilespmem:s18+$0xA530] =	vst v20  }
0x2e8: {  	v20 =	vld.idx.msk [tilespmem:v3+s23+$0x0 ss:$0x1], $0xffff;
	[tilespmem:s18+$0xA540] =	vst v21  }
0x2e9: {  	v21 =	vld.idx.msk [tilespmem:v3+s24+$0x0 ss:$0x1], $0xffff;
	[tilespmem:s18+$0xA550] =	vst v22  }
0x2ea: {  	v22 =	vld.idx.msk [tilespmem:v3+s22+$0x0 ss:$0x1], $0xffff;
	[tilespmem:s18+$0xA5F0] =	vst v16  }
0x2eb: {  	[tilespmem:s18+$0xA560] =	vst v17;
	v16 =	vld.idx.msk [tilespmem:v4+s26+$0x0 ss:$0x1], $0xffff  }
0x2ec: {  	[tilespmem:s18+$0xA500] =	vst v19;
	v17 =	vld.idx.msk [tilespmem:v3+s20+$0x0 ss:$0x1], $0xffff  }
0x2ed: {  	[tilespmem:s18+$0xA590] =	vst v18;
	v18 =	vld.idx.msk [tilespmem:v3+s21+$0x0 ss:$0x1], $0xffff  }
0x2ee: {  	v19 =	vld.idx.msk [tilespmem:v3+s18+$0x0 ss:$0x1], $0xffff;
	[tilespmem:s18+$0xA5A0] =	vst v20  }
0x2ef: {  	v20 =	vld.idx.msk [tilespmem:v4+s25+$0x0 ss:$0x1], $0xffff;
	[tilespmem:s18+$0xA5B0] =	vst v21  }
0x2f0: {  	v21 =	vld.idx.msk [tilespmem:v4+s23+$0x0 ss:$0x1], $0xffff;
	[tilespmem:s18+$0xA5C0] =	vst v22  }
0x2f1: {  	v22 =	vld.idx.msk [tilespmem:v4+s24+$0x0 ss:$0x1], $0xffff;
	[tilespmem:s18+$0xA670] =	vst v16  }
0x2f2: {  	[tilespmem:s18+$0xA5D0] =	vst v17;
	v16 =	vld.idx.msk [tilespmem:v5+s26+$0x0 ss:$0x1], $0xffff  }
0x2f3: {  	v17 =	vld.idx.msk [tilespmem:v4+s22+$0x0 ss:$0x1], $0xffff;
	[tilespmem:s18+$0xA5E0] =	vst v18  }
0x2f4: {  	[tilespmem:s18+$0xA580] =	vst v19;
	v18 =	vld.idx.msk [tilespmem:v4+s20+$0x0 ss:$0x1], $0xffff  }
0x2f5: {  	[tilespmem:s18+$0xA610] =	vst v20;
	v19 =	vld.idx.msk [tilespmem:v4+s21+$0x0 ss:$0x1], $0xffff  }
0x2f6: {  	v20 =	vld.idx.msk [tilespmem:v4+s18+$0x0 ss:$0x1], $0xffff;
	[tilespmem:s18+$0xA620] =	vst v21  }
0x2f7: {  	v21 =	vld.idx.msk [tilespmem:v5+s25+$0x0 ss:$0x1], $0xffff;
	[tilespmem:s18+$0xA630] =	vst v22  }
0x2f8: {  	v22 =	vld.idx.msk [tilespmem:v5+s23+$0x0 ss:$0x1], $0xffff;
	[tilespmem:s18+$0xA6F0] =	vst v16  }
0x2f9: {  	[tilespmem:s18+$0xA640] =	vst v17;
	v16 =	vld.idx.msk [tilespmem:v6+s26+$0x0 ss:$0x1], $0xffff  }
0x2fa: {  	v17 =	vld.idx.msk [tilespmem:v5+s24+$0x0 ss:$0x1], $0xffff;
	[tilespmem:s18+$0xA650] =	vst v18  }
0x2fb: {  	v18 =	vld.idx.msk [tilespmem:v5+s22+$0x0 ss:$0x1], $0xffff;
	[tilespmem:s18+$0xA660] =	vst v19  }
0x2fc: {  	[tilespmem:s18+$0xA600] =	vst v20;
	v19 =	vld.idx.msk [tilespmem:v5+s20+$0x0 ss:$0x1], $0xffff  }
0x2fd: {  	[tilespmem:s18+$0xA690] =	vst v21;
	v20 =	vld.idx.msk [tilespmem:v5+s21+$0x0 ss:$0x1], $0xffff  }
0x2fe: {  	v21 =	vld.idx.msk [tilespmem:v5+s18+$0x0 ss:$0x1], $0xffff;
	[tilespmem:s18+$0xA6A0] =	vst v22  }
0x2ff: {  	v22 =	vld.idx.msk [tilespmem:v6+s25+$0x0 ss:$0x1], $0xffff;
	[tilespmem:s18+$0xA770] =	vst v16  }
0x300: {  	[tilespmem:s18+$0xA6B0] =	vst v17;
	v16 =	vld.idx.msk [tilespmem:v7+s26+$0x0 ss:$0x1], $0xffff  }
0x301: {  	v17 =	vld.idx.msk [tilespmem:v6+s23+$0x0 ss:$0x1], $0xffff;
	[tilespmem:s18+$0xA6C0] =	vst v18  }
0x302: {  	v18 =	vld.idx.msk [tilespmem:v6+s24+$0x0 ss:$0x1], $0xffff;
	[tilespmem:s18+$0xA6D0] =	vst v19  }
0x303: {  	v19 =	vld.idx.msk [tilespmem:v6+s22+$0x0 ss:$0x1], $0xffff;
	[tilespmem:s18+$0xA6E0] =	vst v20  }
0x304: {  	[tilespmem:s18+$0xA680] =	vst v21;
	v20 =	vld.idx.msk [tilespmem:v6+s20+$0x0 ss:$0x1], $0xffff  }
0x305: {  	[tilespmem:s18+$0xA710] =	vst v22;
	v21 =	vld.idx.msk [tilespmem:v6+s21+$0x0 ss:$0x1], $0xffff  }
0x306: {  	v22 =	vld.idx.msk [tilespmem:v6+s18+$0x0 ss:$0x1], $0xffff;
	[tilespmem:s18+$0xA7F0] =	vst v16  }
0x307: {  	[tilespmem:s18+$0xA720] =	vst v17;
	v16 =	vld.idx.msk [tilespmem:v8+s26+$0x0 ss:$0x1], $0xffff  }
0x308: {  	v17 =	vld.idx.msk [tilespmem:v7+s25+$0x0 ss:$0x1], $0xffff;
	[tilespmem:s18+$0xA730] =	vst v18  }
0x309: {  	v18 =	vld.idx.msk [tilespmem:v7+s23+$0x0 ss:$0x1], $0xffff;
	[tilespmem:s18+$0xA740] =	vst v19  }
0x30a: {  	v19 =	vld.idx.msk [tilespmem:v7+s24+$0x0 ss:$0x1], $0xffff;
	[tilespmem:s18+$0xA750] =	vst v20  }
0x30b: {  	v20 =	vld.idx.msk [tilespmem:v7+s22+$0x0 ss:$0x1], $0xffff;
	[tilespmem:s18+$0xA760] =	vst v21  }
0x30c: {  	[tilespmem:s18+$0xA700] =	vst v22;
	v21 =	vld.idx.msk [tilespmem:v7+s20+$0x0 ss:$0x1], $0xffff  }
0x30d: {  	v22 =	vld.idx.msk [tilespmem:v7+s21+$0x0 ss:$0x1], $0xffff;
	[tilespmem:s18+$0xC470] =	vst v16  }
0x30e: {  	[tilespmem:s18+$0xA790] =	vst v17;
	v16 =	vld.idx.msk [tilespmem:v9+s26+$0x0 ss:$0x1], $0xffff  }
0x30f: {  	v17 =	vld.idx.msk [tilespmem:v7+s18+$0x0 ss:$0x1], $0xffff;
	[tilespmem:s18+$0xA7A0] =	vst v18  }
0x310: {  	v18 =	vld.idx.msk [tilespmem:v8+s25+$0x0 ss:$0x1], $0xffff;
	[tilespmem:s18+$0xA7B0] =	vst v19  }
0x311: {  	v19 =	vld.idx.msk [tilespmem:v8+s23+$0x0 ss:$0x1], $0xffff;
	[tilespmem:s18+$0xA7C0] =	vst v20  }
0x312: {  	v20 =	vld.idx.msk [tilespmem:v8+s24+$0x0 ss:$0x1], $0xffff;
	[tilespmem:s18+$0xA7D0] =	vst v21  }
0x313: {  	v21 =	vld.idx.msk [tilespmem:v8+s22+$0x0 ss:$0x1], $0xffff;
	[tilespmem:s18+$0xA7E0] =	vst v22  }
0x314: {  	v22 =	vld.idx.msk [tilespmem:v8+s20+$0x0 ss:$0x1], $0xffff;
	[tilespmem:s18+$0xC4F0] =	vst v16  }
0x315: {  	[tilespmem:s18+$0xA780] =	vst v17;
	v16 =	vld.idx.msk [tilespmem:v10+s26+$0x0 ss:$0x1], $0xffff  }
0x316: {  	[tilespmem:s18+$0xC410] =	vst v18;
	v17 =	vld.idx.msk [tilespmem:v8+s21+$0x0 ss:$0x1], $0xffff  }
0x317: {  	v18 =	vld.idx.msk [tilespmem:v8+s18+$0x0 ss:$0x1], $0xffff;
	[tilespmem:s18+$0xC420] =	vst v19  }
0x318: {  	v19 =	vld.idx.msk [tilespmem:v9+s25+$0x0 ss:$0x1], $0xffff;
	[tilespmem:s18+$0xC430] =	vst v20  }
0x319: {  	v20 =	vld.idx.msk [tilespmem:v9+s23+$0x0 ss:$0x1], $0xffff;
	[tilespmem:s18+$0xC440] =	vst v21  }
0x31a: {  	v21 =	vld.idx.msk [tilespmem:v9+s24+$0x0 ss:$0x1], $0xffff;
	[tilespmem:s18+$0xC450] =	vst v22  }
0x31b: {  	v22 =	vld.idx.msk [tilespmem:v9+s22+$0x0 ss:$0x1], $0xffff;
	[tilespmem:s18+$0xC570] =	vst v16  }
0x31c: {  	[tilespmem:s18+$0xC460] =	vst v17;
	v16 =	vld.idx.msk [tilespmem:v11+s26+$0x0 ss:$0x1], $0xffff  }
0x31d: {  	[tilespmem:s18+$0xC400] =	vst v18;
	v17 =	vld.idx.msk [tilespmem:v9+s20+$0x0 ss:$0x1], $0xffff  }
0x31e: {  	[tilespmem:s18+$0xC490] =	vst v19;
	v18 =	vld.idx.msk [tilespmem:v9+s21+$0x0 ss:$0x1], $0xffff  }
0x31f: {  	v19 =	vld.idx.msk [tilespmem:v9+s18+$0x0 ss:$0x1], $0xffff;
	[tilespmem:s18+$0xC4A0] =	vst v20  }
0x320: {  	v20 =	vld.idx.msk [tilespmem:v10+s25+$0x0 ss:$0x1], $0xffff;
	[tilespmem:s18+$0xC4B0] =	vst v21  }
0x321: {  	v21 =	vld.idx.msk [tilespmem:v10+s23+$0x0 ss:$0x1], $0xffff;
	[tilespmem:s18+$0xC4C0] =	vst v22  }
0x322: {  	v22 =	vld.idx.msk [tilespmem:v10+s24+$0x0 ss:$0x1], $0xffff;
	[tilespmem:s18+$0xC5F0] =	vst v16  }
0x323: {  	[tilespmem:s18+$0xC4D0] =	vst v17;
	v16 =	vld.idx.msk [tilespmem:v12+s26+$0x0 ss:$0x1], $0xffff  }
0x324: {  	v17 =	vld.idx.msk [tilespmem:v10+s22+$0x0 ss:$0x1], $0xffff;
	[tilespmem:s18+$0xC4E0] =	vst v18  }
0x325: {  	[tilespmem:s18+$0xC480] =	vst v19;
	v18 =	vld.idx.msk [tilespmem:v10+s20+$0x0 ss:$0x1], $0xffff  }
0x326: {  	[tilespmem:s18+$0xC510] =	vst v20;
	v19 =	vld.idx.msk [tilespmem:v10+s21+$0x0 ss:$0x1], $0xffff  }
0x327: {  	v20 =	vld.idx.msk [tilespmem:v10+s18+$0x0 ss:$0x1], $0xffff;
	[tilespmem:s18+$0xC520] =	vst v21  }
0x328: {  	v21 =	vld.idx.msk [tilespmem:v11+s25+$0x0 ss:$0x1], $0xffff;
	[tilespmem:s18+$0xC530] =	vst v22  }
0x329: {  	v22 =	vld.idx.msk [tilespmem:v11+s23+$0x0 ss:$0x1], $0xffff;
	[tilespmem:s18+$0xC670] =	vst v16  }
0x32a: {  	[tilespmem:s18+$0xC540] =	vst v17;
	v16 =	vld.idx.msk [tilespmem:v13+s26+$0x0 ss:$0x1], $0xffff  }
0x32b: {  	v17 =	vld.idx.msk [tilespmem:v11+s24+$0x0 ss:$0x1], $0xffff;
	[tilespmem:s18+$0xC550] =	vst v18  }
0x32c: {  	v18 =	vld.idx.msk [tilespmem:v11+s22+$0x0 ss:$0x1], $0xffff;
	[tilespmem:s18+$0xC560] =	vst v19  }
0x32d: {  	[tilespmem:s18+$0xC500] =	vst v20;
	v19 =	vld.idx.msk [tilespmem:v11+s20+$0x0 ss:$0x1], $0xffff  }
0x32e: {  	[tilespmem:s18+$0xC590] =	vst v21;
	v20 =	vld.idx.msk [tilespmem:v11+s21+$0x0 ss:$0x1], $0xffff  }
0x32f: {  	v21 =	vld.idx.msk [tilespmem:v11+s18+$0x0 ss:$0x1], $0xffff;
	[tilespmem:s18+$0xC5A0] =	vst v22  }
0x330: {  	v22 =	vld.idx.msk [tilespmem:v12+s25+$0x0 ss:$0x1], $0xffff;
	[tilespmem:s18+$0xC6F0] =	vst v16  }
0x331: {  	[tilespmem:s18+$0xC5B0] =	vst v17;
	v16 =	vld.idx.msk [tilespmem:v14+s26+$0x0 ss:$0x1], $0xffff  }
0x332: {  	v17 =	vld.idx.msk [tilespmem:v12+s23+$0x0 ss:$0x1], $0xffff;
	[tilespmem:s18+$0xC5C0] =	vst v18  }
0x333: {  	v18 =	vld.idx.msk [tilespmem:v12+s24+$0x0 ss:$0x1], $0xffff;
	[tilespmem:s18+$0xC5D0] =	vst v19  }
0x334: {  	v19 =	vld.idx.msk [tilespmem:v12+s22+$0x0 ss:$0x1], $0xffff;
	[tilespmem:s18+$0xC5E0] =	vst v20  }
0x335: {  	[tilespmem:s18+$0xC580] =	vst v21;
	v20 =	vld.idx.msk [tilespmem:v12+s20+$0x0 ss:$0x1], $0xffff  }
0x336: {  	[tilespmem:s18+$0xC610] =	vst v22;
	v21 =	vld.idx.msk [tilespmem:v12+s21+$0x0 ss:$0x1], $0xffff  }
0x337: {  	v22 =	vld.idx.msk [tilespmem:v12+s18+$0x0 ss:$0x1], $0xffff;
	[tilespmem:s18+$0xC770] =	vst v16  }
0x338: {  	[tilespmem:s18+$0xC620] =	vst v17;
	v16 =	vld.idx.msk [tilespmem:v15+s26+$0x0 ss:$0x1], $0xffff  }
0x339: {  	v17 =	vld.idx.msk [tilespmem:v13+s25+$0x0 ss:$0x1], $0xffff;
	[tilespmem:s18+$0xC630] =	vst v18  }
0x33a: {  	v18 =	vld.idx.msk [tilespmem:v13+s23+$0x0 ss:$0x1], $0xffff;
	[tilespmem:s18+$0xC640] =	vst v19  }
0x33b: {  	v19 =	vld.idx.msk [tilespmem:v13+s24+$0x0 ss:$0x1], $0xffff;
	[tilespmem:s18+$0xC650] =	vst v20  }
0x33c: {  	v20 =	vld.idx.msk [tilespmem:v13+s22+$0x0 ss:$0x1], $0xffff;
	[tilespmem:s18+$0xC660] =	vst v21  }
0x33d: {  	[tilespmem:s18+$0xC600] =	vst v22;
	v21 =	vld.idx.msk [tilespmem:v13+s20+$0x0 ss:$0x1], $0xffff  }
0x33e: {  	v22 =	vld.idx.msk [tilespmem:v13+s21+$0x0 ss:$0x1], $0xffff;
	[tilespmem:s18+$0xC7F0] =	vst v16  }
0x33f: {  	v16 =	vld.idx.msk [tilespmem:v13+s18+$0x0 ss:$0x1], $0xffff;
	[tilespmem:s18+$0xC690] =	vst v17  }
0x340: {  	v17 =	vld.idx.msk [tilespmem:v14+s25+$0x0 ss:$0x1], $0xffff;
	[tilespmem:s18+$0xC6A0] =	vst v18  }
0x341: {  	v18 =	vld.idx.msk [tilespmem:v14+s23+$0x0 ss:$0x1], $0xffff;
	[tilespmem:s18+$0xC6B0] =	vst v19  }
0x342: {  	v23 =	vld.idx.msk [tilespmem:v14+s24+$0x0 ss:$0x1], $0xffff;
	[tilespmem:s18+$0xC6C0] =	vst v20  }
0x343: {  	v20 =	vld.idx.msk [tilespmem:v14+s22+$0x0 ss:$0x1], $0xffff;
	[tilespmem:s18+$0xC6D0] =	vst v21  }
0x344: {  	v24 =	vld.idx.msk [tilespmem:v14+s20+$0x0 ss:$0x1], $0xffff;
	[tilespmem:s18+$0xC6E0] =	vst v22  }
0x345: {  	[tilespmem:s18+$0xC680] =	vst v16;
	v22 =	vld.idx.msk [tilespmem:v14+s21+$0x0 ss:$0x1], $0xffff  }
0x346: {  	v25 =	vld.idx.msk [tilespmem:v14+s18+$0x0 ss:$0x1], $0xffff;
	[tilespmem:s18+$0xC710] =	vst v17  }
0x347: {  	v21 =	vld.idx.msk [tilespmem:v15+s25+$0x0 ss:$0x1], $0xffff;
	[tilespmem:s18+$0xC720] =	vst v18  }
.Ltmp2:
0x348: {  	v19 =	vld.idx.msk [tilespmem:v15+s23+$0x0 ss:$0x1], $0xffff;
	[tilespmem:s18+$0xC730] =	vst v23;
	(pc) =	sbr.rel @p0 .LBB2_7-.Ltmp2, $4  }
0x349: {  	v16 =	vld.idx.msk [tilespmem:v15+s24+$0x0 ss:$0x1], $0xffff;
	[tilespmem:s18+$0xC740] =	vst v20  }
0x34a: {  	v17 =	vld.idx.msk [tilespmem:v15+s22+$0x0 ss:$0x1], $0xffff;
	[tilespmem:s18+$0xC750] =	vst v24  }
0x34b: {  	v18 =	vld.idx.msk [tilespmem:v15+s20+$0x0 ss:$0x1], $0xffff;
	[tilespmem:s18+$0xC760] =	vst v22  }
0x34c: {  	s19 =	sadd.s32 $0x8, s19;
	[tilespmem:s18+$0xC700] =	vst v25;
	v20 =	vld.idx.msk [tilespmem:v15+s21+$0x0 ss:$0x1], $0xffff  }
0x34d: {  	_ =	sdelay $0x2  }
0x34e: {  	[tilespmem:s18+$0xC790] =	vst v21  }
0x34f: {  	v0 =	vld.idx.msk [tilespmem:v15+s18+$0x0 ss:$0x1], $0xffff;
	[tilespmem:s18+$0xC7A0] =	vst v19  }
0x350: {  	[tilespmem:s18+$0xC7B0] =	vst v16  }
0x351: {  	[tilespmem:s18+$0xC7C0] =	vst v17  }
0x352: {  	[tilespmem:s18+$0xC7D0] =	vst v18  }
0x353: {  	[tilespmem:s18+$0xC7E0] =	vst v20  }
0x354: {  	[tilespmem:s18+$0xC780] =	vst v0  }
0x355: {  	v13 =	vld [tilespmem:s16+$0x30];
	_ =	sdelay $0x4  }
0x356: {  	(v2sf) =	vpush v13, $0x0;
	_ =	sdelay $0x6  }
0x357: {  	(v2sf) =	vpush v13, $0x1;
	_ =	sdelay $0x7  }
0x358: {  	s25 =	spop (v2sf)  }
0x359: {  	(v2sf) =	vpush v13, $0x2;
	s26 =	sshll.u32 s25, $0xA;
	s16 =	sshll.u32 s25, $0x7  }
0x35a: {  	s18 =	sand.u32 $0xFFFFE000, s26;
	s16 =	sand.u32 $0x380, s16  }
0x35b: {  	s16 =	sor.u32 s16, s18  }
0x35c: {  	s16 =	sor.u32 $0x400, s16  }
0x35d: {  	v0 =	vmov s16;
	_ =	sdelay $0x1  }
0x35e: {  	s28 =	spop (v2sf)  }
0x35f: {  	s29 =	sshll.u32 s28, $0xA;
	s19 =	sshll.u32 s28, $0x7  }
0x360: {  	(v2sf) =	vpush v13, $0x3;
	s18 =	sand.u32 $0xFFFFE000, s29;
	s19 =	sand.u32 $0x380, s19;
	s16 =	simm.s32 $0x0  }
0x361: {  	s19 =	sor.u32 s19, s18;
	s24 =	sor.u32 $0x70, s16;
	v2 =	vld.idx.msk [tilespmem:v0+s16+$0x0 ss:$0x1], $0xffff  }
0x362: {  	s20 =	sor.u32 $0x400, s19;
	s18 =	sor.u32 $0x10, s16;
	v3 =	vld.idx.msk [tilespmem:v0+s24+$0x0 ss:$0x1], $0xffff  }
0x363: {  	s19 =	sor.u32 $0x20, s16;
	v1 =	vmov s20;
	v4 =	vld.idx.msk [tilespmem:v0+s18+$0x0 ss:$0x1], $0xffff  }
0x364: {  	s20 =	sor.u32 $0x30, s16;
	v5 =	vld.idx.msk [tilespmem:v0+s19+$0x0 ss:$0x1], $0xffff  }
0x365: {  	s21 =	sor.u32 $0x40, s16;
	v6 =	vld.idx.msk [tilespmem:v0+s20+$0x0 ss:$0x1], $0xffff  }
0x366: {  	s22 =	sor.u32 $0x50, s16;
	v7 =	vld.idx.msk [tilespmem:v0+s21+$0x0 ss:$0x1], $0xffff  }
0x367: {  	v8 =	vld.idx.msk [tilespmem:v0+s22+$0x0 ss:$0x1], $0xffff;
	s23 =	spop (v2sf);
	[tilespmem:s16+$0xE470] =	vst v3  }
0x368: {  	(v2sf) =	vpush v13, $0x4;
	[tilespmem:s16+$0xE410] =	vst v4;
	s25 =	sshll.u32 s23, $0xA;
	s26 =	sshll.u32 s23, $0x7;
	v3 =	vld.idx.msk [tilespmem:v1+s24+$0x0 ss:$0x1], $0xffff  }
0x369: {  	[tilespmem:s16+$0xE400] =	vst v2;
	s23 =	sor.u32 $0x60, s16;
	v4 =	vld.idx.msk [tilespmem:v1+s18+$0x0 ss:$0x1], $0xffff;
	s25 =	sand.u32 $0xFFFFE000, s25;
	s26 =	sand.u32 $0x380, s26  }
0x36a: {  	[tilespmem:s16+$0xE420] =	vst v5;
	v9 =	vld.idx.msk [tilespmem:v0+s23+$0x0 ss:$0x1], $0xffff;
	s25 =	sor.u32 s26, s25  }
0x36b: {  	[tilespmem:s16+$0xE430] =	vst v6;
	v5 =	vld.idx.msk [tilespmem:v1+s19+$0x0 ss:$0x1], $0xffff;
	s25 =	sor.u32 $0x400, s25  }
0x36c: {  	[tilespmem:s16+$0xE440] =	vst v7;
	v6 =	vld.idx.msk [tilespmem:v1+s20+$0x0 ss:$0x1], $0xffff;
	v2 =	vmov s25  }
0x36d: {  	[tilespmem:s16+$0xE450] =	vst v8;
	v7 =	vld.idx.msk [tilespmem:v1+s21+$0x0 ss:$0x1], $0xffff  }
0x36e: {  	v8 =	vld.idx.msk [tilespmem:v1+s22+$0x0 ss:$0x1], $0xffff;
	[tilespmem:s16+$0xE4F0] =	vst v3  }
0x36f: {  	s30 =	spop (v2sf);
	v10 =	vld.idx.msk [tilespmem:v1+s16+$0x0 ss:$0x1], $0xffff;
	[tilespmem:s16+$0xE460] =	vst v9  }
0x370: {  	(v2sf) =	vpush v13, $0x5;
	s31 =	sshll.u32 s30, $0xA;
	s25 =	sshll.u32 s30, $0x7;
	[tilespmem:s16+$0xE490] =	vst v4;
	v9 =	vld.idx.msk [tilespmem:v1+s23+$0x0 ss:$0x1], $0xffff  }
0x371: {  	s26 =	sand.u32 $0xFFFFE000, s31;
	s25 =	sand.u32 $0x380, s25;
	[tilespmem:s16+$0xE4A0] =	vst v5;
	v4 =	vld.idx.msk [tilespmem:v2+s24+$0x0 ss:$0x1], $0xffff  }
0x372: {  	[tilespmem:s16+$0xE4B0] =	vst v6;
	s25 =	sor.u32 s25, s26;
	v5 =	vld.idx.msk [tilespmem:v2+s18+$0x0 ss:$0x1], $0xffff  }
0x373: {  	[tilespmem:s16+$0xE4C0] =	vst v7;
	s25 =	sor.u32 $0x400, s25;
	v6 =	vld.idx.msk [tilespmem:v2+s19+$0x0 ss:$0x1], $0xffff  }
0x374: {  	[tilespmem:s16+$0xE4D0] =	vst v8;
	v3 =	vmov s25;
	v7 =	vld.idx.msk [tilespmem:v2+s20+$0x0 ss:$0x1], $0xffff  }
0x375: {  	[tilespmem:s16+$0xE480] =	vst v10;
	v8 =	vld.idx.msk [tilespmem:v2+s21+$0x0 ss:$0x1], $0xffff  }
0x376: {  	v11 =	vld.idx.msk [tilespmem:v2+s16+$0x0 ss:$0x1], $0xffff;
	[tilespmem:s16+$0xE4E0] =	vst v9  }
0x377: {  	s28 =	spop (v2sf);
	v9 =	vld.idx.msk [tilespmem:v2+s22+$0x0 ss:$0x1], $0xffff;
	[tilespmem:s16+$0xE570] =	vst v4  }
0x378: {  	(v2sf) =	vpush v13, $0x6;
	s29 =	sshll.u32 s28, $0xA;
	s25 =	sshll.u32 s28, $0x7;
	[tilespmem:s16+$0xE510] =	vst v5;
	v5 =	vld.idx.msk [tilespmem:v2+s23+$0x0 ss:$0x1], $0xffff  }
0x379: {  	s26 =	sand.u32 $0xFFFFE000, s29;
	s25 =	sand.u32 $0x380, s25;
	[tilespmem:s16+$0xE520] =	vst v6;
	v10 =	vld.idx.msk [tilespmem:v3+s24+$0x0 ss:$0x1], $0xffff  }
0x37a: {  	s25 =	sor.u32 s25, s26;
	[tilespmem:s16+$0xE530] =	vst v7;
	v6 =	vld.idx.msk [tilespmem:v3+s18+$0x0 ss:$0x1], $0xffff  }
0x37b: {  	s25 =	sor.u32 $0x400, s25;
	[tilespmem:s16+$0xE540] =	vst v8;
	v7 =	vld.idx.msk [tilespmem:v3+s19+$0x0 ss:$0x1], $0xffff  }
0x37c: {  	v4 =	vmov s25;
	[tilespmem:s16+$0xE500] =	vst v11;
	v8 =	vld.idx.msk [tilespmem:v3+s20+$0x0 ss:$0x1], $0xffff  }
0x37d: {  	v12 =	vld.idx.msk [tilespmem:v3+s16+$0x0 ss:$0x1], $0xffff;
	[tilespmem:s16+$0xE550] =	vst v9  }
0x37e: {  	v9 =	vld.idx.msk [tilespmem:v3+s21+$0x0 ss:$0x1], $0xffff;
	[tilespmem:s16+$0xE560] =	vst v5  }
0x37f: {  	s30 =	spop (v2sf);
	v11 =	vld.idx.msk [tilespmem:v3+s22+$0x0 ss:$0x1], $0xffff;
	[tilespmem:s16+$0xE5F0] =	vst v10  }
0x380: {  	(v2sf) =	vpush v13, $0x7;
	s31 =	sshll.u32 s30, $0xA;
	s25 =	sshll.u32 s30, $0x7;
	[tilespmem:s16+$0xE590] =	vst v6;
	v6 =	vld.idx.msk [tilespmem:v3+s23+$0x0 ss:$0x1], $0xffff  }
0x381: {  	s26 =	sand.u32 $0xFFFFE000, s31;
	s25 =	sand.u32 $0x380, s25;
	[tilespmem:s16+$0xE5A0] =	vst v7;
	v10 =	vld.idx.msk [tilespmem:v4+s24+$0x0 ss:$0x1], $0xffff  }
0x382: {  	s25 =	sor.u32 s25, s26;
	[tilespmem:s16+$0xE5B0] =	vst v8;
	v7 =	vld.idx.msk [tilespmem:v4+s18+$0x0 ss:$0x1], $0xffff  }
0x383: {  	s25 =	sor.u32 $0x400, s25;
	[tilespmem:s16+$0xE580] =	vst v12;
	v8 =	vld.idx.msk [tilespmem:v4+s19+$0x0 ss:$0x1], $0xffff  }
0x384: {  	v5 =	vmov s25;
	v15 =	vld.idx.msk [tilespmem:v4+s16+$0x0 ss:$0x1], $0xffff;
	[tilespmem:s16+$0xE5C0] =	vst v9  }
0x385: {  	v9 =	vld.idx.msk [tilespmem:v4+s20+$0x0 ss:$0x1], $0xffff;
	[tilespmem:s16+$0xE5D0] =	vst v11  }
0x386: {  	v11 =	vld.idx.msk [tilespmem:v4+s21+$0x0 ss:$0x1], $0xffff;
	[tilespmem:s16+$0xE5E0] =	vst v6  }
0x387: {  	s28 =	spop (v2sf);
	v12 =	vld.idx.msk [tilespmem:v4+s22+$0x0 ss:$0x1], $0xffff;
	[tilespmem:s16+$0xE670] =	vst v10  }
0x388: {  	(v2sf) =	vpush v13, $0x8;
	s29 =	sshll.u32 s28, $0xA;
	s25 =	sshll.u32 s28, $0x7;
	[tilespmem:s16+$0xE610] =	vst v7;
	v14 =	vld.idx.msk [tilespmem:v4+s23+$0x0 ss:$0x1], $0xffff  }
0x389: {  	s26 =	sand.u32 $0xFFFFE000, s29;
	s25 =	sand.u32 $0x380, s25;
	[tilespmem:s16+$0xE620] =	vst v8;
	v10 =	vld.idx.msk [tilespmem:v5+s24+$0x0 ss:$0x1], $0xffff  }
0x38a: {  	s25 =	sor.u32 s25, s26;
	[tilespmem:s16+$0xE600] =	vst v15;
	v8 =	vld.idx.msk [tilespmem:v5+s18+$0x0 ss:$0x1], $0xffff  }
0x38b: {  	s25 =	sor.u32 $0x400, s25;
	[tilespmem:s16+$0xE630] =	vst v9;
	v9 =	vld.idx.msk [tilespmem:v5+s19+$0x0 ss:$0x1], $0xffff  }
0x38c: {  	v6 =	vmov s25;
	v16 =	vld.idx.msk [tilespmem:v5+s16+$0x0 ss:$0x1], $0xffff;
	[tilespmem:s16+$0xE640] =	vst v11  }
0x38d: {  	v11 =	vld.idx.msk [tilespmem:v5+s20+$0x0 ss:$0x1], $0xffff;
	[tilespmem:s16+$0xE650] =	vst v12  }
0x38e: {  	v12 =	vld.idx.msk [tilespmem:v5+s21+$0x0 ss:$0x1], $0xffff;
	[tilespmem:s16+$0xE660] =	vst v14  }
0x38f: {  	s30 =	spop (v2sf);
	v14 =	vld.idx.msk [tilespmem:v5+s22+$0x0 ss:$0x1], $0xffff;
	[tilespmem:s16+$0xE6F0] =	vst v10  }
0x390: {  	(v2sf) =	vpush v13, $0x9;
	s31 =	sshll.u32 s30, $0xA;
	s25 =	sshll.u32 s30, $0x7;
	[tilespmem:s16+$0xE690] =	vst v8;
	v15 =	vld.idx.msk [tilespmem:v5+s23+$0x0 ss:$0x1], $0xffff  }
0x391: {  	s26 =	sand.u32 $0xFFFFE000, s31;
	s25 =	sand.u32 $0x380, s25;
	[tilespmem:s16+$0xE6A0] =	vst v9;
	v10 =	vld.idx.msk [tilespmem:v6+s24+$0x0 ss:$0x1], $0xffff  }
0x392: {  	s25 =	sor.u32 s25, s26;
	[tilespmem:s16+$0xE680] =	vst v16;
	v9 =	vld.idx.msk [tilespmem:v6+s18+$0x0 ss:$0x1], $0xffff  }
0x393: {  	s25 =	sor.u32 $0x400, s25;
	[tilespmem:s16+$0xE6B0] =	vst v11;
	v11 =	vld.idx.msk [tilespmem:v6+s19+$0x0 ss:$0x1], $0xffff  }
0x394: {  	v7 =	vmov s25;
	v17 =	vld.idx.msk [tilespmem:v6+s16+$0x0 ss:$0x1], $0xffff;
	[tilespmem:s16+$0xE6C0] =	vst v12  }
0x395: {  	v12 =	vld.idx.msk [tilespmem:v6+s20+$0x0 ss:$0x1], $0xffff;
	[tilespmem:s16+$0xE6D0] =	vst v14  }
0x396: {  	v14 =	vld.idx.msk [tilespmem:v6+s21+$0x0 ss:$0x1], $0xffff;
	[tilespmem:s16+$0xE6E0] =	vst v15  }
0x397: {  	s28 =	spop (v2sf);
	v15 =	vld.idx.msk [tilespmem:v6+s22+$0x0 ss:$0x1], $0xffff;
	[tilespmem:s16+$0xE770] =	vst v10  }
0x398: {  	(v2sf) =	vpush v13, $0xA;
	s29 =	sshll.u32 s28, $0xA;
	s25 =	sshll.u32 s28, $0x7;
	[tilespmem:s16+$0xE710] =	vst v9;
	v16 =	vld.idx.msk [tilespmem:v6+s23+$0x0 ss:$0x1], $0xffff  }
0x399: {  	s26 =	sand.u32 $0xFFFFE000, s29;
	s25 =	sand.u32 $0x380, s25;
	[tilespmem:s16+$0xE720] =	vst v11;
	v10 =	vld.idx.msk [tilespmem:v7+s24+$0x0 ss:$0x1], $0xffff  }
0x39a: {  	s25 =	sor.u32 s25, s26;
	[tilespmem:s16+$0xE700] =	vst v17;
	v11 =	vld.idx.msk [tilespmem:v7+s18+$0x0 ss:$0x1], $0xffff  }
0x39b: {  	s25 =	sor.u32 $0x400, s25;
	[tilespmem:s16+$0xE730] =	vst v12;
	v12 =	vld.idx.msk [tilespmem:v7+s19+$0x0 ss:$0x1], $0xffff  }
0x39c: {  	v8 =	vmov s25;
	v18 =	vld.idx.msk [tilespmem:v7+s16+$0x0 ss:$0x1], $0xffff;
	[tilespmem:s16+$0xE740] =	vst v14  }
0x39d: {  	v14 =	vld.idx.msk [tilespmem:v7+s20+$0x0 ss:$0x1], $0xffff;
	[tilespmem:s16+$0xE750] =	vst v15  }
0x39e: {  	(v2sf) =	vpush v13, $0xB;
	v15 =	vld.idx.msk [tilespmem:v7+s21+$0x0 ss:$0x1], $0xffff;
	[tilespmem:s16+$0xE760] =	vst v16  }
0x39f: {  	s30 =	spop (v2sf);
	v16 =	vld.idx.msk [tilespmem:v7+s22+$0x0 ss:$0x1], $0xffff;
	[tilespmem:s16+$0xE7F0] =	vst v10  }
0x3a0: {  	s31 =	sshll.u32 s30, $0xA;
	s25 =	sshll.u32 s30, $0x7;
	v17 =	vld.idx.msk [tilespmem:v7+s23+$0x0 ss:$0x1], $0xffff;
	[tilespmem:s16+$0xE790] =	vst v11  }
0x3a1: {  	s26 =	sand.u32 $0xFFFFE000, s31;
	s25 =	sand.u32 $0x380, s25;
	[tilespmem:s16+$0xE7A0] =	vst v12;
	v10 =	vld.idx.msk [tilespmem:v8+s24+$0x0 ss:$0x1], $0xffff  }
0x3a2: {  	s25 =	sor.u32 s25, s26;
	[tilespmem:s16+$0xE780] =	vst v18;
	v12 =	vld.idx.msk [tilespmem:v8+s18+$0x0 ss:$0x1], $0xffff  }
0x3a3: {  	s25 =	sor.u32 $0x400, s25;
	v19 =	vld.idx.msk [tilespmem:v8+s16+$0x0 ss:$0x1], $0xffff;
	[tilespmem:s16+$0xE7B0] =	vst v14  }
0x3a4: {  	(v2sf) =	vpush v13, $0xC;
	v9 =	vmov s25;
	v14 =	vld.idx.msk [tilespmem:v8+s19+$0x0 ss:$0x1], $0xffff;
	[tilespmem:s16+$0xE7C0] =	vst v15  }
0x3a5: {  	v15 =	vld.idx.msk [tilespmem:v8+s20+$0x0 ss:$0x1], $0xffff;
	[tilespmem:s16+$0xE7D0] =	vst v16  }
0x3a6: {  	v16 =	vld.idx.msk [tilespmem:v8+s21+$0x0 ss:$0x1], $0xffff;
	[tilespmem:s16+$0xE7E0] =	vst v17  }
0x3a7: {  	s28 =	spop (v2sf);
	v17 =	vld.idx.msk [tilespmem:v8+s22+$0x0 ss:$0x1], $0xffff;
	[tilespmem:s16+$0x10470] =	vst v10  }
0x3a8: {  	s29 =	sshll.u32 s28, $0xA;
	s25 =	sshll.u32 s28, $0x7;
	[tilespmem:s16+$0x10410] =	vst v12;
	v12 =	vld.idx.msk [tilespmem:v8+s23+$0x0 ss:$0x1], $0xffff  }
0x3a9: {  	s26 =	sand.u32 $0xFFFFE000, s29;
	s25 =	sand.u32 $0x380, s25;
	[tilespmem:s16+$0x10400] =	vst v19;
	v11 =	vld.idx.msk [tilespmem:v9+s24+$0x0 ss:$0x1], $0xffff  }
0x3aa: {  	(v2sf) =	vpush v13, $0xD;
	s25 =	sor.u32 s25, s26;
	[tilespmem:s16+$0x10420] =	vst v14;
	v14 =	vld.idx.msk [tilespmem:v9+s18+$0x0 ss:$0x1], $0xffff  }
0x3ab: {  	s25 =	sor.u32 $0x400, s25;
	v20 =	vld.idx.msk [tilespmem:v9+s16+$0x0 ss:$0x1], $0xffff;
	[tilespmem:s16+$0x10430] =	vst v15  }
0x3ac: {  	v10 =	vmov s25;
	v15 =	vld.idx.msk [tilespmem:v9+s19+$0x0 ss:$0x1], $0xffff;
	[tilespmem:s16+$0x10440] =	vst v16  }
0x3ad: {  	s30 =	spop (v2sf);
	v16 =	vld.idx.msk [tilespmem:v9+s20+$0x0 ss:$0x1], $0xffff;
	[tilespmem:s16+$0x10450] =	vst v17  }
0x3ae: {  	s31 =	sshll.u32 s30, $0xA;
	s25 =	sshll.u32 s30, $0x7;
	v17 =	vld.idx.msk [tilespmem:v9+s21+$0x0 ss:$0x1], $0xffff;
	[tilespmem:s16+$0x10460] =	vst v12  }
0x3af: {  	s26 =	sand.u32 $0xFFFFE000, s31;
	s25 =	sand.u32 $0x380, s25;
	v19 =	vld.idx.msk [tilespmem:v9+s22+$0x0 ss:$0x1], $0xffff;
	[tilespmem:s16+$0x104F0] =	vst v11  }
0x3b0: {  	(v2sf) =	vpush v13, $0xE;
	s25 =	sor.u32 s25, s26;
	[tilespmem:s16+$0x10490] =	vst v14;
	v14 =	vld.idx.msk [tilespmem:v9+s23+$0x0 ss:$0x1], $0xffff  }
0x3b1: {  	s25 =	sor.u32 $0x400, s25;
	[tilespmem:s16+$0x10480] =	vst v20;
	v18 =	vld.idx.msk [tilespmem:v10+s24+$0x0 ss:$0x1], $0xffff  }
0x3b2: {  	v11 =	vmov s25;
	[tilespmem:s16+$0x104A0] =	vst v15;
	v15 =	vld.idx.msk [tilespmem:v10+s18+$0x0 ss:$0x1], $0xffff  }
0x3b3: {  	s28 =	spop (v2sf);
	v20 =	vld.idx.msk [tilespmem:v10+s16+$0x0 ss:$0x1], $0xffff;
	[tilespmem:s16+$0x104B0] =	vst v16  }
0x3b4: {  	s29 =	sshll.u32 s28, $0xA;
	s25 =	sshll.u32 s28, $0x7;
	v16 =	vld.idx.msk [tilespmem:v10+s19+$0x0 ss:$0x1], $0xffff;
	[tilespmem:s16+$0x104C0] =	vst v17  }
0x3b5: {  	s26 =	sand.u32 $0xFFFFE000, s29;
	s25 =	sand.u32 $0x380, s25;
	v17 =	vld.idx.msk [tilespmem:v10+s20+$0x0 ss:$0x1], $0xffff;
	[tilespmem:s16+$0x104D0] =	vst v19  }
0x3b6: {  	(v2sf) =	vpush v13, $0xF;
	s25 =	sor.u32 s25, s26;
	v19 =	vld.idx.msk [tilespmem:v10+s21+$0x0 ss:$0x1], $0xffff;
	[tilespmem:s16+$0x10570] =	vst v18  }
0x3b7: {  	s25 =	sor.u32 $0x400, s25;
	[tilespmem:s16+$0x104E0] =	vst v14;
	v18 =	vld.idx.msk [tilespmem:v11+s24+$0x0 ss:$0x1], $0xffff  }
0x3b8: {  	v12 =	vmov s25;
	v14 =	vld.idx.msk [tilespmem:v10+s22+$0x0 ss:$0x1], $0xffff;
	[tilespmem:s16+$0x10510] =	vst v15  }
0x3b9: {  	s30 =	spop (v2sf);
	v15 =	vld.idx.msk [tilespmem:v10+s23+$0x0 ss:$0x1], $0xffff;
	[tilespmem:s16+$0x10500] =	vst v20  }
0x3ba: {  	s31 =	sshll.u32 s30, $0xA;
	s25 =	sshll.u32 s30, $0x7;
	[tilespmem:s16+$0x10520] =	vst v16;
	v16 =	vld.idx.msk [tilespmem:v11+s18+$0x0 ss:$0x1], $0xffff  }
0x3bb: {  	s26 =	sand.u32 $0xFFFFE000, s31;
	s25 =	sand.u32 $0x380, s25;
	v22 =	vld.idx.msk [tilespmem:v11+s16+$0x0 ss:$0x1], $0xffff;
	[tilespmem:s16+$0x10530] =	vst v17  }
0x3bc: {  	s25 =	sor.u32 s25, s26;
	v17 =	vld.idx.msk [tilespmem:v11+s19+$0x0 ss:$0x1], $0xffff;
	[tilespmem:s16+$0x105F0] =	vst v18  }
0x3bd: {  	s25 =	sor.u32 $0x400, s25;
	[tilespmem:s16+$0x10540] =	vst v19;
	v18 =	vld.idx.msk [tilespmem:v12+s24+$0x0 ss:$0x1], $0xffff  }
0x3be: {  	v13 =	vmov s25;
	v19 =	vld.idx.msk [tilespmem:v11+s20+$0x0 ss:$0x1], $0xffff;
	[tilespmem:s16+$0x10550] =	vst v14  }
0x3bf: {  	s28 =	spop (v2sf);
	v21 =	vld.idx.msk [tilespmem:v11+s21+$0x0 ss:$0x1], $0xffff;
	[tilespmem:s16+$0x10560] =	vst v15  }
0x3c0: {  	s29 =	sshll.u32 s28, $0xA;
	s25 =	sshll.u32 s28, $0x7;
	v20 =	vld.idx.msk [tilespmem:v11+s22+$0x0 ss:$0x1], $0xffff;
	[tilespmem:s16+$0x10590] =	vst v16  }
0x3c1: {  	s26 =	sand.u32 $0xFFFFE000, s29;
	s25 =	sand.u32 $0x380, s25;
	v16 =	vld.idx.msk [tilespmem:v11+s23+$0x0 ss:$0x1], $0xffff;
	[tilespmem:s16+$0x105A0] =	vst v17  }
0x3c2: {  	s25 =	sor.u32 s25, s26;
	v17 =	vld.idx.msk [tilespmem:v12+s18+$0x0 ss:$0x1], $0xffff;
	[tilespmem:s16+$0x10670] =	vst v18  }
0x3c3: {  	s25 =	sor.u32 $0x400, s25;
	[tilespmem:s16+$0x10580] =	vst v22;
	v18 =	vld.idx.msk [tilespmem:v13+s24+$0x0 ss:$0x1], $0xffff  }
0x3c4: {  	v14 =	vmov s25;
	v22 =	vld.idx.msk [tilespmem:v12+s16+$0x0 ss:$0x1], $0xffff;
	[tilespmem:s16+$0x105B0] =	vst v19  }
0x3c5: {  	s30 =	spop (v2sf);
	v19 =	vld.idx.msk [tilespmem:v12+s19+$0x0 ss:$0x1], $0xffff;
	[tilespmem:s16+$0x105C0] =	vst v21  }
0x3c6: {  	s31 =	sshll.u32 s30, $0xA;
	s25 =	sshll.u32 s30, $0x7;
	v21 =	vld.idx.msk [tilespmem:v12+s20+$0x0 ss:$0x1], $0xffff;
	[tilespmem:s16+$0x105D0] =	vst v20  }
0x3c7: {  	s26 =	sand.u32 $0xFFFFE000, s31;
	s25 =	sand.u32 $0x380, s25;
	v20 =	vld.idx.msk [tilespmem:v12+s21+$0x0 ss:$0x1], $0xffff;
	[tilespmem:s16+$0x105E0] =	vst v16  }
0x3c8: {  	s25 =	sor.u32 s25, s26;
	v16 =	vld.idx.msk [tilespmem:v12+s22+$0x0 ss:$0x1], $0xffff;
	[tilespmem:s16+$0x106F0] =	vst v18  }
0x3c9: {  	s25 =	sor.u32 $0x400, s25;
	[tilespmem:s16+$0x10610] =	vst v17;
	v18 =	vld.idx.msk [tilespmem:v14+s24+$0x0 ss:$0x1], $0xffff  }
0x3ca: {  	v15 =	vmov s25;
	v17 =	vld.idx.msk [tilespmem:v12+s23+$0x0 ss:$0x1], $0xffff;
	[tilespmem:s16+$0x10620] =	vst v19  }
0x3cb: {  	v19 =	vld.idx.msk [tilespmem:v13+s18+$0x0 ss:$0x1], $0xffff;
	[tilespmem:s16+$0x10630] =	vst v21  }
0x3cc: {  	v21 =	vld.idx.msk [tilespmem:v13+s19+$0x0 ss:$0x1], $0xffff;
	[tilespmem:s16+$0x10640] =	vst v20  }
0x3cd: {  	v20 =	vld.idx.msk [tilespmem:v13+s20+$0x0 ss:$0x1], $0xffff;
	[tilespmem:s16+$0x10650] =	vst v16  }
0x3ce: {  	v16 =	vld.idx.msk [tilespmem:v13+s21+$0x0 ss:$0x1], $0xffff;
	[tilespmem:s16+$0x10770] =	vst v18  }
0x3cf: {  	[tilespmem:s16+$0x10600] =	vst v22;
	v18 =	vld.idx.msk [tilespmem:v15+s24+$0x0 ss:$0x1], $0xffff  }
0x3d0: {  	[tilespmem:s16+$0x10660] =	vst v17;
	v17 =	vld.idx.msk [tilespmem:v13+s22+$0x0 ss:$0x1], $0xffff  }
0x3d1: {  	v22 =	vld.idx.msk [tilespmem:v13+s23+$0x0 ss:$0x1], $0xffff;
	[tilespmem:s16+$0x10690] =	vst v19  }
0x3d2: {  	v19 =	vld.idx.msk [tilespmem:v14+s18+$0x0 ss:$0x1], $0xffff;
	[tilespmem:s16+$0x106A0] =	vst v21  }
0x3d3: {  	v23 =	vld.idx.msk [tilespmem:v14+s19+$0x0 ss:$0x1], $0xffff;
	[tilespmem:s16+$0x106B0] =	vst v20  }
0x3d4: {  	[tilespmem:s16+$0x107F0] =	vst v18;
	v18 =	vld.idx.msk [tilespmem:v13+s16+$0x0 ss:$0x1], $0xffff  }
0x3d5: {  	v20 =	vld.idx.msk [tilespmem:v14+s20+$0x0 ss:$0x1], $0xffff;
	[tilespmem:s16+$0x106C0] =	vst v16  }
0x3d6: {  	v24 =	vld.idx.msk [tilespmem:v14+s21+$0x0 ss:$0x1], $0xffff;
	[tilespmem:s16+$0x106D0] =	vst v17  }
0x3d7: {  	v25 =	vld.idx.msk [tilespmem:v14+s22+$0x0 ss:$0x1], $0xffff;
	[tilespmem:s16+$0x106E0] =	vst v22  }
0x3d8: {  	v22 =	vld.idx.msk [tilespmem:v14+s23+$0x0 ss:$0x1], $0xffff;
	[tilespmem:s16+$0x10710] =	vst v19  }
0x3d9: {  	v21 =	vld.idx.msk [tilespmem:v15+s18+$0x0 ss:$0x1], $0xffff;
	[tilespmem:s16+$0x10680] =	vst v18  }
0x3da: {  	[tilespmem:s16+$0x10720] =	vst v23;
	v26 =	vld.idx.msk [tilespmem:v14+s16+$0x0 ss:$0x1], $0xffff  }
0x3db: {  	v19 =	vld.idx.msk [tilespmem:v15+s19+$0x0 ss:$0x1], $0xffff;
	[tilespmem:s16+$0x10730] =	vst v20  }
0x3dc: {  	v16 =	vld.idx.msk [tilespmem:v15+s20+$0x0 ss:$0x1], $0xffff;
	[tilespmem:s16+$0x10740] =	vst v24  }
0x3dd: {  	v17 =	vld.idx.msk [tilespmem:v15+s21+$0x0 ss:$0x1], $0xffff;
	[tilespmem:s16+$0x10760] =	vst v22  }
0x3de: {  	[tilespmem:s16+$0x10750] =	vst v25;
	v20 =	vld.idx.msk [tilespmem:v15+s23+$0x0 ss:$0x1], $0xffff  }
0x3df: {  	s18 =	simm.s32 $0x8;
	v18 =	vld.idx.msk [tilespmem:v15+s22+$0x0 ss:$0x1], $0xffff;
	[tilespmem:s16+$0x10700] =	vst v26  }
.LBB2_9:
0x3e0: {  	s26 =	sshll.u32 s18, $0x7;
	p0 =	slt.u32 s18, $0x38;
	v22 =	vld.idx.msk [tilespmem:v15+s16+$0x0 ss:$0x1], $0xffff;
	[tilespmem:s16+$0x10790] =	vst v21  }
0x3e1: {  	v21 =	vld.idx.msk [tilespmem:v0+s26+$0x0 ss:$0x1], $0xffff;
	s24 =	sor.u32 $0x10, s26;
	s22 =	sor.u32 $0x20, s26;
	s25 =	sor.u32 $0x70, s26;
	[tilespmem:s16+$0x107A0] =	vst v19  }
0x3e2: {  	s23 =	sor.u32 $0x30, s26;
	s21 =	sor.u32 $0x40, s26;
	s19 =	sor.u32 $0x50, s26;
	v19 =	vld.idx.msk [tilespmem:v0+s25+$0x0 ss:$0x1], $0xffff;
	[tilespmem:s16+$0x107B0] =	vst v16  }
0x3e3: {  	s20 =	sor.u32 $0x60, s26;
	v16 =	vld.idx.msk [tilespmem:v0+s24+$0x0 ss:$0x1], $0xffff;
	[tilespmem:s16+$0x107C0] =	vst v17  }
0x3e4: {  	v17 =	vld.idx.msk [tilespmem:v0+s22+$0x0 ss:$0x1], $0xffff;
	[tilespmem:s16+$0x107D0] =	vst v18  }
0x3e5: {  	v18 =	vld.idx.msk [tilespmem:v0+s23+$0x0 ss:$0x1], $0xffff;
	[tilespmem:s16+$0x107E0] =	vst v20  }
0x3e6: {  	v20 =	vld.idx.msk [tilespmem:v0+s21+$0x0 ss:$0x1], $0xffff;
	[tilespmem:s16+$0x10780] =	vst v22;
	s16 =	smov.u32 s26  }
0x3e7: {  	[tilespmem:s16+$0xE400] =	vst v21;
	v21 =	vld.idx.msk [tilespmem:v0+s19+$0x0 ss:$0x1], $0xffff  }
0x3e8: {  	v22 =	vld.idx.msk [tilespmem:v0+s20+$0x0 ss:$0x1], $0xffff;
	[tilespmem:s16+$0xE470] =	vst v19  }
0x3e9: {  	[tilespmem:s16+$0xE410] =	vst v16;
	v16 =	vld.idx.msk [tilespmem:v1+s25+$0x0 ss:$0x1], $0xffff  }
0x3ea: {  	v19 =	vld.idx.msk [tilespmem:v1+s24+$0x0 ss:$0x1], $0xffff;
	[tilespmem:s16+$0xE420] =	vst v17  }
0x3eb: {  	v17 =	vld.idx.msk [tilespmem:v1+s22+$0x0 ss:$0x1], $0xffff;
	[tilespmem:s16+$0xE430] =	vst v18  }
0x3ec: {  	v18 =	vld.idx.msk [tilespmem:v1+s23+$0x0 ss:$0x1], $0xffff;
	[tilespmem:s16+$0xE440] =	vst v20  }
0x3ed: {  	v20 =	vld.idx.msk [tilespmem:v1+s21+$0x0 ss:$0x1], $0xffff;
	[tilespmem:s16+$0xE450] =	vst v21  }
0x3ee: {  	v21 =	vld.idx.msk [tilespmem:v1+s19+$0x0 ss:$0x1], $0xffff;
	[tilespmem:s16+$0xE460] =	vst v22  }
0x3ef: {  	v22 =	vld.idx.msk [tilespmem:v1+s20+$0x0 ss:$0x1], $0xffff;
	[tilespmem:s16+$0xE4F0] =	vst v16  }
0x3f0: {  	[tilespmem:s16+$0xE490] =	vst v19;
	v16 =	vld.idx.msk [tilespmem:v2+s25+$0x0 ss:$0x1], $0xffff  }
0x3f1: {  	v19 =	vld.idx.msk [tilespmem:v1+s16+$0x0 ss:$0x1], $0xffff;
	[tilespmem:s16+$0xE4A0] =	vst v17  }
0x3f2: {  	v17 =	vld.idx.msk [tilespmem:v2+s24+$0x0 ss:$0x1], $0xffff;
	[tilespmem:s16+$0xE4B0] =	vst v18  }
0x3f3: {  	v18 =	vld.idx.msk [tilespmem:v2+s22+$0x0 ss:$0x1], $0xffff;
	[tilespmem:s16+$0xE4C0] =	vst v20  }
0x3f4: {  	v20 =	vld.idx.msk [tilespmem:v2+s23+$0x0 ss:$0x1], $0xffff;
	[tilespmem:s16+$0xE4D0] =	vst v21  }
0x3f5: {  	v21 =	vld.idx.msk [tilespmem:v2+s21+$0x0 ss:$0x1], $0xffff;
	[tilespmem:s16+$0xE4E0] =	vst v22  }
0x3f6: {  	v22 =	vld.idx.msk [tilespmem:v2+s19+$0x0 ss:$0x1], $0xffff;
	[tilespmem:s16+$0xE570] =	vst v16  }
0x3f7: {  	[tilespmem:s16+$0xE480] =	vst v19;
	v16 =	vld.idx.msk [tilespmem:v3+s25+$0x0 ss:$0x1], $0xffff  }
0x3f8: {  	[tilespmem:s16+$0xE510] =	vst v17;
	v17 =	vld.idx.msk [tilespmem:v2+s20+$0x0 ss:$0x1], $0xffff  }
0x3f9: {  	v19 =	vld.idx.msk [tilespmem:v2+s16+$0x0 ss:$0x1], $0xffff;
	[tilespmem:s16+$0xE520] =	vst v18  }
0x3fa: {  	v18 =	vld.idx.msk [tilespmem:v3+s24+$0x0 ss:$0x1], $0xffff;
	[tilespmem:s16+$0xE530] =	vst v20  }
0x3fb: {  	v20 =	vld.idx.msk [tilespmem:v3+s22+$0x0 ss:$0x1], $0xffff;
	[tilespmem:s16+$0xE540] =	vst v21  }
0x3fc: {  	v21 =	vld.idx.msk [tilespmem:v3+s23+$0x0 ss:$0x1], $0xffff;
	[tilespmem:s16+$0xE550] =	vst v22  }
0x3fd: {  	v22 =	vld.idx.msk [tilespmem:v3+s21+$0x0 ss:$0x1], $0xffff;
	[tilespmem:s16+$0xE5F0] =	vst v16  }
0x3fe: {  	[tilespmem:s16+$0xE560] =	vst v17;
	v16 =	vld.idx.msk [tilespmem:v4+s25+$0x0 ss:$0x1], $0xffff  }
0x3ff: {  	[tilespmem:s16+$0xE500] =	vst v19;
	v17 =	vld.idx.msk [tilespmem:v3+s19+$0x0 ss:$0x1], $0xffff  }
0x400: {  	[tilespmem:s16+$0xE590] =	vst v18;
	v18 =	vld.idx.msk [tilespmem:v3+s20+$0x0 ss:$0x1], $0xffff  }
0x401: {  	v19 =	vld.idx.msk [tilespmem:v3+s16+$0x0 ss:$0x1], $0xffff;
	[tilespmem:s16+$0xE5A0] =	vst v20  }
0x402: {  	v20 =	vld.idx.msk [tilespmem:v4+s24+$0x0 ss:$0x1], $0xffff;
	[tilespmem:s16+$0xE5B0] =	vst v21  }
0x403: {  	v21 =	vld.idx.msk [tilespmem:v4+s22+$0x0 ss:$0x1], $0xffff;
	[tilespmem:s16+$0xE5C0] =	vst v22  }
0x404: {  	v22 =	vld.idx.msk [tilespmem:v4+s23+$0x0 ss:$0x1], $0xffff;
	[tilespmem:s16+$0xE670] =	vst v16  }
0x405: {  	[tilespmem:s16+$0xE5D0] =	vst v17;
	v16 =	vld.idx.msk [tilespmem:v5+s25+$0x0 ss:$0x1], $0xffff  }
0x406: {  	v17 =	vld.idx.msk [tilespmem:v4+s21+$0x0 ss:$0x1], $0xffff;
	[tilespmem:s16+$0xE5E0] =	vst v18  }
0x407: {  	[tilespmem:s16+$0xE580] =	vst v19;
	v18 =	vld.idx.msk [tilespmem:v4+s19+$0x0 ss:$0x1], $0xffff  }
0x408: {  	[tilespmem:s16+$0xE610] =	vst v20;
	v19 =	vld.idx.msk [tilespmem:v4+s20+$0x0 ss:$0x1], $0xffff  }
0x409: {  	v20 =	vld.idx.msk [tilespmem:v4+s16+$0x0 ss:$0x1], $0xffff;
	[tilespmem:s16+$0xE620] =	vst v21  }
0x40a: {  	v21 =	vld.idx.msk [tilespmem:v5+s24+$0x0 ss:$0x1], $0xffff;
	[tilespmem:s16+$0xE630] =	vst v22  }
0x40b: {  	v22 =	vld.idx.msk [tilespmem:v5+s22+$0x0 ss:$0x1], $0xffff;
	[tilespmem:s16+$0xE6F0] =	vst v16  }
0x40c: {  	[tilespmem:s16+$0xE640] =	vst v17;
	v16 =	vld.idx.msk [tilespmem:v6+s25+$0x0 ss:$0x1], $0xffff  }
0x40d: {  	v17 =	vld.idx.msk [tilespmem:v5+s23+$0x0 ss:$0x1], $0xffff;
	[tilespmem:s16+$0xE650] =	vst v18  }
0x40e: {  	v18 =	vld.idx.msk [tilespmem:v5+s21+$0x0 ss:$0x1], $0xffff;
	[tilespmem:s16+$0xE660] =	vst v19  }
0x40f: {  	[tilespmem:s16+$0xE600] =	vst v20;
	v19 =	vld.idx.msk [tilespmem:v5+s19+$0x0 ss:$0x1], $0xffff  }
0x410: {  	[tilespmem:s16+$0xE690] =	vst v21;
	v20 =	vld.idx.msk [tilespmem:v5+s20+$0x0 ss:$0x1], $0xffff  }
0x411: {  	v21 =	vld.idx.msk [tilespmem:v5+s16+$0x0 ss:$0x1], $0xffff;
	[tilespmem:s16+$0xE6A0] =	vst v22  }
0x412: {  	v22 =	vld.idx.msk [tilespmem:v6+s24+$0x0 ss:$0x1], $0xffff;
	[tilespmem:s16+$0xE770] =	vst v16  }
0x413: {  	[tilespmem:s16+$0xE6B0] =	vst v17;
	v16 =	vld.idx.msk [tilespmem:v7+s25+$0x0 ss:$0x1], $0xffff  }
0x414: {  	v17 =	vld.idx.msk [tilespmem:v6+s22+$0x0 ss:$0x1], $0xffff;
	[tilespmem:s16+$0xE6C0] =	vst v18  }
0x415: {  	v18 =	vld.idx.msk [tilespmem:v6+s23+$0x0 ss:$0x1], $0xffff;
	[tilespmem:s16+$0xE6D0] =	vst v19  }
0x416: {  	v19 =	vld.idx.msk [tilespmem:v6+s21+$0x0 ss:$0x1], $0xffff;
	[tilespmem:s16+$0xE6E0] =	vst v20  }
0x417: {  	[tilespmem:s16+$0xE680] =	vst v21;
	v20 =	vld.idx.msk [tilespmem:v6+s19+$0x0 ss:$0x1], $0xffff  }
0x418: {  	[tilespmem:s16+$0xE710] =	vst v22;
	v21 =	vld.idx.msk [tilespmem:v6+s20+$0x0 ss:$0x1], $0xffff  }
0x419: {  	v22 =	vld.idx.msk [tilespmem:v6+s16+$0x0 ss:$0x1], $0xffff;
	[tilespmem:s16+$0xE7F0] =	vst v16  }
0x41a: {  	[tilespmem:s16+$0xE720] =	vst v17;
	v16 =	vld.idx.msk [tilespmem:v8+s25+$0x0 ss:$0x1], $0xffff  }
0x41b: {  	v17 =	vld.idx.msk [tilespmem:v7+s24+$0x0 ss:$0x1], $0xffff;
	[tilespmem:s16+$0xE730] =	vst v18  }
0x41c: {  	v18 =	vld.idx.msk [tilespmem:v7+s22+$0x0 ss:$0x1], $0xffff;
	[tilespmem:s16+$0xE740] =	vst v19  }
0x41d: {  	v19 =	vld.idx.msk [tilespmem:v7+s23+$0x0 ss:$0x1], $0xffff;
	[tilespmem:s16+$0xE750] =	vst v20  }
0x41e: {  	v20 =	vld.idx.msk [tilespmem:v7+s21+$0x0 ss:$0x1], $0xffff;
	[tilespmem:s16+$0xE760] =	vst v21  }
0x41f: {  	[tilespmem:s16+$0xE700] =	vst v22;
	v21 =	vld.idx.msk [tilespmem:v7+s19+$0x0 ss:$0x1], $0xffff  }
0x420: {  	v22 =	vld.idx.msk [tilespmem:v7+s20+$0x0 ss:$0x1], $0xffff;
	[tilespmem:s16+$0x10470] =	vst v16  }
0x421: {  	[tilespmem:s16+$0xE790] =	vst v17;
	v16 =	vld.idx.msk [tilespmem:v9+s25+$0x0 ss:$0x1], $0xffff  }
0x422: {  	v17 =	vld.idx.msk [tilespmem:v7+s16+$0x0 ss:$0x1], $0xffff;
	[tilespmem:s16+$0xE7A0] =	vst v18  }
0x423: {  	v18 =	vld.idx.msk [tilespmem:v8+s24+$0x0 ss:$0x1], $0xffff;
	[tilespmem:s16+$0xE7B0] =	vst v19  }
0x424: {  	v19 =	vld.idx.msk [tilespmem:v8+s22+$0x0 ss:$0x1], $0xffff;
	[tilespmem:s16+$0xE7C0] =	vst v20  }
0x425: {  	v20 =	vld.idx.msk [tilespmem:v8+s23+$0x0 ss:$0x1], $0xffff;
	[tilespmem:s16+$0xE7D0] =	vst v21  }
0x426: {  	v21 =	vld.idx.msk [tilespmem:v8+s21+$0x0 ss:$0x1], $0xffff;
	[tilespmem:s16+$0xE7E0] =	vst v22  }
0x427: {  	v22 =	vld.idx.msk [tilespmem:v8+s19+$0x0 ss:$0x1], $0xffff;
	[tilespmem:s16+$0x104F0] =	vst v16  }
0x428: {  	[tilespmem:s16+$0xE780] =	vst v17;
	v16 =	vld.idx.msk [tilespmem:v10+s25+$0x0 ss:$0x1], $0xffff  }
0x429: {  	[tilespmem:s16+$0x10410] =	vst v18;
	v17 =	vld.idx.msk [tilespmem:v8+s20+$0x0 ss:$0x1], $0xffff  }
0x42a: {  	v18 =	vld.idx.msk [tilespmem:v8+s16+$0x0 ss:$0x1], $0xffff;
	[tilespmem:s16+$0x10420] =	vst v19  }
0x42b: {  	v19 =	vld.idx.msk [tilespmem:v9+s24+$0x0 ss:$0x1], $0xffff;
	[tilespmem:s16+$0x10430] =	vst v20  }
0x42c: {  	v20 =	vld.idx.msk [tilespmem:v9+s22+$0x0 ss:$0x1], $0xffff;
	[tilespmem:s16+$0x10440] =	vst v21  }
0x42d: {  	v21 =	vld.idx.msk [tilespmem:v9+s23+$0x0 ss:$0x1], $0xffff;
	[tilespmem:s16+$0x10450] =	vst v22  }
0x42e: {  	v22 =	vld.idx.msk [tilespmem:v9+s21+$0x0 ss:$0x1], $0xffff;
	[tilespmem:s16+$0x10570] =	vst v16  }
0x42f: {  	[tilespmem:s16+$0x10460] =	vst v17;
	v16 =	vld.idx.msk [tilespmem:v11+s25+$0x0 ss:$0x1], $0xffff  }
0x430: {  	[tilespmem:s16+$0x10400] =	vst v18;
	v17 =	vld.idx.msk [tilespmem:v9+s19+$0x0 ss:$0x1], $0xffff  }
0x431: {  	[tilespmem:s16+$0x10490] =	vst v19;
	v18 =	vld.idx.msk [tilespmem:v9+s20+$0x0 ss:$0x1], $0xffff  }
0x432: {  	v19 =	vld.idx.msk [tilespmem:v9+s16+$0x0 ss:$0x1], $0xffff;
	[tilespmem:s16+$0x104A0] =	vst v20  }
0x433: {  	v20 =	vld.idx.msk [tilespmem:v10+s24+$0x0 ss:$0x1], $0xffff;
	[tilespmem:s16+$0x104B0] =	vst v21  }
0x434: {  	v21 =	vld.idx.msk [tilespmem:v10+s22+$0x0 ss:$0x1], $0xffff;
	[tilespmem:s16+$0x104C0] =	vst v22  }
0x435: {  	v22 =	vld.idx.msk [tilespmem:v10+s23+$0x0 ss:$0x1], $0xffff;
	[tilespmem:s16+$0x105F0] =	vst v16  }
0x436: {  	[tilespmem:s16+$0x104D0] =	vst v17;
	v16 =	vld.idx.msk [tilespmem:v12+s25+$0x0 ss:$0x1], $0xffff  }
0x437: {  	v17 =	vld.idx.msk [tilespmem:v10+s21+$0x0 ss:$0x1], $0xffff;
	[tilespmem:s16+$0x104E0] =	vst v18  }
0x438: {  	[tilespmem:s16+$0x10480] =	vst v19;
	v18 =	vld.idx.msk [tilespmem:v10+s19+$0x0 ss:$0x1], $0xffff  }
0x439: {  	[tilespmem:s16+$0x10510] =	vst v20;
	v19 =	vld.idx.msk [tilespmem:v10+s20+$0x0 ss:$0x1], $0xffff  }
0x43a: {  	v20 =	vld.idx.msk [tilespmem:v10+s16+$0x0 ss:$0x1], $0xffff;
	[tilespmem:s16+$0x10520] =	vst v21  }
0x43b: {  	v21 =	vld.idx.msk [tilespmem:v11+s24+$0x0 ss:$0x1], $0xffff;
	[tilespmem:s16+$0x10530] =	vst v22  }
0x43c: {  	v22 =	vld.idx.msk [tilespmem:v11+s22+$0x0 ss:$0x1], $0xffff;
	[tilespmem:s16+$0x10670] =	vst v16  }
0x43d: {  	[tilespmem:s16+$0x10540] =	vst v17;
	v16 =	vld.idx.msk [tilespmem:v13+s25+$0x0 ss:$0x1], $0xffff  }
0x43e: {  	v17 =	vld.idx.msk [tilespmem:v11+s23+$0x0 ss:$0x1], $0xffff;
	[tilespmem:s16+$0x10550] =	vst v18  }
0x43f: {  	v18 =	vld.idx.msk [tilespmem:v11+s21+$0x0 ss:$0x1], $0xffff;
	[tilespmem:s16+$0x10560] =	vst v19  }
0x440: {  	[tilespmem:s16+$0x10500] =	vst v20;
	v19 =	vld.idx.msk [tilespmem:v11+s19+$0x0 ss:$0x1], $0xffff  }
0x441: {  	[tilespmem:s16+$0x10590] =	vst v21;
	v20 =	vld.idx.msk [tilespmem:v11+s20+$0x0 ss:$0x1], $0xffff  }
0x442: {  	v21 =	vld.idx.msk [tilespmem:v11+s16+$0x0 ss:$0x1], $0xffff;
	[tilespmem:s16+$0x105A0] =	vst v22  }
0x443: {  	v22 =	vld.idx.msk [tilespmem:v12+s24+$0x0 ss:$0x1], $0xffff;
	[tilespmem:s16+$0x106F0] =	vst v16  }
0x444: {  	[tilespmem:s16+$0x105B0] =	vst v17;
	v16 =	vld.idx.msk [tilespmem:v14+s25+$0x0 ss:$0x1], $0xffff  }
0x445: {  	v17 =	vld.idx.msk [tilespmem:v12+s22+$0x0 ss:$0x1], $0xffff;
	[tilespmem:s16+$0x105C0] =	vst v18  }
0x446: {  	v18 =	vld.idx.msk [tilespmem:v12+s23+$0x0 ss:$0x1], $0xffff;
	[tilespmem:s16+$0x105D0] =	vst v19  }
0x447: {  	v19 =	vld.idx.msk [tilespmem:v12+s21+$0x0 ss:$0x1], $0xffff;
	[tilespmem:s16+$0x105E0] =	vst v20  }
0x448: {  	[tilespmem:s16+$0x10580] =	vst v21;
	v20 =	vld.idx.msk [tilespmem:v12+s19+$0x0 ss:$0x1], $0xffff  }
0x449: {  	[tilespmem:s16+$0x10610] =	vst v22;
	v21 =	vld.idx.msk [tilespmem:v12+s20+$0x0 ss:$0x1], $0xffff  }
0x44a: {  	v22 =	vld.idx.msk [tilespmem:v12+s16+$0x0 ss:$0x1], $0xffff;
	[tilespmem:s16+$0x10770] =	vst v16  }
0x44b: {  	[tilespmem:s16+$0x10620] =	vst v17;
	v16 =	vld.idx.msk [tilespmem:v15+s25+$0x0 ss:$0x1], $0xffff  }
0x44c: {  	v17 =	vld.idx.msk [tilespmem:v13+s24+$0x0 ss:$0x1], $0xffff;
	[tilespmem:s16+$0x10630] =	vst v18  }
0x44d: {  	v18 =	vld.idx.msk [tilespmem:v13+s22+$0x0 ss:$0x1], $0xffff;
	[tilespmem:s16+$0x10640] =	vst v19  }
0x44e: {  	v19 =	vld.idx.msk [tilespmem:v13+s23+$0x0 ss:$0x1], $0xffff;
	[tilespmem:s16+$0x10650] =	vst v20  }
0x44f: {  	v20 =	vld.idx.msk [tilespmem:v13+s21+$0x0 ss:$0x1], $0xffff;
	[tilespmem:s16+$0x10660] =	vst v21  }
0x450: {  	[tilespmem:s16+$0x10600] =	vst v22;
	v21 =	vld.idx.msk [tilespmem:v13+s19+$0x0 ss:$0x1], $0xffff  }
0x451: {  	v22 =	vld.idx.msk [tilespmem:v13+s20+$0x0 ss:$0x1], $0xffff;
	[tilespmem:s16+$0x107F0] =	vst v16  }
0x452: {  	v16 =	vld.idx.msk [tilespmem:v13+s16+$0x0 ss:$0x1], $0xffff;
	[tilespmem:s16+$0x10690] =	vst v17  }
0x453: {  	v17 =	vld.idx.msk [tilespmem:v14+s24+$0x0 ss:$0x1], $0xffff;
	[tilespmem:s16+$0x106A0] =	vst v18  }
0x454: {  	v18 =	vld.idx.msk [tilespmem:v14+s22+$0x0 ss:$0x1], $0xffff;
	[tilespmem:s16+$0x106B0] =	vst v19  }
0x455: {  	v23 =	vld.idx.msk [tilespmem:v14+s23+$0x0 ss:$0x1], $0xffff;
	[tilespmem:s16+$0x106C0] =	vst v20  }
0x456: {  	v20 =	vld.idx.msk [tilespmem:v14+s21+$0x0 ss:$0x1], $0xffff;
	[tilespmem:s16+$0x106D0] =	vst v21  }
0x457: {  	v24 =	vld.idx.msk [tilespmem:v14+s19+$0x0 ss:$0x1], $0xffff;
	[tilespmem:s16+$0x106E0] =	vst v22  }
0x458: {  	[tilespmem:s16+$0x10680] =	vst v16;
	v22 =	vld.idx.msk [tilespmem:v14+s20+$0x0 ss:$0x1], $0xffff  }
0x459: {  	v25 =	vld.idx.msk [tilespmem:v14+s16+$0x0 ss:$0x1], $0xffff;
	[tilespmem:s16+$0x10710] =	vst v17  }
0x45a: {  	v21 =	vld.idx.msk [tilespmem:v15+s24+$0x0 ss:$0x1], $0xffff;
	[tilespmem:s16+$0x10720] =	vst v18  }
.Ltmp3:
0x45b: {  	v19 =	vld.idx.msk [tilespmem:v15+s22+$0x0 ss:$0x1], $0xffff;
	[tilespmem:s16+$0x10730] =	vst v23;
	(pc) =	sbr.rel @p0 .LBB2_9-.Ltmp3, $4  }
0x45c: {  	v16 =	vld.idx.msk [tilespmem:v15+s23+$0x0 ss:$0x1], $0xffff;
	[tilespmem:s16+$0x10740] =	vst v20  }
0x45d: {  	v17 =	vld.idx.msk [tilespmem:v15+s21+$0x0 ss:$0x1], $0xffff;
	[tilespmem:s16+$0x10750] =	vst v24  }
0x45e: {  	v18 =	vld.idx.msk [tilespmem:v15+s19+$0x0 ss:$0x1], $0xffff;
	[tilespmem:s16+$0x10760] =	vst v22  }
0x45f: {  	s18 =	sadd.s32 $0x8, s18;
	[tilespmem:s16+$0x10700] =	vst v25;
	v20 =	vld.idx.msk [tilespmem:v15+s20+$0x0 ss:$0x1], $0xffff  }
0x460: {  	_ =	sdelay $0x2  }
0x461: {  	[tilespmem:s16+$0x10790] =	vst v21  }
0x462: {  	v0 =	vld.idx.msk [tilespmem:v15+s16+$0x0 ss:$0x1], $0xffff;
	[tilespmem:s16+$0x107A0] =	vst v19;
	s15 =	sadd.s32 $0x1, s15  }
0x463: {  	[tilespmem:s16+$0x107B0] =	vst v16;
	p0 =	sne.s32 s15, $0x10  }
.Ltmp4:
0x464: {  	[tilespmem:s16+$0x107C0] =	vst v17;
	(pc) =	sbr.rel @p0 .LBB2_2-.Ltmp4, $4  }
0x465: {  	s17 =	sadd.s32 s5, s17;
	[tilespmem:s16+$0x107D0] =	vst v18  }
0x466: {  	s17 =	sshll.u32 s17, $0x7;
	[tilespmem:s16+$0x107E0] =	vst v20  }
0x467: {  	s31 =	sadd.s32 s3, s17;
	[tilespmem:s16+$0x10780] =	vst v0  }
0x468: {  	[hbm4b:s31+s4] =	stream.linear.scatter [tilespmem:s11], [sflag:$0x2], $0x8000, $0x38;
	[tilespmem:$0x12400] =	vst v63  }
0x469: {  	s14 =	sadd.s32 $0x1, s14  }
0x46a: {  	_ =	swait.ge [sflag:s12], $0x8000;
	p0 =	sne.s32 s14, s7  }
.Ltmp5:
0x46b: {  	[sflag:s12] =	ssyncset.done $0x0;
	(pc) =	sbr.rel @p0 .LBB2_1-.Ltmp5, $4  }
0x46c: {  	[sflag:s12] =	ssyncadd.s32 $0xFFFF8000  }
0x46d: {  	_ =	swait.ge [sflag:s13], $0x8000  }
0x46e: {  	[sflag:s13] =	ssyncset.done $0x0  }
0x46f: {  	[sflag:s13] =	ssyncadd.s32 $0xFFFF8000  }
0x470: {  	_ =	sfence.sel $0x180000  }
0x471: {  	[bflag:$0x0] =	sbarrier.arrive $0xFFFF  }
0x472: {  	p0 =	sne.s32 s1, $0x0;
	_ =	strace $0x90000047  }
0x473: {  	s0 =	sadd.s32 @!p0 $0x100000, s0;
	[bflag:$0x2] =	sbarrier.arrive $0xFFFF  }
0x474: {  	[sflag:s0] =	ssyncadd.tile.s32 @!p0 $0x1;
	_ =	shalt  }
.Lfunc_end2:
_tile_overlayer_lowered:
.L_overlay_start_2:
0x475: {  	(tag) =	ssettag $0x2  }
0x476: {  	s0 =	rddreg [dreg:$0x0];
	s2 =	stileid.u32  }
0x477: {  	s1 =	rddreg [dreg:$0x1];
	p0 =	sne.s32 s2, $0x0  }
0x478: {  	s3 =	rddreg [dreg:$0x2];
	[bflag:$0x3] =	sbarrier.arrive $0xFFFF;
	s2 =	simm.s32 @!p0 $0x1C03  }
0x479: {  	[timem:s3], [sflag:s2] =	dma.local @!p0 [hbm:s0], s1  }
0x47a: {  	s0 =	simm.s32 @!p0 $0x3  }
0x47b: {  	_ =	swait.ge @!p0 [sflag:s0], s1  }
0x47c: {  	s1 =	ssub.s32 @!p0 $0x0, s1;
	[sflag:s0] =	ssyncset.done @!p0 $0x0  }
0x47d: {  	[sflag:s0] =	ssyncadd.s32 @!p0 s1  }
0x47e: {  	[bflag:$0x3] =	sbarrier.arrive $0xFFFF  }
0x47f: {  	_ =	shalt  }

</sc_bundles>
